<compile_context>
chip_gen: v7x
topology: tpu7x:2x2x1
jax: 0.10.2.dev20260603
libtpu: 0.0.44.dev20260713+nightly
codegen_flags: <defaults>
</compile_context>

<pallas_src>
import functools

import jax
import jax.numpy as jnp
from jax import lax
from jax.experimental import pallas as pl
from jax.experimental.pallas import tpu as pltpu
from jax.experimental.pallas import tpu_sc as plsc

_K = 10
_REG = 1e-6
_N = 2048
_DIN = 128
_DLAT = 32


_B1 = 512


def _knn_body(xblk_ref, xfull_ref, zblk_ref, out_ref, zp_ref, d_ref):
    xb = xblk_ref[...]
    xf = xfull_ref[...]
    zp_ref[:, : _DLAT] = zblk_ref[...]
    zp_ref[:, _DLAT:] = jnp.zeros((_B1, _DIN - _DLAT), dtype=jnp.float32)
    dot = lax.dot_general(
        xb, xf, (((1,), (1,)), ((), ())), preferred_element_type=jnp.float32
    )
    sqf = jnp.sum(xf * xf, axis=1)
    sqb = jnp.sum(xb * xb, axis=1)
    d_ref[...] = sqb[:, None] + sqf[None, :] - 2.0 * dot

    ci = lax.broadcasted_iota(jnp.int32, (_B1, _N), 1)
    ihalf = lax.broadcasted_iota(jnp.int32, (_B1, _N // 2), 1)
    out = jnp.zeros((16, _B1), dtype=jnp.int32)
    r16 = lax.broadcasted_iota(jnp.int32, (16, _B1), 0)
    for t in range(_K + 1):
        dcur = d_ref[...]
        half = _N // 2
        cc = dcur[:, :half] <= dcur[:, half:]
        v = jnp.where(cc, dcur[:, :half], dcur[:, half:])
        ii = jnp.where(cc, ihalf, ihalf + half)
        while half > 128:
            half //= 2
            cc = v[:, :half] <= v[:, half:]
            v = jnp.where(cc, v[:, :half], v[:, half:])
            ii = jnp.where(cc, ii[:, :half], ii[:, half:])
        m = jnp.min(v, axis=1, keepdims=True)
        cand = jnp.where(v == m, ii, _N * 4)
        idx = jnp.min(cand, axis=1)
        out = jnp.where(r16 == t, idx[None, :], out)
        if t < _K:
            d_ref[...] = jnp.where(ci == idx[:, None], 3.0e38, dcur)
    out_ref[...] = out


def _knn_call(X, Z):
    grid = _N // _B1
    return pl.pallas_call(
        _knn_body,
        grid=(grid,),
        in_specs=[
            pl.BlockSpec((_B1, _DIN), lambda i: (i, 0)),
            pl.BlockSpec((_N, _DIN), lambda i: (0, 0)),
            pl.BlockSpec((_B1, _DLAT), lambda i: (i, 0)),
        ],
        out_specs=[
            pl.BlockSpec((16, _B1), lambda i: (0, i)),
            pl.BlockSpec((_B1, _DIN), lambda i: (i, 0)),
        ],
        out_shape=[
            jax.ShapeDtypeStruct((16, _N), jnp.int32),
            jax.ShapeDtypeStruct((_N, _DIN), jnp.float32),
        ],
        scratch_shapes=[pltpu.VMEM((_B1, _N), jnp.float32)],
    )(X, X, Z)




def _sc_gather(X, Zp, idx):
    b = _N * _K
    nw = 32
    bpw = b // nw
    mesh = plsc.VectorSubcoreMesh(core_axis_name="c", subcore_axis_name="s")

    ch = bpw // 2

    @functools.partial(
        pl.kernel,
        mesh=mesh,
        out_type=(
            jax.ShapeDtypeStruct((b, _DIN), jnp.float32),
            jax.ShapeDtypeStruct((b, _DIN), jnp.float32),
        ),
        scratch_types=[
            pltpu.VMEM((bpw,), jnp.int32),
            pltpu.VMEM((ch, _DIN), jnp.float32),
            pltpu.VMEM((ch, _DIN), jnp.float32),
            pltpu.VMEM_SHARED((_N, _DIN), jnp.float32),
            pltpu.VMEM_SHARED((_N, _DIN), jnp.float32),
            pltpu.SemaphoreType.DMA,
            pltpu.SemaphoreType.DMA,
        ],
    )
    def k(x_hbm, zp_hbm, idx_hbm, xn_hbm, zn_hbm, idx_v, xr_v, zr_v, xs, zs, sx, sz):
        wid = lax.axis_index("s") * 2 + lax.axis_index("c")
        base = wid * bpw
        @pl.when(lax.axis_index("s") == 0)
        def _():
            pltpu.sync_copy(x_hbm, xs)
            pltpu.sync_copy(zp_hbm, zs)

        pltpu.sync_copy(idx_hbm.at[pl.ds(_N + base, bpw)], idx_v)
        plsc.subcore_barrier()
        for c in range(2):
            sub = idx_v.at[pl.ds(c * ch, ch)]
            cx = pltpu.async_copy(xs.at[sub], xr_v, sx)
            cz = pltpu.async_copy(zs.at[sub], zr_v, sz)
            cx.wait()
            pltpu.sync_copy(xr_v, xn_hbm.at[pl.ds(base + c * ch, ch)])
            cz.wait()
            pltpu.sync_copy(zr_v, zn_hbm.at[pl.ds(base + c * ch, ch)])

    return k(X, Zp, idx)



_B3 = 256


def _solve_body(x_ref, z_ref, xn_ref, zn_ref, out_ref):
    i = pl.program_id(0)
    xb = x_ref[...]

    eye = jnp.float32(1.0) * (
        lax.broadcasted_iota(jnp.int32, (_B3, _B3), 0)
        == lax.broadcasted_iota(jnp.int32, (_B3, _B3), 1)
    )

    def tr(a):
        return lax.dot_general(
            a, eye, (((0,), (0,)), ((), ())), preferred_element_type=jnp.float32
        )

    zbt = tr(z_ref[...])
    xbt = tr(xb)
    diffs = [tr(xn_ref[a]) - xbt for a in range(_K)]

    c = {}
    for a in range(_K):
        for bq in range(a, _K):
            p = jnp.sum(diffs[a] * diffs[bq], axis=0)
            c[(a, bq)] = p + _REG if a == bq else p

    rhs = [jnp.ones((_B3,), dtype=jnp.float32) for _ in range(_K)]

    for kk in range(_K):
        inv = 1.0 / c[(kk, kk)]
        for j in range(kk + 1, _K):
            f = c[(kk, j)] * inv
            for l in range(j, _K):
                c[(j, l)] = c[(j, l)] - f * c[(kk, l)]
            rhs[j] = rhs[j] - f * rhs[kk]

    w = [None] * _K
    for j in range(_K - 1, -1, -1):
        acc = rhs[j]
        for l in range(j + 1, _K):
            acc = acc - c[(j, l)] * w[l]
        w[j] = acc / c[(j, j)]

    s = w[0]
    for j in range(1, _K):
        s = s + w[j]
    sinv = 1.0 / s

    recon = jnp.zeros((_DLAT, _B3), dtype=jnp.float32)
    for kk in range(_K):
        recon = recon + (w[kk] * sinv)[None, :] * tr(zn_ref[kk])[: _DLAT, :]

    partial = jnp.sum((recon - zbt) ** 2)

    @pl.when(i == 0)
    def _():
        out_ref[0, 0] = 0.0

    out_ref[0, 0] += partial


def _solve_call(X, Z, Xn3, Zn3):
    grid = _N // _B3
    return pl.pallas_call(
        _solve_body,
        grid=(grid,),
        in_specs=[
            pl.BlockSpec((_B3, _DIN), lambda i: (i, 0)),
            pl.BlockSpec((_B3, _DLAT), lambda i: (i, 0)),
            pl.BlockSpec((_K, _B3, _DIN), lambda i: (0, i, 0)),
            pl.BlockSpec((_K, _B3, _DIN), lambda i: (0, i, 0)),
        ],
        out_specs=pl.BlockSpec((1, 1), lambda i: (0, 0), memory_space=pltpu.SMEM),
        out_shape=jax.ShapeDtypeStruct((1, 1), jnp.float32),
    )(X, Z, Xn3, Zn3)




def kernel(X, Z):
    knn, Zp = _knn_call(X, Z)
    idx_flat = jnp.reshape(knn, (-1,))
    Xn, Zn = _sc_gather(X, Zp, idx_flat)
    Xn3 = jnp.reshape(Xn, (_K, _N, _DIN))
    Zn3 = jnp.reshape(Zn, (_K, _N, _DIN))
    ssum = _solve_call(X, Z, Xn3, Zn3)
    return ssum[0, 0] * (1.0 / (_N * _DLAT))

# --- scband reference (transcript-rebuilt; emitter-appended) ---
"""Pipeline reference for scband-lleloss-5634997093006 (READ-ONLY COPY).

The authoritative reference and input builder live on the scoring server;
editing this copy changes nothing except your own understanding.
"""

import jax, jax.numpy as jnp
import numpy as np

K = 10
REG = 1e-06


def setup_inputs(seed: int = 0) -> dict:
    key = jax.random.key(seed)
    k1, k2 = jax.random.split(key)
    X = jax.random.normal(k1, (2048, 128), dtype=jnp.float32)
    Z = jax.random.normal(k2, (2048, 32), dtype=jnp.float32)
    return {"X": X, "Z": Z}


def reference(X, Z):
    # pairwise squared euclidean distances (sqrt is monotone, so kNN indices
    # are identical to those from torch.cdist)
    sq = jnp.sum(X * X, axis=1)
    D2 = sq[:, None] + sq[None, :] - 2.0 * (X @ X.T)
    # k+1 smallest distances == k+1 largest of -D2
    _, knn = jax.lax.top_k(-D2, K + 1)
    neighbors = knn[:, 1:]  # drop self
    I = jnp.eye(K, dtype=X.dtype)
    ones = jnp.ones((K,), dtype=X.dtype)

    def solve_w(xi, nbr):
        Xj = X[nbr]                      # (K, d_in) gather
        diff = Xj - xi[None, :]
        C = diff @ diff.T + REG * I      # (K, K) local Gram
        w = jnp.linalg.solve(C, ones)
        return w / jnp.sum(w)

    W = jax.vmap(solve_w)(X, neighbors)  # (n, K)
    Z_neigh = Z[neighbors]               # (n, K, d_lat) gather
    Z_recon = jnp.sum(W[:, :, None] * Z_neigh, axis=1)
    return jnp.mean((Z_recon - Z) ** 2)

if __name__ == "__main__":
    import jax
    _d = setup_inputs()
    print(jax.jit(kernel)(*tuple(_d.values())))

</pallas_src>

<mosaic_0001>
#map = affine_map<(d0, d1) -> (0, 0)>
#map1 = affine_map<(d0, d1) -> (0)>
module attributes {stable_mosaic.version = 14 : i64} {
  func.func @k(%arg0: i32, %arg1: i32, %arg2: memref<2048x128xf32, #tpu.memory_space<hbm>>, %arg3: memref<2048x128xf32, #tpu.memory_space<hbm>>, %arg4: memref<32768xi32, #tpu.memory_space<hbm>>, %arg5: memref<20480x128xf32, #tpu.memory_space<hbm>>, %arg6: memref<20480x128xf32, #tpu.memory_space<hbm>>, %arg7: memref<640xi32, #tpu.memory_space<vmem>>, %arg8: memref<320x128xf32, #tpu.memory_space<vmem>>, %arg9: memref<320x128xf32, #tpu.memory_space<vmem>>, %arg10: memref<2048x128xf32, #tpu.memory_space<vmem_shared>>, %arg11: memref<2048x128xf32, #tpu.memory_space<vmem_shared>>, %arg12: memref<!tpu.dma_semaphore, #tpu.memory_space<semaphore_mem>>, %arg13: memref<!tpu.dma_semaphore, #tpu.memory_space<semaphore_mem>>) attributes {dimension_semantics = [#tpu.dimension_semantics<core_parallel>, #tpu.dimension_semantics<subcore_parallel>], iteration_bounds = array<i64: 2, 16>, scalar_prefetch = 0 : i64, scratch_operands = 7 : i64, tpu.core_type = #tpu.core_type<sc_vector_subcore>, window_params = [{transform_indices = #map}, {transform_indices = #map}, {transform_indices = #map1}, {transform_indices = #map}, {transform_indices = #map}]} {
    %mul3A = arith.constant 2 : i32
    %mul3A_0 = arith.muli %arg1, %mul3A : i32
    %add3A = arith.addi %mul3A_0, %arg0 : i32
    %mul3A_1 = arith.constant 640 : i32
    %mul3A_2 = arith.muli %add3A, %mul3A_1 : i32
    %eq3A = arith.constant 0 : i32
    %eq3A_3 = arith.cmpi eq, %arg1, %eq3A : i32
    %convert_element_type3A = arith.extui %eq3A_3 : i1 to i32
    %cond3A = arith.constant 0 : i32
    %cond3A_4 = arith.cmpi ne, %convert_element_type3A, %cond3A : i32
    scf.if %cond3A_4 {
      "tpu.region"() ({
        %run_scoped3A = tpu.sem_alloc : memref<!tpu.dma_semaphore, #tpu.memory_space<semaphore_mem>>
        tpu.enqueue_dma source(%arg2 : memref<2048x128xf32, #tpu.memory_space<hbm>>) target(%arg10 : memref<2048x128xf32, #tpu.memory_space<vmem_shared>>) target_semaphore(%run_scoped3A : memref<!tpu.dma_semaphore, #tpu.memory_space<semaphore_mem>>)
        tpu.wait_dma2 semaphore(%run_scoped3A : memref<!tpu.dma_semaphore, #tpu.memory_space<semaphore_mem>>) src(%arg2 : memref<2048x128xf32, #tpu.memory_space<hbm>>) dst(%arg10 : memref<2048x128xf32, #tpu.memory_space<vmem_shared>>)
        tpu.yield
      }) : () -> ()
      "tpu.region"() ({
        %run_scoped3A = tpu.sem_alloc : memref<!tpu.dma_semaphore, #tpu.memory_space<semaphore_mem>>
        tpu.enqueue_dma source(%arg3 : memref<2048x128xf32, #tpu.memory_space<hbm>>) target(%arg11 : memref<2048x128xf32, #tpu.memory_space<vmem_shared>>) target_semaphore(%run_scoped3A : memref<!tpu.dma_semaphore, #tpu.memory_space<semaphore_mem>>)
        tpu.wait_dma2 semaphore(%run_scoped3A : memref<!tpu.dma_semaphore, #tpu.memory_space<semaphore_mem>>) src(%arg3 : memref<2048x128xf32, #tpu.memory_space<hbm>>) dst(%arg11 : memref<2048x128xf32, #tpu.memory_space<vmem_shared>>)
        tpu.yield
      }) : () -> ()
    } else {
    }
    %add3A_5 = arith.constant 2048 : i32
    %add3A_6 = arith.addi %add3A_5, %mul3A_2 : i32
    "tpu.region"() ({
      %run_scoped3A = tpu.sem_alloc : memref<!tpu.dma_semaphore, #tpu.memory_space<semaphore_mem>>
      %dma_start3A_53 = tpu.memref_slice %arg4[%add3A_6] : memref<32768xi32, #tpu.memory_space<hbm>> -> memref<640xi32, #tpu.memory_space<hbm>>
      %dma_start3A_54 = tpu.memref_slice %arg4[%add3A_6] : memref<32768xi32, #tpu.memory_space<hbm>> -> memref<640xi32, #tpu.memory_space<hbm>>
      tpu.enqueue_dma source(%dma_start3A_54 : memref<640xi32, #tpu.memory_space<hbm>>) target(%arg7 : memref<640xi32, #tpu.memory_space<vmem>>) target_semaphore(%run_scoped3A : memref<!tpu.dma_semaphore, #tpu.memory_space<semaphore_mem>>)
      %dma_wait3A_55 = tpu.memref_slice %arg4[%add3A_6] : memref<32768xi32, #tpu.memory_space<hbm>> -> memref<640xi32, #tpu.memory_space<hbm>>
      %dma_wait3A_56 = tpu.memref_slice %arg4[%add3A_6] : memref<32768xi32, #tpu.memory_space<hbm>> -> memref<640xi32, #tpu.memory_space<hbm>>
      tpu.wait_dma2 semaphore(%run_scoped3A : memref<!tpu.dma_semaphore, #tpu.memory_space<semaphore_mem>>) src(%dma_wait3A_56 : memref<640xi32, #tpu.memory_space<hbm>>) dst(%arg7 : memref<640xi32, #tpu.memory_space<vmem>>)
      tpu.yield
    }) : () -> ()
    %barrier3A = arith.constant 0 : index
    tpu.barrier barrier_id(%barrier3A)
    %dma_start3A = arith.constant 0 : i32
    %dma_start3A_7 = tpu.memref_slice %arg7[%dma_start3A] : memref<640xi32, #tpu.memory_space<vmem>> -> memref<320xi32, #tpu.memory_space<vmem>>
    %dma_start3A_8 = arith.constant 0 : i32
    %dma_start3A_9 = arith.constant 0 : i32
    %dma_start3A_10 = tpu.memref_slice %arg10[%dma_start3A_8, %dma_start3A_9] : memref<2048x128xf32, #tpu.memory_space<vmem_shared>> -> memref<2048x128xf32, #tpu.memory_space<vmem_shared>>
    tpu.enqueue_indirect_dma source(%dma_start3A_10 : memref<2048x128xf32, #tpu.memory_space<vmem_shared>>) target(%arg8 : memref<320x128xf32, #tpu.memory_space<vmem>>) offsets(%dma_start3A_7 : memref<320xi32, #tpu.memory_space<vmem>>) semaphore(%arg12 : memref<!tpu.dma_semaphore, #tpu.memory_space<semaphore_mem>>)
    %dma_start3A_11 = arith.constant 0 : i32
    %dma_start3A_12 = tpu.memref_slice %arg7[%dma_start3A_11] : memref<640xi32, #tpu.memory_space<vmem>> -> memref<320xi32, #tpu.memory_space<vmem>>
    %dma_start3A_13 = arith.constant 0 : i32
    %dma_start3A_14 = arith.constant 0 : i32
    %dma_start3A_15 = tpu.memref_slice %arg11[%dma_start3A_13, %dma_start3A_14] : memref<2048x128xf32, #tpu.memory_space<vmem_shared>> -> memref<2048x128xf32, #tpu.memory_space<vmem_shared>>
    tpu.enqueue_indirect_dma source(%dma_start3A_15 : memref<2048x128xf32, #tpu.memory_space<vmem_shared>>) target(%arg9 : memref<320x128xf32, #tpu.memory_space<vmem>>) offsets(%dma_start3A_12 : memref<320xi32, #tpu.memory_space<vmem>>) semaphore(%arg13 : memref<!tpu.dma_semaphore, #tpu.memory_space<semaphore_mem>>)
    %dma_wait3A = arith.constant 0 : i32
    %dma_wait3A_16 = tpu.memref_slice %arg7[%dma_wait3A] : memref<640xi32, #tpu.memory_space<vmem>> -> memref<320xi32, #tpu.memory_space<vmem>>
    %dma_wait3A_17 = arith.constant 0 : i32
    %dma_wait3A_18 = arith.constant 0 : i32
    %dma_wait3A_19 = tpu.memref_slice %arg10[%dma_wait3A_17, %dma_wait3A_18] : memref<2048x128xf32, #tpu.memory_space<vmem_shared>> -> memref<2048x128xf32, #tpu.memory_space<vmem_shared>>
    tpu.wait_indirect_dma semaphore(%arg12 : memref<!tpu.dma_semaphore, #tpu.memory_space<semaphore_mem>>) src(%dma_wait3A_19 : memref<2048x128xf32, #tpu.memory_space<vmem_shared>>) dst(%arg8 : memref<320x128xf32, #tpu.memory_space<vmem>>)
    %add3A_20 = arith.constant 0 : i32
    %add3A_21 = arith.addi %mul3A_2, %add3A_20 : i32
    "tpu.region"() ({
      %run_scoped3A = tpu.sem_alloc : memref<!tpu.dma_semaphore, #tpu.memory_space<semaphore_mem>>
      %dma_start3A_53 = arith.constant 0 : i32
      %dma_start3A_54 = tpu.memref_slice %arg5[%add3A_21, %dma_start3A_53] : memref<20480x128xf32, #tpu.memory_space<hbm>> -> memref<320x128xf32, #tpu.memory_space<hbm>>
      %dma_start3A_55 = arith.constant 0 : i32
      %dma_start3A_56 = tpu.memref_slice %arg5[%add3A_21, %dma_start3A_55] : memref<20480x128xf32, #tpu.memory_space<hbm>> -> memref<320x128xf32, #tpu.memory_space<hbm>>
      tpu.enqueue_dma source(%arg8 : memref<320x128xf32, #tpu.memory_space<vmem>>) target(%dma_start3A_56 : memref<320x128xf32, #tpu.memory_space<hbm>>) target_semaphore(%run_scoped3A : memref<!tpu.dma_semaphore, #tpu.memory_space<semaphore_mem>>)
      %dma_wait3A_57 = arith.constant 0 : i32
      %dma_wait3A_58 = tpu.memref_slice %arg5[%add3A_21, %dma_wait3A_57] : memref<20480x128xf32, #tpu.memory_space<hbm>> -> memref<320x128xf32, #tpu.memory_space<hbm>>
      %dma_wait3A_59 = arith.constant 0 : i32
      %dma_wait3A_60 = tpu.memref_slice %arg5[%add3A_21, %dma_wait3A_59] : memref<20480x128xf32, #tpu.memory_space<hbm>> -> memref<320x128xf32, #tpu.memory_space<hbm>>
      tpu.wait_dma2 semaphore(%run_scoped3A : memref<!tpu.dma_semaphore, #tpu.memory_space<semaphore_mem>>) src(%arg8 : memref<320x128xf32, #tpu.memory_space<vmem>>) dst(%dma_wait3A_60 : memref<320x128xf32, #tpu.memory_space<hbm>>)
      tpu.yield
    }) : () -> ()
    %dma_wait3A_22 = arith.constant 0 : i32
    %dma_wait3A_23 = tpu.memref_slice %arg7[%dma_wait3A_22] : memref<640xi32, #tpu.memory_space<vmem>> -> memref<320xi32, #tpu.memory_space<vmem>>
    %dma_wait3A_24 = arith.constant 0 : i32
    %dma_wait3A_25 = arith.constant 0 : i32
    %dma_wait3A_26 = tpu.memref_slice %arg11[%dma_wait3A_24, %dma_wait3A_25] : memref<2048x128xf32, #tpu.memory_space<vmem_shared>> -> memref<2048x128xf32, #tpu.memory_space<vmem_shared>>
    tpu.wait_indirect_dma semaphore(%arg13 : memref<!tpu.dma_semaphore, #tpu.memory_space<semaphore_mem>>) src(%dma_wait3A_26 : memref<2048x128xf32, #tpu.memory_space<vmem_shared>>) dst(%arg9 : memref<320x128xf32, #tpu.memory_space<vmem>>)
    %add3A_27 = arith.constant 0 : i32
    %add3A_28 = arith.addi %mul3A_2, %add3A_27 : i32
    "tpu.region"() ({
      %run_scoped3A = tpu.sem_alloc : memref<!tpu.dma_semaphore, #tpu.memory_space<semaphore_mem>>
      %dma_start3A_53 = arith.constant 0 : i32
      %dma_start3A_54 = tpu.memref_slice %arg6[%add3A_28, %dma_start3A_53] : memref<20480x128xf32, #tpu.memory_space<hbm>> -> memref<320x128xf32, #tpu.memory_space<hbm>>
      %dma_start3A_55 = arith.constant 0 : i32
      %dma_start3A_56 = tpu.memref_slice %arg6[%add3A_28, %dma_start3A_55] : memref<20480x128xf32, #tpu.memory_space<hbm>> -> memref<320x128xf32, #tpu.memory_space<hbm>>
      tpu.enqueue_dma source(%arg9 : memref<320x128xf32, #tpu.memory_space<vmem>>) target(%dma_start3A_56 : memref<320x128xf32, #tpu.memory_space<hbm>>) target_semaphore(%run_scoped3A : memref<!tpu.dma_semaphore, #tpu.memory_space<semaphore_mem>>)
      %dma_wait3A_57 = arith.constant 0 : i32
      %dma_wait3A_58 = tpu.memref_slice %arg6[%add3A_28, %dma_wait3A_57] : memref<20480x128xf32, #tpu.memory_space<hbm>> -> memref<320x128xf32, #tpu.memory_space<hbm>>
      %dma_wait3A_59 = arith.constant 0 : i32
      %dma_wait3A_60 = tpu.memref_slice %arg6[%add3A_28, %dma_wait3A_59] : memref<20480x128xf32, #tpu.memory_space<hbm>> -> memref<320x128xf32, #tpu.memory_space<hbm>>
      tpu.wait_dma2 semaphore(%run_scoped3A : memref<!tpu.dma_semaphore, #tpu.memory_space<semaphore_mem>>) src(%arg9 : memref<320x128xf32, #tpu.memory_space<vmem>>) dst(%dma_wait3A_60 : memref<320x128xf32, #tpu.memory_space<hbm>>)
      tpu.yield
    }) : () -> ()
    %dma_start3A_29 = arith.constant 320 : i32
    %dma_start3A_30 = tpu.memref_slice %arg7[%dma_start3A_29] : memref<640xi32, #tpu.memory_space<vmem>> -> memref<320xi32, #tpu.memory_space<vmem>>
    %dma_start3A_31 = arith.constant 0 : i32
    %dma_start3A_32 = arith.constant 0 : i32
    %dma_start3A_33 = tpu.memref_slice %arg10[%dma_start3A_31, %dma_start3A_32] : memref<2048x128xf32, #tpu.memory_space<vmem_shared>> -> memref<2048x128xf32, #tpu.memory_space<vmem_shared>>
    tpu.enqueue_indirect_dma source(%dma_start3A_33 : memref<2048x128xf32, #tpu.memory_space<vmem_shared>>) target(%arg8 : memref<320x128xf32, #tpu.memory_space<vmem>>) offsets(%dma_start3A_30 : memref<320xi32, #tpu.memory_space<vmem>>) semaphore(%arg12 : memref<!tpu.dma_semaphore, #tpu.memory_space<semaphore_mem>>)
    %dma_start3A_34 = arith.constant 320 : i32
    %dma_start3A_35 = tpu.memref_slice %arg7[%dma_start3A_34] : memref<640xi32, #tpu.memory_space<vmem>> -> memref<320xi32, #tpu.memory_space<vmem>>
    %dma_start3A_36 = arith.constant 0 : i32
    %dma_start3A_37 = arith.constant 0 : i32
    %dma_start3A_38 = tpu.memref_slice %arg11[%dma_start3A_36, %dma_start3A_37] : memref<2048x128xf32, #tpu.memory_space<vmem_shared>> -> memref<2048x128xf32, #tpu.memory_space<vmem_shared>>
    tpu.enqueue_indirect_dma source(%dma_start3A_38 : memref<2048x128xf32, #tpu.memory_space<vmem_shared>>) target(%arg9 : memref<320x128xf32, #tpu.memory_space<vmem>>) offsets(%dma_start3A_35 : memref<320xi32, #tpu.memory_space<vmem>>) semaphore(%arg13 : memref<!tpu.dma_semaphore, #tpu.memory_space<semaphore_mem>>)
    %dma_wait3A_39 = arith.constant 320 : i32
    %dma_wait3A_40 = tpu.memref_slice %arg7[%dma_wait3A_39] : memref<640xi32, #tpu.memory_space<vmem>> -> memref<320xi32, #tpu.memory_space<vmem>>
    %dma_wait3A_41 = arith.constant 0 : i32
    %dma_wait3A_42 = arith.constant 0 : i32
    %dma_wait3A_43 = tpu.memref_slice %arg10[%dma_wait3A_41, %dma_wait3A_42] : memref<2048x128xf32, #tpu.memory_space<vmem_shared>> -> memref<2048x128xf32, #tpu.memory_space<vmem_shared>>
    tpu.wait_indirect_dma semaphore(%arg12 : memref<!tpu.dma_semaphore, #tpu.memory_space<semaphore_mem>>) src(%dma_wait3A_43 : memref<2048x128xf32, #tpu.memory_space<vmem_shared>>) dst(%arg8 : memref<320x128xf32, #tpu.memory_space<vmem>>)
    %add3A_44 = arith.constant 320 : i32
    %add3A_45 = arith.addi %mul3A_2, %add3A_44 : i32
    "tpu.region"() ({
      %run_scoped3A = tpu.sem_alloc : memref<!tpu.dma_semaphore, #tpu.memory_space<semaphore_mem>>
      %dma_start3A_53 = arith.constant 0 : i32
      %dma_start3A_54 = tpu.memref_slice %arg5[%add3A_45, %dma_start3A_53] : memref<20480x128xf32, #tpu.memory_space<hbm>> -> memref<320x128xf32, #tpu.memory_space<hbm>>
      %dma_start3A_55 = arith.constant 0 : i32
      %dma_start3A_56 = tpu.memref_slice %arg5[%add3A_45, %dma_start3A_55] : memref<20480x128xf32, #tpu.memory_space<hbm>> -> memref<320x128xf32, #tpu.memory_space<hbm>>
      tpu.enqueue_dma source(%arg8 : memref<320x128xf32, #tpu.memory_space<vmem>>) target(%dma_start3A_56 : memref<320x128xf32, #tpu.memory_space<hbm>>) target_semaphore(%run_scoped3A : memref<!tpu.dma_semaphore, #tpu.memory_space<semaphore_mem>>)
      %dma_wait3A_57 = arith.constant 0 : i32
      %dma_wait3A_58 = tpu.memref_slice %arg5[%add3A_45, %dma_wait3A_57] : memref<20480x128xf32, #tpu.memory_space<hbm>> -> memref<320x128xf32, #tpu.memory_space<hbm>>
      %dma_wait3A_59 = arith.constant 0 : i32
      %dma_wait3A_60 = tpu.memref_slice %arg5[%add3A_45, %dma_wait3A_59] : memref<20480x128xf32, #tpu.memory_space<hbm>> -> memref<320x128xf32, #tpu.memory_space<hbm>>
      tpu.wait_dma2 semaphore(%run_scoped3A : memref<!tpu.dma_semaphore, #tpu.memory_space<semaphore_mem>>) src(%arg8 : memref<320x128xf32, #tpu.memory_space<vmem>>) dst(%dma_wait3A_60 : memref<320x128xf32, #tpu.memory_space<hbm>>)
      tpu.yield
    }) : () -> ()
    %dma_wait3A_46 = arith.constant 320 : i32
    %dma_wait3A_47 = tpu.memref_slice %arg7[%dma_wait3A_46] : memref<640xi32, #tpu.memory_space<vmem>> -> memref<320xi32, #tpu.memory_space<vmem>>
    %dma_wait3A_48 = arith.constant 0 : i32
    %dma_wait3A_49 = arith.constant 0 : i32
    %dma_wait3A_50 = tpu.memref_slice %arg11[%dma_wait3A_48, %dma_wait3A_49] : memref<2048x128xf32, #tpu.memory_space<vmem_shared>> -> memref<2048x128xf32, #tpu.memory_space<vmem_shared>>
    tpu.wait_indirect_dma semaphore(%arg13 : memref<!tpu.dma_semaphore, #tpu.memory_space<semaphore_mem>>) src(%dma_wait3A_50 : memref<2048x128xf32, #tpu.memory_space<vmem_shared>>) dst(%arg9 : memref<320x128xf32, #tpu.memory_space<vmem>>)
    %add3A_51 = arith.constant 320 : i32
    %add3A_52 = arith.addi %mul3A_2, %add3A_51 : i32
    "tpu.region"() ({
      %run_scoped3A = tpu.sem_alloc : memref<!tpu.dma_semaphore, #tpu.memory_space<semaphore_mem>>
      %dma_start3A_53 = arith.constant 0 : i32
      %dma_start3A_54 = tpu.memref_slice %arg6[%add3A_52, %dma_start3A_53] : memref<20480x128xf32, #tpu.memory_space<hbm>> -> memref<320x128xf32, #tpu.memory_space<hbm>>
      %dma_start3A_55 = arith.constant 0 : i32
      %dma_start3A_56 = tpu.memref_slice %arg6[%add3A_52, %dma_start3A_55] : memref<20480x128xf32, #tpu.memory_space<hbm>> -> memref<320x128xf32, #tpu.memory_space<hbm>>
      tpu.enqueue_dma source(%arg9 : memref<320x128xf32, #tpu.memory_space<vmem>>) target(%dma_start3A_56 : memref<320x128xf32, #tpu.memory_space<hbm>>) target_semaphore(%run_scoped3A : memref<!tpu.dma_semaphore, #tpu.memory_space<semaphore_mem>>)
      %dma_wait3A_57 = arith.constant 0 : i32
      %dma_wait3A_58 = tpu.memref_slice %arg6[%add3A_52, %dma_wait3A_57] : memref<20480x128xf32, #tpu.memory_space<hbm>> -> memref<320x128xf32, #tpu.memory_space<hbm>>
      %dma_wait3A_59 = arith.constant 0 : i32
      %dma_wait3A_60 = tpu.memref_slice %arg6[%add3A_52, %dma_wait3A_59] : memref<20480x128xf32, #tpu.memory_space<hbm>> -> memref<320x128xf32, #tpu.memory_space<hbm>>
      tpu.wait_dma2 semaphore(%run_scoped3A : memref<!tpu.dma_semaphore, #tpu.memory_space<semaphore_mem>>) src(%arg9 : memref<320x128xf32, #tpu.memory_space<vmem>>) dst(%dma_wait3A_60 : memref<320x128xf32, #tpu.memory_space<hbm>>)
      tpu.yield
    }) : () -> ()
    return
  }
}

module attributes {stable_mosaic.version = 14 : i64} {
  func.func @_solve_body(%arg0: i32, %arg1: memref<256x128xf32, #tpu.memory_space<vmem>>, %arg2: memref<256x32xf32, #tpu.memory_space<vmem>>, %arg3: memref<10x256x128xf32, #tpu.memory_space<vmem>>, %arg4: memref<10x256x128xf32, #tpu.memory_space<vmem>>, %arg5: memref<1x1xf32, #tpu.memory_space<smem>>) attributes {dimension_semantics = [#tpu.dimension_semantics<arbitrary>], iteration_bounds = array<i64: 8>, scalar_prefetch = 0 : i64, scratch_operands = 0 : i64, tpu.core_type = #tpu.core_type<tc>, window_params = [{transform_indices = @transform_0, window_bounds = array<i64: 256, 128>}, {transform_indices = @transform_1, window_bounds = array<i64: 256, 32>}, {transform_indices = @transform_2, window_bounds = array<i64: 10, 256, 128>}, {transform_indices = @transform_3, window_bounds = array<i64: 10, 256, 128>}, {transform_indices = @transform_4, window_bounds = array<i64: 1, 1>}]} {
    %get3A = arith.constant 0 : index
    %get3A_0 = arith.constant 0 : index
    %get3A_1 = vector.load %arg1[%get3A, %get3A_0] : memref<256x128xf32, #tpu.memory_space<vmem>>, vector<256x128xf32>
    %iota3A = tpu.iota {dimensions = array<i32: 0>} : vector<256x256xi32>
    %iota3A_2 = tpu.iota {dimensions = array<i32: 1>} : vector<256x256xi32>
    %eq3A = arith.cmpi eq, %iota3A, %iota3A_2 : vector<256x256xi32>
    %convert_element_type3A = arith.extui %eq3A : vector<256x256xi1> to vector<256x256xi32>
    %convert_element_type3A_3 = arith.sitofp %convert_element_type3A : vector<256x256xi32> to vector<256x256xf32>
    %mul3A = arith.constant 1.000000e+00 : f32
    %mul3A_4 = vector.broadcast %mul3A : f32 to vector<256x256xf32>
    %mul3A_5 = arith.mulf %mul3A_4, %convert_element_type3A_3 : vector<256x256xf32>
    %get3A_6 = arith.constant 0 : index
    %get3A_7 = arith.constant 0 : index
    %get3A_8 = vector.load %arg2[%get3A_6, %get3A_7] : memref<256x32xf32, #tpu.memory_space<vmem>>, vector<256x32xf32>
    %dot_general3A = arith.constant dense<0.000000e+00> : vector<32x256xf32>
    %dot_general3A_9 = tpu.matmul %get3A_8, %mul3A_5, %dot_general3A {dimension_numbers = #tpu.dot_dimension_numbers<[0], [0], [1], [1], [0, 1, 1, 1], [], []>, transpose_lhs_hint = false} : vector<256x32xf32>, vector<256x256xf32>, vector<32x256xf32> -> vector<32x256xf32>
    %dot_general3A_10 = arith.constant dense<0.000000e+00> : vector<128x256xf32>
    %dot_general3A_11 = tpu.matmul %get3A_1, %mul3A_5, %dot_general3A_10 {dimension_numbers = #tpu.dot_dimension_numbers<[0], [0], [1], [1], [0, 1, 1, 1], [], []>, transpose_lhs_hint = false} : vector<256x128xf32>, vector<256x256xf32>, vector<128x256xf32> -> vector<128x256xf32>
    %get3A_12 = arith.constant 0 : index
    %get3A_13 = arith.constant 0 : index
    %get3A_14 = arith.constant 0 : index
    %get3A_15 = vector.load %arg3[%get3A_12, %get3A_13, %get3A_14] : memref<10x256x128xf32, #tpu.memory_space<vmem>>, vector<1x256x128xf32>
    %get3A_16 = vector.shape_cast %get3A_15 : vector<1x256x128xf32> to vector<256x128xf32>
    %dot_general3A_17 = arith.constant dense<0.000000e+00> : vector<128x256xf32>
    %dot_general3A_18 = tpu.matmul %get3A_16, %mul3A_5, %dot_general3A_17 {dimension_numbers = #tpu.dot_dimension_numbers<[0], [0], [1], [1], [0, 1, 1, 1], [], []>, transpose_lhs_hint = false} : vector<256x128xf32>, vector<256x256xf32>, vector<128x256xf32> -> vector<128x256xf32>
    %sub3A = arith.subf %dot_general3A_18, %dot_general3A_11 : vector<128x256xf32>
    %get3A_19 = arith.constant 1 : index
    %get3A_20 = arith.constant 0 : index
    %get3A_21 = arith.constant 0 : index
    %get3A_22 = vector.load %arg3[%get3A_19, %get3A_20, %get3A_21] : memref<10x256x128xf32, #tpu.memory_space<vmem>>, vector<1x256x128xf32>
    %get3A_23 = vector.shape_cast %get3A_22 : vector<1x256x128xf32> to vector<256x128xf32>
    %dot_general3A_24 = arith.constant dense<0.000000e+00> : vector<128x256xf32>
    %dot_general3A_25 = tpu.matmul %get3A_23, %mul3A_5, %dot_general3A_24 {dimension_numbers = #tpu.dot_dimension_numbers<[0], [0], [1], [1], [0, 1, 1, 1], [], []>, transpose_lhs_hint = false} : vector<256x128xf32>, vector<256x256xf32>, vector<128x256xf32> -> vector<128x256xf32>
    %sub3A_26 = arith.subf %dot_general3A_25, %dot_general3A_11 : vector<128x256xf32>
    %get3A_27 = arith.constant 2 : index
    %get3A_28 = arith.constant 0 : index
    %get3A_29 = arith.constant 0 : index
    %get3A_30 = vector.load %arg3[%get3A_27, %get3A_28, %get3A_29] : memref<10x256x128xf32, #tpu.memory_space<vmem>>, vector<1x256x128xf32>
    %get3A_31 = vector.shape_cast %get3A_30 : vector<1x256x128xf32> to vector<256x128xf32>
    %dot_general3A_32 = arith.constant dense<0.000000e+00> : vector<128x256xf32>
    %dot_general3A_33 = tpu.matmul %get3A_31, %mul3A_5, %dot_general3A_32 {dimension_numbers = #tpu.dot_dimension_numbers<[0], [0], [1], [1], [0, 1, 1, 1], [], []>, transpose_lhs_hint = false} : vector<256x128xf32>, vector<256x256xf32>, vector<128x256xf32> -> vector<128x256xf32>
    %sub3A_34 = arith.subf %dot_general3A_33, %dot_general3A_11 : vector<128x256xf32>
    %get3A_35 = arith.constant 3 : index
    %get3A_36 = arith.constant 0 : index
    %get3A_37 = arith.constant 0 : index
    %get3A_38 = vector.load %arg3[%get3A_35, %get3A_36, %get3A_37] : memref<10x256x128xf32, #tpu.memory_space<vmem>>, vector<1x256x128xf32>
    %get3A_39 = vector.shape_cast %get3A_38 : vector<1x256x128xf32> to vector<256x128xf32>
    %dot_general3A_40 = arith.constant dense<0.000000e+00> : vector<128x256xf32>
    %dot_general3A_41 = tpu.matmul %get3A_39, %mul3A_5, %dot_general3A_40 {dimension_numbers = #tpu.dot_dimension_numbers<[0], [0], [1], [1], [0, 1, 1, 1], [], []>, transpose_lhs_hint = false} : vector<256x128xf32>, vector<256x256xf32>, vector<128x256xf32> -> vector<128x256xf32>
    %sub3A_42 = arith.subf %dot_general3A_41, %dot_general3A_11 : vector<128x256xf32>
    %get3A_43 = arith.constant 4 : index
    %get3A_44 = arith.constant 0 : index
    %get3A_45 = arith.constant 0 : index
    %get3A_46 = vector.load %arg3[%get3A_43, %get3A_44, %get3A_45] : memref<10x256x128xf32, #tpu.memory_space<vmem>>, vector<1x256x128xf32>
    %get3A_47 = vector.shape_cast %get3A_46 : vector<1x256x128xf32> to vector<256x128xf32>
    %dot_general3A_48 = arith.constant dense<0.000000e+00> : vector<128x256xf32>
    %dot_general3A_49 = tpu.matmul %get3A_47, %mul3A_5, %dot_general3A_48 {dimension_numbers = #tpu.dot_dimension_numbers<[0], [0], [1], [1], [0, 1, 1, 1], [], []>, transpose_lhs_hint = false} : vector<256x128xf32>, vector<256x256xf32>, vector<128x256xf32> -> vector<128x256xf32>
    %sub3A_50 = arith.subf %dot_general3A_49, %dot_general3A_11 : vector<128x256xf32>
    %get3A_51 = arith.constant 5 : index
    %get3A_52 = arith.constant 0 : index
    %get3A_53 = arith.constant 0 : index
    %get3A_54 = vector.load %arg3[%get3A_51, %get3A_52, %get3A_53] : memref<10x256x128xf32, #tpu.memory_space<vmem>>, vector<1x256x128xf32>
    %get3A_55 = vector.shape_cast %get3A_54 : vector<1x256x128xf32> to vector<256x128xf32>
    %dot_general3A_56 = arith.constant dense<0.000000e+00> : vector<128x256xf32>
    %dot_general3A_57 = tpu.matmul %get3A_55, %mul3A_5, %dot_general3A_56 {dimension_numbers = #tpu.dot_dimension_numbers<[0], [0], [1], [1], [0, 1, 1, 1], [], []>, transpose_lhs_hint = false} : vector<256x128xf32>, vector<256x256xf32>, vector<128x256xf32> -> vector<128x256xf32>
    %sub3A_58 = arith.subf %dot_general3A_57, %dot_general3A_11 : vector<128x256xf32>
    %get3A_59 = arith.constant 6 : index
    %get3A_60 = arith.constant 0 : index
    %get3A_61 = arith.constant 0 : index
    %get3A_62 = vector.load %arg3[%get3A_59, %get3A_60, %get3A_61] : memref<10x256x128xf32, #tpu.memory_space<vmem>>, vector<1x256x128xf32>
    %get3A_63 = vector.shape_cast %get3A_62 : vector<1x256x128xf32> to vector<256x128xf32>
    %dot_general3A_64 = arith.constant dense<0.000000e+00> : vector<128x256xf32>
    %dot_general3A_65 = tpu.matmul %get3A_63, %mul3A_5, %dot_general3A_64 {dimension_numbers = #tpu.dot_dimension_numbers<[0], [0], [1], [1], [0, 1, 1, 1], [], []>, transpose_lhs_hint = false} : vector<256x128xf32>, vector<256x256xf32>, vector<128x256xf32> -> vector<128x256xf32>
    %sub3A_66 = arith.subf %dot_general3A_65, %dot_general3A_11 : vector<128x256xf32>
    %get3A_67 = arith.constant 7 : index
    %get3A_68 = arith.constant 0 : index
    %get3A_69 = arith.constant 0 : index
    %get3A_70 = vector.load %arg3[%get3A_67, %get3A_68, %get3A_69] : memref<10x256x128xf32, #tpu.memory_space<vmem>>, vector<1x256x128xf32>
    %get3A_71 = vector.shape_cast %get3A_70 : vector<1x256x128xf32> to vector<256x128xf32>
    %dot_general3A_72 = arith.constant dense<0.000000e+00> : vector<128x256xf32>
    %dot_general3A_73 = tpu.matmul %get3A_71, %mul3A_5, %dot_general3A_72 {dimension_numbers = #tpu.dot_dimension_numbers<[0], [0], [1], [1], [0, 1, 1, 1], [], []>, transpose_lhs_hint = false} : vector<256x128xf32>, vector<256x256xf32>, vector<128x256xf32> -> vector<128x256xf32>
    %sub3A_74 = arith.subf %dot_general3A_73, %dot_general3A_11 : vector<128x256xf32>
    %get3A_75 = arith.constant 8 : index
    %get3A_76 = arith.constant 0 : index
    %get3A_77 = arith.constant 0 : index
    %get3A_78 = vector.load %arg3[%get3A_75, %get3A_76, %get3A_77] : memref<10x256x128xf32, #tpu.memory_space<vmem>>, vector<1x256x128xf32>
    %get3A_79 = vector.shape_cast %get3A_78 : vector<1x256x128xf32> to vector<256x128xf32>
    %dot_general3A_80 = arith.constant dense<0.000000e+00> : vector<128x256xf32>
    %dot_general3A_81 = tpu.matmul %get3A_79, %mul3A_5, %dot_general3A_80 {dimension_numbers = #tpu.dot_dimension_numbers<[0], [0], [1], [1], [0, 1, 1, 1], [], []>, transpose_lhs_hint = false} : vector<256x128xf32>, vector<256x256xf32>, vector<128x256xf32> -> vector<128x256xf32>
    %sub3A_82 = arith.subf %dot_general3A_81, %dot_general3A_11 : vector<128x256xf32>
    %get3A_83 = arith.constant 9 : index
    %get3A_84 = arith.constant 0 : index
    %get3A_85 = arith.constant 0 : index
    %get3A_86 = vector.load %arg3[%get3A_83, %get3A_84, %get3A_85] : memref<10x256x128xf32, #tpu.memory_space<vmem>>, vector<1x256x128xf32>
    %get3A_87 = vector.shape_cast %get3A_86 : vector<1x256x128xf32> to vector<256x128xf32>
    %dot_general3A_88 = arith.constant dense<0.000000e+00> : vector<128x256xf32>
    %dot_general3A_89 = tpu.matmul %get3A_87, %mul3A_5, %dot_general3A_88 {dimension_numbers = #tpu.dot_dimension_numbers<[0], [0], [1], [1], [0, 1, 1, 1], [], []>, transpose_lhs_hint = false} : vector<256x128xf32>, vector<256x256xf32>, vector<128x256xf32> -> vector<128x256xf32>
    %sub3A_90 = arith.subf %dot_general3A_89, %dot_general3A_11 : vector<128x256xf32>
    %mul3A_91 = arith.mulf %sub3A, %sub3A : vector<128x256xf32>
    %reduce_sum3A = arith.constant dense<0.000000e+00> : vector<256xf32>
    %reduce_sum3A_92 = vector.multi_reduction <add>, %mul3A_91, %reduce_sum3A [0] : vector<128x256xf32> to vector<256xf32>
    %add3A = arith.constant 9.99999997E-7 : f32
    %add3A_93 = vector.broadcast %add3A : f32 to vector<256xf32>
    %add3A_94 = arith.addf %reduce_sum3A_92, %add3A_93 : vector<256xf32>
    %mul3A_95 = arith.mulf %sub3A, %sub3A_26 : vector<128x256xf32>
    %reduce_sum3A_96 = arith.constant dense<0.000000e+00> : vector<256xf32>
    %reduce_sum3A_97 = vector.multi_reduction <add>, %mul3A_95, %reduce_sum3A_96 [0] : vector<128x256xf32> to vector<256xf32>
    %mul3A_98 = arith.mulf %sub3A, %sub3A_34 : vector<128x256xf32>
    %reduce_sum3A_99 = arith.constant dense<0.000000e+00> : vector<256xf32>
    %reduce_sum3A_100 = vector.multi_reduction <add>, %mul3A_98, %reduce_sum3A_99 [0] : vector<128x256xf32> to vector<256xf32>
    %mul3A_101 = arith.mulf %sub3A, %sub3A_42 : vector<128x256xf32>
    %reduce_sum3A_102 = arith.constant dense<0.000000e+00> : vector<256xf32>
    %reduce_sum3A_103 = vector.multi_reduction <add>, %mul3A_101, %reduce_sum3A_102 [0] : vector<128x256xf32> to vector<256xf32>
    %mul3A_104 = arith.mulf %sub3A, %sub3A_50 : vector<128x256xf32>
    %reduce_sum3A_105 = arith.constant dense<0.000000e+00> : vector<256xf32>
    %reduce_sum3A_106 = vector.multi_reduction <add>, %mul3A_104, %reduce_sum3A_105 [0] : vector<128x256xf32> to vector<256xf32>
    %mul3A_107 = arith.mulf %sub3A, %sub3A_58 : vector<128x256xf32>
    %reduce_sum3A_108 = arith.constant dense<0.000000e+00> : vector<256xf32>
    %reduce_sum3A_109 = vector.multi_reduction <add>, %mul3A_107, %reduce_sum3A_108 [0] : vector<128x256xf32> to vector<256xf32>
    %mul3A_110 = arith.mulf %sub3A, %sub3A_66 : vector<128x256xf32>
    %reduce_sum3A_111 = arith.constant dense<0.000000e+00> : vector<256xf32>
    %reduce_sum3A_112 = vector.multi_reduction <add>, %mul3A_110, %reduce_sum3A_111 [0] : vector<128x256xf32> to vector<256xf32>
    %mul3A_113 = arith.mulf %sub3A, %sub3A_74 : vector<128x256xf32>
    %reduce_sum3A_114 = arith.constant dense<0.000000e+00> : vector<256xf32>
    %reduce_sum3A_115 = vector.multi_reduction <add>, %mul3A_113, %reduce_sum3A_114 [0] : vector<128x256xf32> to vector<256xf32>
    %mul3A_116 = arith.mulf %sub3A, %sub3A_82 : vector<128x256xf32>
    %reduce_sum3A_117 = arith.constant dense<0.000000e+00> : vector<256xf32>
    %reduce_sum3A_118 = vector.multi_reduction <add>, %mul3A_116, %reduce_sum3A_117 [0] : vector<128x256xf32> to vector<256xf32>
    %mul3A_119 = arith.mulf %sub3A, %sub3A_90 : vector<128x256xf32>
    %reduce_sum3A_120 = arith.constant dense<0.000000e+00> : vector<256xf32>
    %reduce_sum3A_121 = vector.multi_reduction <add>, %mul3A_119, %reduce_sum3A_120 [0] : vector<128x256xf32> to vector<256xf32>
    %mul3A_122 = arith.mulf %sub3A_26, %sub3A_26 : vector<128x256xf32>
    %reduce_sum3A_123 = arith.constant dense<0.000000e+00> : vector<256xf32>
    %reduce_sum3A_124 = vector.multi_reduction <add>, %mul3A_122, %reduce_sum3A_123 [0] : vector<128x256xf32> to vector<256xf32>
    %add3A_125 = arith.constant 9.99999997E-7 : f32
    %add3A_126 = vector.broadcast %add3A_125 : f32 to vector<256xf32>
    %add3A_127 = arith.addf %reduce_sum3A_124, %add3A_126 : vector<256xf32>
    %mul3A_128 = arith.mulf %sub3A_26, %sub3A_34 : vector<128x256xf32>
    %reduce_sum3A_129 = arith.constant dense<0.000000e+00> : vector<256xf32>
    %reduce_sum3A_130 = vector.multi_reduction <add>, %mul3A_128, %reduce_sum3A_129 [0] : vector<128x256xf32> to vector<256xf32>
    %mul3A_131 = arith.mulf %sub3A_26, %sub3A_42 : vector<128x256xf32>
    %reduce_sum3A_132 = arith.constant dense<0.000000e+00> : vector<256xf32>
    %reduce_sum3A_133 = vector.multi_reduction <add>, %mul3A_131, %reduce_sum3A_132 [0] : vector<128x256xf32> to vector<256xf32>
    %mul3A_134 = arith.mulf %sub3A_26, %sub3A_50 : vector<128x256xf32>
    %reduce_sum3A_135 = arith.constant dense<0.000000e+00> : vector<256xf32>
    %reduce_sum3A_136 = vector.multi_reduction <add>, %mul3A_134, %reduce_sum3A_135 [0] : vector<128x256xf32> to vector<256xf32>
    %mul3A_137 = arith.mulf %sub3A_26, %sub3A_58 : vector<128x256xf32>
    %reduce_sum3A_138 = arith.constant dense<0.000000e+00> : vector<256xf32>
    %reduce_sum3A_139 = vector.multi_reduction <add>, %mul3A_137, %reduce_sum3A_138 [0] : vector<128x256xf32> to vector<256xf32>
    %mul3A_140 = arith.mulf %sub3A_26, %sub3A_66 : vector<128x256xf32>
    %reduce_sum3A_141 = arith.constant dense<0.000000e+00> : vector<256xf32>
    %reduce_sum3A_142 = vector.multi_reduction <add>, %mul3A_140, %reduce_sum3A_141 [0] : vector<128x256xf32> to vector<256xf32>
    %mul3A_143 = arith.mulf %sub3A_26, %sub3A_74 : vector<128x256xf32>
    %reduce_sum3A_144 = arith.constant dense<0.000000e+00> : vector<256xf32>
    %reduce_sum3A_145 = vector.multi_reduction <add>, %mul3A_143, %reduce_sum3A_144 [0] : vector<128x256xf32> to vector<256xf32>
    %mul3A_146 = arith.mulf %sub3A_26, %sub3A_82 : vector<128x256xf32>
    %reduce_sum3A_147 = arith.constant dense<0.000000e+00> : vector<256xf32>
    %reduce_sum3A_148 = vector.multi_reduction <add>, %mul3A_146, %reduce_sum3A_147 [0] : vector<128x256xf32> to vector<256xf32>
    %mul3A_149 = arith.mulf %sub3A_26, %sub3A_90 : vector<128x256xf32>
    %reduce_sum3A_150 = arith.constant dense<0.000000e+00> : vector<256xf32>
    %reduce_sum3A_151 = vector.multi_reduction <add>, %mul3A_149, %reduce_sum3A_150 [0] : vector<128x256xf32> to vector<256xf32>
    %mul3A_152 = arith.mulf %sub3A_34, %sub3A_34 : vector<128x256xf32>
    %reduce_sum3A_153 = arith.constant dense<0.000000e+00> : vector<256xf32>
    %reduce_sum3A_154 = vector.multi_reduction <add>, %mul3A_152, %reduce_sum3A_153 [0] : vector<128x256xf32> to vector<256xf32>
    %add3A_155 = arith.constant 9.99999997E-7 : f32
    %add3A_156 = vector.broadcast %add3A_155 : f32 to vector<256xf32>
    %add3A_157 = arith.addf %reduce_sum3A_154, %add3A_156 : vector<256xf32>
    %mul3A_158 = arith.mulf %sub3A_34, %sub3A_42 : vector<128x256xf32>
    %reduce_sum3A_159 = arith.constant dense<0.000000e+00> : vector<256xf32>
    %reduce_sum3A_160 = vector.multi_reduction <add>, %mul3A_158, %reduce_sum3A_159 [0] : vector<128x256xf32> to vector<256xf32>
    %mul3A_161 = arith.mulf %sub3A_34, %sub3A_50 : vector<128x256xf32>
    %reduce_sum3A_162 = arith.constant dense<0.000000e+00> : vector<256xf32>
    %reduce_sum3A_163 = vector.multi_reduction <add>, %mul3A_161, %reduce_sum3A_162 [0] : vector<128x256xf32> to vector<256xf32>
    %mul3A_164 = arith.mulf %sub3A_34, %sub3A_58 : vector<128x256xf32>
    %reduce_sum3A_165 = arith.constant dense<0.000000e+00> : vector<256xf32>
    %reduce_sum3A_166 = vector.multi_reduction <add>, %mul3A_164, %reduce_sum3A_165 [0] : vector<128x256xf32> to vector<256xf32>
    %mul3A_167 = arith.mulf %sub3A_34, %sub3A_66 : vector<128x256xf32>
    %reduce_sum3A_168 = arith.constant dense<0.000000e+00> : vector<256xf32>
    %reduce_sum3A_169 = vector.multi_reduction <add>, %mul3A_167, %reduce_sum3A_168 [0] : vector<128x256xf32> to vector<256xf32>
    %mul3A_170 = arith.mulf %sub3A_34, %sub3A_74 : vector<128x256xf32>
    %reduce_sum3A_171 = arith.constant dense<0.000000e+00> : vector<256xf32>
    %reduce_sum3A_172 = vector.multi_reduction <add>, %mul3A_170, %reduce_sum3A_171 [0] : vector<128x256xf32> to vector<256xf32>
    %mul3A_173 = arith.mulf %sub3A_34, %sub3A_82 : vector<128x256xf32>
    %reduce_sum3A_174 = arith.constant dense<0.000000e+00> : vector<256xf32>
    %reduce_sum3A_175 = vector.multi_reduction <add>, %mul3A_173, %reduce_sum3A_174 [0] : vector<128x256xf32> to vector<256xf32>
    %mul3A_176 = arith.mulf %sub3A_34, %sub3A_90 : vector<128x256xf32>
    %reduce_sum3A_177 = arith.constant dense<0.000000e+00> : vector<256xf32>
    %reduce_sum3A_178 = vector.multi_reduction <add>, %mul3A_176, %reduce_sum3A_177 [0] : vector<128x256xf32> to vector<256xf32>
    %mul3A_179 = arith.mulf %sub3A_42, %sub3A_42 : vector<128x256xf32>
    %reduce_sum3A_180 = arith.constant dense<0.000000e+00> : vector<256xf32>
    %reduce_sum3A_181 = vector.multi_reduction <add>, %mul3A_179, %reduce_sum3A_180 [0] : vector<128x256xf32> to vector<256xf32>
    %add3A_182 = arith.constant 9.99999997E-7 : f32
    %add3A_183 = vector.broadcast %add3A_182 : f32 to vector<256xf32>
    %add3A_184 = arith.addf %reduce_sum3A_181, %add3A_183 : vector<256xf32>
    %mul3A_185 = arith.mulf %sub3A_42, %sub3A_50 : vector<128x256xf32>
    %reduce_sum3A_186 = arith.constant dense<0.000000e+00> : vector<256xf32>
    %reduce_sum3A_187 = vector.multi_reduction <add>, %mul3A_185, %reduce_sum3A_186 [0] : vector<128x256xf32> to vector<256xf32>
    %mul3A_188 = arith.mulf %sub3A_42, %sub3A_58 : vector<128x256xf32>
    %reduce_sum3A_189 = arith.constant dense<0.000000e+00> : vector<256xf32>
    %reduce_sum3A_190 = vector.multi_reduction <add>, %mul3A_188, %reduce_sum3A_189 [0] : vector<128x256xf32> to vector<256xf32>
    %mul3A_191 = arith.mulf %sub3A_42, %sub3A_66 : vector<128x256xf32>
    %reduce_sum3A_192 = arith.constant dense<0.000000e+00> : vector<256xf32>
    %reduce_sum3A_193 = vector.multi_reduction <add>, %mul3A_191, %reduce_sum3A_192 [0] : vector<128x256xf32> to vector<256xf32>
    %mul3A_194 = arith.mulf %sub3A_42, %sub3A_74 : vector<128x256xf32>
    %reduce_sum3A_195 = arith.constant dense<0.000000e+00> : vector<256xf32>
    %reduce_sum3A_196 = vector.multi_reduction <add>, %mul3A_194, %reduce_sum3A_195 [0] : vector<128x256xf32> to vector<256xf32>
    %mul3A_197 = arith.mulf %sub3A_42, %sub3A_82 : vector<128x256xf32>
    %reduce_sum3A_198 = arith.constant dense<0.000000e+00> : vector<256xf32>
    %reduce_sum3A_199 = vector.multi_reduction <add>, %mul3A_197, %reduce_sum3A_198 [0] : vector<128x256xf32> to vector<256xf32>
    %mul3A_200 = arith.mulf %sub3A_42, %sub3A_90 : vector<128x256xf32>
    %reduce_sum3A_201 = arith.constant dense<0.000000e+00> : vector<256xf32>
    %reduce_sum3A_202 = vector.multi_reduction <add>, %mul3A_200, %reduce_sum3A_201 [0] : vector<128x256xf32> to vector<256xf32>
    %mul3A_203 = arith.mulf %sub3A_50, %sub3A_50 : vector<128x256xf32>
    %reduce_sum3A_204 = arith.constant dense<0.000000e+00> : vector<256xf32>
    %reduce_sum3A_205 = vector.multi_reduction <add>, %mul3A_203, %reduce_sum3A_204 [0] : vector<128x256xf32> to vector<256xf32>
    %add3A_206 = arith.constant 9.99999997E-7 : f32
    %add3A_207 = vector.broadcast %add3A_206 : f32 to vector<256xf32>
    %add3A_208 = arith.addf %reduce_sum3A_205, %add3A_207 : vector<256xf32>
    %mul3A_209 = arith.mulf %sub3A_50, %sub3A_58 : vector<128x256xf32>
    %reduce_sum3A_210 = arith.constant dense<0.000000e+00> : vector<256xf32>
    %reduce_sum3A_211 = vector.multi_reduction <add>, %mul3A_209, %reduce_sum3A_210 [0] : vector<128x256xf32> to vector<256xf32>
    %mul3A_212 = arith.mulf %sub3A_50, %sub3A_66 : vector<128x256xf32>
    %reduce_sum3A_213 = arith.constant dense<0.000000e+00> : vector<256xf32>
    %reduce_sum3A_214 = vector.multi_reduction <add>, %mul3A_212, %reduce_sum3A_213 [0] : vector<128x256xf32> to vector<256xf32>
    %mul3A_215 = arith.mulf %sub3A_50, %sub3A_74 : vector<128x256xf32>
    %reduce_sum3A_216 = arith.constant dense<0.000000e+00> : vector<256xf32>
    %reduce_sum3A_217 = vector.multi_reduction <add>, %mul3A_215, %reduce_sum3A_216 [0] : vector<128x256xf32> to vector<256xf32>
    %mul3A_218 = arith.mulf %sub3A_50, %sub3A_82 : vector<128x256xf32>
    %reduce_sum3A_219 = arith.constant dense<0.000000e+00> : vector<256xf32>
    %reduce_sum3A_220 = vector.multi_reduction <add>, %mul3A_218, %reduce_sum3A_219 [0] : vector<128x256xf32> to vector<256xf32>
    %mul3A_221 = arith.mulf %sub3A_50, %sub3A_90 : vector<128x256xf32>
    %reduce_sum3A_222 = arith.constant dense<0.000000e+00> : vector<256xf32>
    %reduce_sum3A_223 = vector.multi_reduction <add>, %mul3A_221, %reduce_sum3A_222 [0] : vector<128x256xf32> to vector<256xf32>
    %mul3A_224 = arith.mulf %sub3A_58, %sub3A_58 : vector<128x256xf32>
    %reduce_sum3A_225 = arith.constant dense<0.000000e+00> : vector<256xf32>
    %reduce_sum3A_226 = vector.multi_reduction <add>, %mul3A_224, %reduce_sum3A_225 [0] : vector<128x256xf32> to vector<256xf32>
    %add3A_227 = arith.constant 9.99999997E-7 : f32
    %add3A_228 = vector.broadcast %add3A_227 : f32 to vector<256xf32>
    %add3A_229 = arith.addf %reduce_sum3A_226, %add3A_228 : vector<256xf32>
    %mul3A_230 = arith.mulf %sub3A_58, %sub3A_66 : vector<128x256xf32>
    %reduce_sum3A_231 = arith.constant dense<0.000000e+00> : vector<256xf32>
    %reduce_sum3A_232 = vector.multi_reduction <add>, %mul3A_230, %reduce_sum3A_231 [0] : vector<128x256xf32> to vector<256xf32>
    %mul3A_233 = arith.mulf %sub3A_58, %sub3A_74 : vector<128x256xf32>
    %reduce_sum3A_234 = arith.constant dense<0.000000e+00> : vector<256xf32>
    %reduce_sum3A_235 = vector.multi_reduction <add>, %mul3A_233, %reduce_sum3A_234 [0] : vector<128x256xf32> to vector<256xf32>
    %mul3A_236 = arith.mulf %sub3A_58, %sub3A_82 : vector<128x256xf32>
    %reduce_sum3A_237 = arith.constant dense<0.000000e+00> : vector<256xf32>
    %reduce_sum3A_238 = vector.multi_reduction <add>, %mul3A_236, %reduce_sum3A_237 [0] : vector<128x256xf32> to vector<256xf32>
    %mul3A_239 = arith.mulf %sub3A_58, %sub3A_90 : vector<128x256xf32>
    %reduce_sum3A_240 = arith.constant dense<0.000000e+00> : vector<256xf32>
    %reduce_sum3A_241 = vector.multi_reduction <add>, %mul3A_239, %reduce_sum3A_240 [0] : vector<128x256xf32> to vector<256xf32>
    %mul3A_242 = arith.mulf %sub3A_66, %sub3A_66 : vector<128x256xf32>
    %reduce_sum3A_243 = arith.constant dense<0.000000e+00> : vector<256xf32>
    %reduce_sum3A_244 = vector.multi_reduction <add>, %mul3A_242, %reduce_sum3A_243 [0] : vector<128x256xf32> to vector<256xf32>
    %add3A_245 = arith.constant 9.99999997E-7 : f32
    %add3A_246 = vector.broadcast %add3A_245 : f32 to vector<256xf32>
    %add3A_247 = arith.addf %reduce_sum3A_244, %add3A_246 : vector<256xf32>
    %mul3A_248 = arith.mulf %sub3A_66, %sub3A_74 : vector<128x256xf32>
    %reduce_sum3A_249 = arith.constant dense<0.000000e+00> : vector<256xf32>
    %reduce_sum3A_250 = vector.multi_reduction <add>, %mul3A_248, %reduce_sum3A_249 [0] : vector<128x256xf32> to vector<256xf32>
    %mul3A_251 = arith.mulf %sub3A_66, %sub3A_82 : vector<128x256xf32>
    %reduce_sum3A_252 = arith.constant dense<0.000000e+00> : vector<256xf32>
    %reduce_sum3A_253 = vector.multi_reduction <add>, %mul3A_251, %reduce_sum3A_252 [0] : vector<128x256xf32> to vector<256xf32>
    %mul3A_254 = arith.mulf %sub3A_66, %sub3A_90 : vector<128x256xf32>
    %reduce_sum3A_255 = arith.constant dense<0.000000e+00> : vector<256xf32>
    %reduce_sum3A_256 = vector.multi_reduction <add>, %mul3A_254, %reduce_sum3A_255 [0] : vector<128x256xf32> to vector<256xf32>
    %mul3A_257 = arith.mulf %sub3A_74, %sub3A_74 : vector<128x256xf32>
    %reduce_sum3A_258 = arith.constant dense<0.000000e+00> : vector<256xf32>
    %reduce_sum3A_259 = vector.multi_reduction <add>, %mul3A_257, %reduce_sum3A_258 [0] : vector<128x256xf32> to vector<256xf32>
    %add3A_260 = arith.constant 9.99999997E-7 : f32
    %add3A_261 = vector.broadcast %add3A_260 : f32 to vector<256xf32>
    %add3A_262 = arith.addf %reduce_sum3A_259, %add3A_261 : vector<256xf32>
    %mul3A_263 = arith.mulf %sub3A_74, %sub3A_82 : vector<128x256xf32>
    %reduce_sum3A_264 = arith.constant dense<0.000000e+00> : vector<256xf32>
    %reduce_sum3A_265 = vector.multi_reduction <add>, %mul3A_263, %reduce_sum3A_264 [0] : vector<128x256xf32> to vector<256xf32>
    %mul3A_266 = arith.mulf %sub3A_74, %sub3A_90 : vector<128x256xf32>
    %reduce_sum3A_267 = arith.constant dense<0.000000e+00> : vector<256xf32>
    %reduce_sum3A_268 = vector.multi_reduction <add>, %mul3A_266, %reduce_sum3A_267 [0] : vector<128x256xf32> to vector<256xf32>
    %mul3A_269 = arith.mulf %sub3A_82, %sub3A_82 : vector<128x256xf32>
    %reduce_sum3A_270 = arith.constant dense<0.000000e+00> : vector<256xf32>
    %reduce_sum3A_271 = vector.multi_reduction <add>, %mul3A_269, %reduce_sum3A_270 [0] : vector<128x256xf32> to vector<256xf32>
    %add3A_272 = arith.constant 9.99999997E-7 : f32
    %add3A_273 = vector.broadcast %add3A_272 : f32 to vector<256xf32>
    %add3A_274 = arith.addf %reduce_sum3A_271, %add3A_273 : vector<256xf32>
    %mul3A_275 = arith.mulf %sub3A_82, %sub3A_90 : vector<128x256xf32>
    %reduce_sum3A_276 = arith.constant dense<0.000000e+00> : vector<256xf32>
    %reduce_sum3A_277 = vector.multi_reduction <add>, %mul3A_275, %reduce_sum3A_276 [0] : vector<128x256xf32> to vector<256xf32>
    %mul3A_278 = arith.mulf %sub3A_90, %sub3A_90 : vector<128x256xf32>
    %reduce_sum3A_279 = arith.constant dense<0.000000e+00> : vector<256xf32>
    %reduce_sum3A_280 = vector.multi_reduction <add>, %mul3A_278, %reduce_sum3A_279 [0] : vector<128x256xf32> to vector<256xf32>
    %add3A_281 = arith.constant 9.99999997E-7 : f32
    %add3A_282 = vector.broadcast %add3A_281 : f32 to vector<256xf32>
    %add3A_283 = arith.addf %reduce_sum3A_280, %add3A_282 : vector<256xf32>
    %broadcast_in_dim3A = arith.constant 1.000000e+00 : f32
    %broadcast_in_dim3A_284 = vector.broadcast %broadcast_in_dim3A : f32 to vector<256xf32>
    %broadcast_in_dim3A_285 = arith.constant 1.000000e+00 : f32
    %broadcast_in_dim3A_286 = vector.broadcast %broadcast_in_dim3A_285 : f32 to vector<256xf32>
    %broadcast_in_dim3A_287 = arith.constant 1.000000e+00 : f32
    %broadcast_in_dim3A_288 = vector.broadcast %broadcast_in_dim3A_287 : f32 to vector<256xf32>
    %broadcast_in_dim3A_289 = arith.constant 1.000000e+00 : f32
    %broadcast_in_dim3A_290 = vector.broadcast %broadcast_in_dim3A_289 : f32 to vector<256xf32>
    %broadcast_in_dim3A_291 = arith.constant 1.000000e+00 : f32
    %broadcast_in_dim3A_292 = vector.broadcast %broadcast_in_dim3A_291 : f32 to vector<256xf32>
    %broadcast_in_dim3A_293 = arith.constant 1.000000e+00 : f32
    %broadcast_in_dim3A_294 = vector.broadcast %broadcast_in_dim3A_293 : f32 to vector<256xf32>
    %broadcast_in_dim3A_295 = arith.constant 1.000000e+00 : f32
    %broadcast_in_dim3A_296 = vector.broadcast %broadcast_in_dim3A_295 : f32 to vector<256xf32>
    %broadcast_in_dim3A_297 = arith.constant 1.000000e+00 : f32
    %broadcast_in_dim3A_298 = vector.broadcast %broadcast_in_dim3A_297 : f32 to vector<256xf32>
    %broadcast_in_dim3A_299 = arith.constant 1.000000e+00 : f32
    %broadcast_in_dim3A_300 = vector.broadcast %broadcast_in_dim3A_299 : f32 to vector<256xf32>
    %broadcast_in_dim3A_301 = arith.constant 1.000000e+00 : f32
    %broadcast_in_dim3A_302 = vector.broadcast %broadcast_in_dim3A_301 : f32 to vector<256xf32>
    %div3A = arith.constant 1.000000e+00 : f32
    %div3A_303 = vector.broadcast %div3A : f32 to vector<256xf32>
    %div3A_304 = arith.divf %div3A_303, %add3A_94 : vector<256xf32>
    %mul3A_305 = arith.mulf %reduce_sum3A_97, %div3A_304 : vector<256xf32>
    %mul3A_306 = arith.mulf %mul3A_305, %reduce_sum3A_97 : vector<256xf32>
    %sub3A_307 = arith.subf %add3A_127, %mul3A_306 : vector<256xf32>
    %mul3A_308 = arith.mulf %mul3A_305, %reduce_sum3A_100 : vector<256xf32>
    %sub3A_309 = arith.subf %reduce_sum3A_130, %mul3A_308 : vector<256xf32>
    %mul3A_310 = arith.mulf %mul3A_305, %reduce_sum3A_103 : vector<256xf32>
    %sub3A_311 = arith.subf %reduce_sum3A_133, %mul3A_310 : vector<256xf32>
    %mul3A_312 = arith.mulf %mul3A_305, %reduce_sum3A_106 : vector<256xf32>
    %sub3A_313 = arith.subf %reduce_sum3A_136, %mul3A_312 : vector<256xf32>
    %mul3A_314 = arith.mulf %mul3A_305, %reduce_sum3A_109 : vector<256xf32>
    %sub3A_315 = arith.subf %reduce_sum3A_139, %mul3A_314 : vector<256xf32>
    %mul3A_316 = arith.mulf %mul3A_305, %reduce_sum3A_112 : vector<256xf32>
    %sub3A_317 = arith.subf %reduce_sum3A_142, %mul3A_316 : vector<256xf32>
    %mul3A_318 = arith.mulf %mul3A_305, %reduce_sum3A_115 : vector<256xf32>
    %sub3A_319 = arith.subf %reduce_sum3A_145, %mul3A_318 : vector<256xf32>
    %mul3A_320 = arith.mulf %mul3A_305, %reduce_sum3A_118 : vector<256xf32>
    %sub3A_321 = arith.subf %reduce_sum3A_148, %mul3A_320 : vector<256xf32>
    %mul3A_322 = arith.mulf %mul3A_305, %reduce_sum3A_121 : vector<256xf32>
    %sub3A_323 = arith.subf %reduce_sum3A_151, %mul3A_322 : vector<256xf32>
    %mul3A_324 = arith.mulf %mul3A_305, %broadcast_in_dim3A_284 : vector<256xf32>
    %sub3A_325 = arith.subf %broadcast_in_dim3A_286, %mul3A_324 : vector<256xf32>
    %mul3A_326 = arith.mulf %reduce_sum3A_100, %div3A_304 : vector<256xf32>
    %mul3A_327 = arith.mulf %mul3A_326, %reduce_sum3A_100 : vector<256xf32>
    %sub3A_328 = arith.subf %add3A_157, %mul3A_327 : vector<256xf32>
    %mul3A_329 = arith.mulf %mul3A_326, %reduce_sum3A_103 : vector<256xf32>
    %sub3A_330 = arith.subf %reduce_sum3A_160, %mul3A_329 : vector<256xf32>
    %mul3A_331 = arith.mulf %mul3A_326, %reduce_sum3A_106 : vector<256xf32>
    %sub3A_332 = arith.subf %reduce_sum3A_163, %mul3A_331 : vector<256xf32>
    %mul3A_333 = arith.mulf %mul3A_326, %reduce_sum3A_109 : vector<256xf32>
    %sub3A_334 = arith.subf %reduce_sum3A_166, %mul3A_333 : vector<256xf32>
    %mul3A_335 = arith.mulf %mul3A_326, %reduce_sum3A_112 : vector<256xf32>
    %sub3A_336 = arith.subf %reduce_sum3A_169, %mul3A_335 : vector<256xf32>
    %mul3A_337 = arith.mulf %mul3A_326, %reduce_sum3A_115 : vector<256xf32>
    %sub3A_338 = arith.subf %reduce_sum3A_172, %mul3A_337 : vector<256xf32>
    %mul3A_339 = arith.mulf %mul3A_326, %reduce_sum3A_118 : vector<256xf32>
    %sub3A_340 = arith.subf %reduce_sum3A_175, %mul3A_339 : vector<256xf32>
    %mul3A_341 = arith.mulf %mul3A_326, %reduce_sum3A_121 : vector<256xf32>
    %sub3A_342 = arith.subf %reduce_sum3A_178, %mul3A_341 : vector<256xf32>
    %mul3A_343 = arith.mulf %mul3A_326, %broadcast_in_dim3A_284 : vector<256xf32>
    %sub3A_344 = arith.subf %broadcast_in_dim3A_288, %mul3A_343 : vector<256xf32>
    %mul3A_345 = arith.mulf %reduce_sum3A_103, %div3A_304 : vector<256xf32>
    %mul3A_346 = arith.mulf %mul3A_345, %reduce_sum3A_103 : vector<256xf32>
    %sub3A_347 = arith.subf %add3A_184, %mul3A_346 : vector<256xf32>
    %mul3A_348 = arith.mulf %mul3A_345, %reduce_sum3A_106 : vector<256xf32>
    %sub3A_349 = arith.subf %reduce_sum3A_187, %mul3A_348 : vector<256xf32>
    %mul3A_350 = arith.mulf %mul3A_345, %reduce_sum3A_109 : vector<256xf32>
    %sub3A_351 = arith.subf %reduce_sum3A_190, %mul3A_350 : vector<256xf32>
    %mul3A_352 = arith.mulf %mul3A_345, %reduce_sum3A_112 : vector<256xf32>
    %sub3A_353 = arith.subf %reduce_sum3A_193, %mul3A_352 : vector<256xf32>
    %mul3A_354 = arith.mulf %mul3A_345, %reduce_sum3A_115 : vector<256xf32>
    %sub3A_355 = arith.subf %reduce_sum3A_196, %mul3A_354 : vector<256xf32>
    %mul3A_356 = arith.mulf %mul3A_345, %reduce_sum3A_118 : vector<256xf32>
    %sub3A_357 = arith.subf %reduce_sum3A_199, %mul3A_356 : vector<256xf32>
    %mul3A_358 = arith.mulf %mul3A_345, %reduce_sum3A_121 : vector<256xf32>
    %sub3A_359 = arith.subf %reduce_sum3A_202, %mul3A_358 : vector<256xf32>
    %mul3A_360 = arith.mulf %mul3A_345, %broadcast_in_dim3A_284 : vector<256xf32>
    %sub3A_361 = arith.subf %broadcast_in_dim3A_290, %mul3A_360 : vector<256xf32>
    %mul3A_362 = arith.mulf %reduce_sum3A_106, %div3A_304 : vector<256xf32>
    %mul3A_363 = arith.mulf %mul3A_362, %reduce_sum3A_106 : vector<256xf32>
    %sub3A_364 = arith.subf %add3A_208, %mul3A_363 : vector<256xf32>
    %mul3A_365 = arith.mulf %mul3A_362, %reduce_sum3A_109 : vector<256xf32>
    %sub3A_366 = arith.subf %reduce_sum3A_211, %mul3A_365 : vector<256xf32>
    %mul3A_367 = arith.mulf %mul3A_362, %reduce_sum3A_112 : vector<256xf32>
    %sub3A_368 = arith.subf %reduce_sum3A_214, %mul3A_367 : vector<256xf32>
    %mul3A_369 = arith.mulf %mul3A_362, %reduce_sum3A_115 : vector<256xf32>
    %sub3A_370 = arith.subf %reduce_sum3A_217, %mul3A_369 : vector<256xf32>
    %mul3A_371 = arith.mulf %mul3A_362, %reduce_sum3A_118 : vector<256xf32>
    %sub3A_372 = arith.subf %reduce_sum3A_220, %mul3A_371 : vector<256xf32>
    %mul3A_373 = arith.mulf %mul3A_362, %reduce_sum3A_121 : vector<256xf32>
    %sub3A_374 = arith.subf %reduce_sum3A_223, %mul3A_373 : vector<256xf32>
    %mul3A_375 = arith.mulf %mul3A_362, %broadcast_in_dim3A_284 : vector<256xf32>
    %sub3A_376 = arith.subf %broadcast_in_dim3A_292, %mul3A_375 : vector<256xf32>
    %mul3A_377 = arith.mulf %reduce_sum3A_109, %div3A_304 : vector<256xf32>
    %mul3A_378 = arith.mulf %mul3A_377, %reduce_sum3A_109 : vector<256xf32>
    %sub3A_379 = arith.subf %add3A_229, %mul3A_378 : vector<256xf32>
    %mul3A_380 = arith.mulf %mul3A_377, %reduce_sum3A_112 : vector<256xf32>
    %sub3A_381 = arith.subf %reduce_sum3A_232, %mul3A_380 : vector<256xf32>
    %mul3A_382 = arith.mulf %mul3A_377, %reduce_sum3A_115 : vector<256xf32>
    %sub3A_383 = arith.subf %reduce_sum3A_235, %mul3A_382 : vector<256xf32>
    %mul3A_384 = arith.mulf %mul3A_377, %reduce_sum3A_118 : vector<256xf32>
    %sub3A_385 = arith.subf %reduce_sum3A_238, %mul3A_384 : vector<256xf32>
    %mul3A_386 = arith.mulf %mul3A_377, %reduce_sum3A_121 : vector<256xf32>
    %sub3A_387 = arith.subf %reduce_sum3A_241, %mul3A_386 : vector<256xf32>
    %mul3A_388 = arith.mulf %mul3A_377, %broadcast_in_dim3A_284 : vector<256xf32>
    %sub3A_389 = arith.subf %broadcast_in_dim3A_294, %mul3A_388 : vector<256xf32>
    %mul3A_390 = arith.mulf %reduce_sum3A_112, %div3A_304 : vector<256xf32>
    %mul3A_391 = arith.mulf %mul3A_390, %reduce_sum3A_112 : vector<256xf32>
    %sub3A_392 = arith.subf %add3A_247, %mul3A_391 : vector<256xf32>
    %mul3A_393 = arith.mulf %mul3A_390, %reduce_sum3A_115 : vector<256xf32>
    %sub3A_394 = arith.subf %reduce_sum3A_250, %mul3A_393 : vector<256xf32>
    %mul3A_395 = arith.mulf %mul3A_390, %reduce_sum3A_118 : vector<256xf32>
    %sub3A_396 = arith.subf %reduce_sum3A_253, %mul3A_395 : vector<256xf32>
    %mul3A_397 = arith.mulf %mul3A_390, %reduce_sum3A_121 : vector<256xf32>
    %sub3A_398 = arith.subf %reduce_sum3A_256, %mul3A_397 : vector<256xf32>
    %mul3A_399 = arith.mulf %mul3A_390, %broadcast_in_dim3A_284 : vector<256xf32>
    %sub3A_400 = arith.subf %broadcast_in_dim3A_296, %mul3A_399 : vector<256xf32>
    %mul3A_401 = arith.mulf %reduce_sum3A_115, %div3A_304 : vector<256xf32>
    %mul3A_402 = arith.mulf %mul3A_401, %reduce_sum3A_115 : vector<256xf32>
    %sub3A_403 = arith.subf %add3A_262, %mul3A_402 : vector<256xf32>
    %mul3A_404 = arith.mulf %mul3A_401, %reduce_sum3A_118 : vector<256xf32>
    %sub3A_405 = arith.subf %reduce_sum3A_265, %mul3A_404 : vector<256xf32>
    %mul3A_406 = arith.mulf %mul3A_401, %reduce_sum3A_121 : vector<256xf32>
    %sub3A_407 = arith.subf %reduce_sum3A_268, %mul3A_406 : vector<256xf32>
    %mul3A_408 = arith.mulf %mul3A_401, %broadcast_in_dim3A_284 : vector<256xf32>
    %sub3A_409 = arith.subf %broadcast_in_dim3A_298, %mul3A_408 : vector<256xf32>
    %mul3A_410 = arith.mulf %reduce_sum3A_118, %div3A_304 : vector<256xf32>
    %mul3A_411 = arith.mulf %mul3A_410, %reduce_sum3A_118 : vector<256xf32>
    %sub3A_412 = arith.subf %add3A_274, %mul3A_411 : vector<256xf32>
    %mul3A_413 = arith.mulf %mul3A_410, %reduce_sum3A_121 : vector<256xf32>
    %sub3A_414 = arith.subf %reduce_sum3A_277, %mul3A_413 : vector<256xf32>
    %mul3A_415 = arith.mulf %mul3A_410, %broadcast_in_dim3A_284 : vector<256xf32>
    %sub3A_416 = arith.subf %broadcast_in_dim3A_300, %mul3A_415 : vector<256xf32>
    %mul3A_417 = arith.mulf %reduce_sum3A_121, %div3A_304 : vector<256xf32>
    %mul3A_418 = arith.mulf %mul3A_417, %reduce_sum3A_121 : vector<256xf32>
    %sub3A_419 = arith.subf %add3A_283, %mul3A_418 : vector<256xf32>
    %mul3A_420 = arith.mulf %mul3A_417, %broadcast_in_dim3A_284 : vector<256xf32>
    %sub3A_421 = arith.subf %broadcast_in_dim3A_302, %mul3A_420 : vector<256xf32>
    %div3A_422 = arith.constant 1.000000e+00 : f32
    %div3A_423 = vector.broadcast %div3A_422 : f32 to vector<256xf32>
    %div3A_424 = arith.divf %div3A_423, %sub3A_307 : vector<256xf32>
    %mul3A_425 = arith.mulf %sub3A_309, %div3A_424 : vector<256xf32>
    %mul3A_426 = arith.mulf %mul3A_425, %sub3A_309 : vector<256xf32>
    %sub3A_427 = arith.subf %sub3A_328, %mul3A_426 : vector<256xf32>
    %mul3A_428 = arith.mulf %mul3A_425, %sub3A_311 : vector<256xf32>
    %sub3A_429 = arith.subf %sub3A_330, %mul3A_428 : vector<256xf32>
    %mul3A_430 = arith.mulf %mul3A_425, %sub3A_313 : vector<256xf32>
    %sub3A_431 = arith.subf %sub3A_332, %mul3A_430 : vector<256xf32>
    %mul3A_432 = arith.mulf %mul3A_425, %sub3A_315 : vector<256xf32>
    %sub3A_433 = arith.subf %sub3A_334, %mul3A_432 : vector<256xf32>
    %mul3A_434 = arith.mulf %mul3A_425, %sub3A_317 : vector<256xf32>
    %sub3A_435 = arith.subf %sub3A_336, %mul3A_434 : vector<256xf32>
    %mul3A_436 = arith.mulf %mul3A_425, %sub3A_319 : vector<256xf32>
    %sub3A_437 = arith.subf %sub3A_338, %mul3A_436 : vector<256xf32>
    %mul3A_438 = arith.mulf %mul3A_425, %sub3A_321 : vector<256xf32>
    %sub3A_439 = arith.subf %sub3A_340, %mul3A_438 : vector<256xf32>
    %mul3A_440 = arith.mulf %mul3A_425, %sub3A_323 : vector<256xf32>
    %sub3A_441 = arith.subf %sub3A_342, %mul3A_440 : vector<256xf32>
    %mul3A_442 = arith.mulf %mul3A_425, %sub3A_325 : vector<256xf32>
    %sub3A_443 = arith.subf %sub3A_344, %mul3A_442 : vector<256xf32>
    %mul3A_444 = arith.mulf %sub3A_311, %div3A_424 : vector<256xf32>
    %mul3A_445 = arith.mulf %mul3A_444, %sub3A_311 : vector<256xf32>
    %sub3A_446 = arith.subf %sub3A_347, %mul3A_445 : vector<256xf32>
    %mul3A_447 = arith.mulf %mul3A_444, %sub3A_313 : vector<256xf32>
    %sub3A_448 = arith.subf %sub3A_349, %mul3A_447 : vector<256xf32>
    %mul3A_449 = arith.mulf %mul3A_444, %sub3A_315 : vector<256xf32>
    %sub3A_450 = arith.subf %sub3A_351, %mul3A_449 : vector<256xf32>
    %mul3A_451 = arith.mulf %mul3A_444, %sub3A_317 : vector<256xf32>
    %sub3A_452 = arith.subf %sub3A_353, %mul3A_451 : vector<256xf32>
    %mul3A_453 = arith.mulf %mul3A_444, %sub3A_319 : vector<256xf32>
    %sub3A_454 = arith.subf %sub3A_355, %mul3A_453 : vector<256xf32>
    %mul3A_455 = arith.mulf %mul3A_444, %sub3A_321 : vector<256xf32>
    %sub3A_456 = arith.subf %sub3A_357, %mul3A_455 : vector<256xf32>
    %mul3A_457 = arith.mulf %mul3A_444, %sub3A_323 : vector<256xf32>
    %sub3A_458 = arith.subf %sub3A_359, %mul3A_457 : vector<256xf32>
    %mul3A_459 = arith.mulf %mul3A_444, %sub3A_325 : vector<256xf32>
    %sub3A_460 = arith.subf %sub3A_361, %mul3A_459 : vector<256xf32>
    %mul3A_461 = arith.mulf %sub3A_313, %div3A_424 : vector<256xf32>
    %mul3A_462 = arith.mulf %mul3A_461, %sub3A_313 : vector<256xf32>
    %sub3A_463 = arith.subf %sub3A_364, %mul3A_462 : vector<256xf32>
    %mul3A_464 = arith.mulf %mul3A_461, %sub3A_315 : vector<256xf32>
    %sub3A_465 = arith.subf %sub3A_366, %mul3A_464 : vector<256xf32>
    %mul3A_466 = arith.mulf %mul3A_461, %sub3A_317 : vector<256xf32>
    %sub3A_467 = arith.subf %sub3A_368, %mul3A_466 : vector<256xf32>
    %mul3A_468 = arith.mulf %mul3A_461, %sub3A_319 : vector<256xf32>
    %sub3A_469 = arith.subf %sub3A_370, %mul3A_468 : vector<256xf32>
    %mul3A_470 = arith.mulf %mul3A_461, %sub3A_321 : vector<256xf32>
    %sub3A_471 = arith.subf %sub3A_372, %mul3A_470 : vector<256xf32>
    %mul3A_472 = arith.mulf %mul3A_461, %sub3A_323 : vector<256xf32>
    %sub3A_473 = arith.subf %sub3A_374, %mul3A_472 : vector<256xf32>
    %mul3A_474 = arith.mulf %mul3A_461, %sub3A_325 : vector<256xf32>
    %sub3A_475 = arith.subf %sub3A_376, %mul3A_474 : vector<256xf32>
    %mul3A_476 = arith.mulf %sub3A_315, %div3A_424 : vector<256xf32>
    %mul3A_477 = arith.mulf %mul3A_476, %sub3A_315 : vector<256xf32>
    %sub3A_478 = arith.subf %sub3A_379, %mul3A_477 : vector<256xf32>
    %mul3A_479 = arith.mulf %mul3A_476, %sub3A_317 : vector<256xf32>
    %sub3A_480 = arith.subf %sub3A_381, %mul3A_479 : vector<256xf32>
    %mul3A_481 = arith.mulf %mul3A_476, %sub3A_319 : vector<256xf32>
    %sub3A_482 = arith.subf %sub3A_383, %mul3A_481 : vector<256xf32>
    %mul3A_483 = arith.mulf %mul3A_476, %sub3A_321 : vector<256xf32>
    %sub3A_484 = arith.subf %sub3A_385, %mul3A_483 : vector<256xf32>
    %mul3A_485 = arith.mulf %mul3A_476, %sub3A_323 : vector<256xf32>
    %sub3A_486 = arith.subf %sub3A_387, %mul3A_485 : vector<256xf32>
    %mul3A_487 = arith.mulf %mul3A_476, %sub3A_325 : vector<256xf32>
    %sub3A_488 = arith.subf %sub3A_389, %mul3A_487 : vector<256xf32>
    %mul3A_489 = arith.mulf %sub3A_317, %div3A_424 : vector<256xf32>
    %mul3A_490 = arith.mulf %mul3A_489, %sub3A_317 : vector<256xf32>
    %sub3A_491 = arith.subf %sub3A_392, %mul3A_490 : vector<256xf32>
    %mul3A_492 = arith.mulf %mul3A_489, %sub3A_319 : vector<256xf32>
    %sub3A_493 = arith.subf %sub3A_394, %mul3A_492 : vector<256xf32>
    %mul3A_494 = arith.mulf %mul3A_489, %sub3A_321 : vector<256xf32>
    %sub3A_495 = arith.subf %sub3A_396, %mul3A_494 : vector<256xf32>
    %mul3A_496 = arith.mulf %mul3A_489, %sub3A_323 : vector<256xf32>
    %sub3A_497 = arith.subf %sub3A_398, %mul3A_496 : vector<256xf32>
    %mul3A_498 = arith.mulf %mul3A_489, %sub3A_325 : vector<256xf32>
    %sub3A_499 = arith.subf %sub3A_400, %mul3A_498 : vector<256xf32>
    %mul3A_500 = arith.mulf %sub3A_319, %div3A_424 : vector<256xf32>
    %mul3A_501 = arith.mulf %mul3A_500, %sub3A_319 : vector<256xf32>
    %sub3A_502 = arith.subf %sub3A_403, %mul3A_501 : vector<256xf32>
    %mul3A_503 = arith.mulf %mul3A_500, %sub3A_321 : vector<256xf32>
    %sub3A_504 = arith.subf %sub3A_405, %mul3A_503 : vector<256xf32>
    %mul3A_505 = arith.mulf %mul3A_500, %sub3A_323 : vector<256xf32>
    %sub3A_506 = arith.subf %sub3A_407, %mul3A_505 : vector<256xf32>
    %mul3A_507 = arith.mulf %mul3A_500, %sub3A_325 : vector<256xf32>
    %sub3A_508 = arith.subf %sub3A_409, %mul3A_507 : vector<256xf32>
    %mul3A_509 = arith.mulf %sub3A_321, %div3A_424 : vector<256xf32>
    %mul3A_510 = arith.mulf %mul3A_509, %sub3A_321 : vector<256xf32>
    %sub3A_511 = arith.subf %sub3A_412, %mul3A_510 : vector<256xf32>
    %mul3A_512 = arith.mulf %mul3A_509, %sub3A_323 : vector<256xf32>
    %sub3A_513 = arith.subf %sub3A_414, %mul3A_512 : vector<256xf32>
    %mul3A_514 = arith.mulf %mul3A_509, %sub3A_325 : vector<256xf32>
    %sub3A_515 = arith.subf %sub3A_416, %mul3A_514 : vector<256xf32>
    %mul3A_516 = arith.mulf %sub3A_323, %div3A_424 : vector<256xf32>
    %mul3A_517 = arith.mulf %mul3A_516, %sub3A_323 : vector<256xf32>
    %sub3A_518 = arith.subf %sub3A_419, %mul3A_517 : vector<256xf32>
    %mul3A_519 = arith.mulf %mul3A_516, %sub3A_325 : vector<256xf32>
    %sub3A_520 = arith.subf %sub3A_421, %mul3A_519 : vector<256xf32>
    %div3A_521 = arith.constant 1.000000e+00 : f32
    %div3A_522 = vector.broadcast %div3A_521 : f32 to vector<256xf32>
    %div3A_523 = arith.divf %div3A_522, %sub3A_427 : vector<256xf32>
    %mul3A_524 = arith.mulf %sub3A_429, %div3A_523 : vector<256xf32>
    %mul3A_525 = arith.mulf %mul3A_524, %sub3A_429 : vector<256xf32>
    %sub3A_526 = arith.subf %sub3A_446, %mul3A_525 : vector<256xf32>
    %mul3A_527 = arith.mulf %mul3A_524, %sub3A_431 : vector<256xf32>
    %sub3A_528 = arith.subf %sub3A_448, %mul3A_527 : vector<256xf32>
    %mul3A_529 = arith.mulf %mul3A_524, %sub3A_433 : vector<256xf32>
    %sub3A_530 = arith.subf %sub3A_450, %mul3A_529 : vector<256xf32>
    %mul3A_531 = arith.mulf %mul3A_524, %sub3A_435 : vector<256xf32>
    %sub3A_532 = arith.subf %sub3A_452, %mul3A_531 : vector<256xf32>
    %mul3A_533 = arith.mulf %mul3A_524, %sub3A_437 : vector<256xf32>
    %sub3A_534 = arith.subf %sub3A_454, %mul3A_533 : vector<256xf32>
    %mul3A_535 = arith.mulf %mul3A_524, %sub3A_439 : vector<256xf32>
    %sub3A_536 = arith.subf %sub3A_456, %mul3A_535 : vector<256xf32>
    %mul3A_537 = arith.mulf %mul3A_524, %sub3A_441 : vector<256xf32>
    %sub3A_538 = arith.subf %sub3A_458, %mul3A_537 : vector<256xf32>
    %mul3A_539 = arith.mulf %mul3A_524, %sub3A_443 : vector<256xf32>
    %sub3A_540 = arith.subf %sub3A_460, %mul3A_539 : vector<256xf32>
    %mul3A_541 = arith.mulf %sub3A_431, %div3A_523 : vector<256xf32>
    %mul3A_542 = arith.mulf %mul3A_541, %sub3A_431 : vector<256xf32>
    %sub3A_543 = arith.subf %sub3A_463, %mul3A_542 : vector<256xf32>
    %mul3A_544 = arith.mulf %mul3A_541, %sub3A_433 : vector<256xf32>
    %sub3A_545 = arith.subf %sub3A_465, %mul3A_544 : vector<256xf32>
    %mul3A_546 = arith.mulf %mul3A_541, %sub3A_435 : vector<256xf32>
    %sub3A_547 = arith.subf %sub3A_467, %mul3A_546 : vector<256xf32>
    %mul3A_548 = arith.mulf %mul3A_541, %sub3A_437 : vector<256xf32>
    %sub3A_549 = arith.subf %sub3A_469, %mul3A_548 : vector<256xf32>
    %mul3A_550 = arith.mulf %mul3A_541, %sub3A_439 : vector<256xf32>
    %sub3A_551 = arith.subf %sub3A_471, %mul3A_550 : vector<256xf32>
    %mul3A_552 = arith.mulf %mul3A_541, %sub3A_441 : vector<256xf32>
    %sub3A_553 = arith.subf %sub3A_473, %mul3A_552 : vector<256xf32>
    %mul3A_554 = arith.mulf %mul3A_541, %sub3A_443 : vector<256xf32>
    %sub3A_555 = arith.subf %sub3A_475, %mul3A_554 : vector<256xf32>
    %mul3A_556 = arith.mulf %sub3A_433, %div3A_523 : vector<256xf32>
    %mul3A_557 = arith.mulf %mul3A_556, %sub3A_433 : vector<256xf32>
    %sub3A_558 = arith.subf %sub3A_478, %mul3A_557 : vector<256xf32>
    %mul3A_559 = arith.mulf %mul3A_556, %sub3A_435 : vector<256xf32>
    %sub3A_560 = arith.subf %sub3A_480, %mul3A_559 : vector<256xf32>
    %mul3A_561 = arith.mulf %mul3A_556, %sub3A_437 : vector<256xf32>
    %sub3A_562 = arith.subf %sub3A_482, %mul3A_561 : vector<256xf32>
    %mul3A_563 = arith.mulf %mul3A_556, %sub3A_439 : vector<256xf32>
    %sub3A_564 = arith.subf %sub3A_484, %mul3A_563 : vector<256xf32>
    %mul3A_565 = arith.mulf %mul3A_556, %sub3A_441 : vector<256xf32>
    %sub3A_566 = arith.subf %sub3A_486, %mul3A_565 : vector<256xf32>
    %mul3A_567 = arith.mulf %mul3A_556, %sub3A_443 : vector<256xf32>
    %sub3A_568 = arith.subf %sub3A_488, %mul3A_567 : vector<256xf32>
    %mul3A_569 = arith.mulf %sub3A_435, %div3A_523 : vector<256xf32>
    %mul3A_570 = arith.mulf %mul3A_569, %sub3A_435 : vector<256xf32>
    %sub3A_571 = arith.subf %sub3A_491, %mul3A_570 : vector<256xf32>
    %mul3A_572 = arith.mulf %mul3A_569, %sub3A_437 : vector<256xf32>
    %sub3A_573 = arith.subf %sub3A_493, %mul3A_572 : vector<256xf32>
    %mul3A_574 = arith.mulf %mul3A_569, %sub3A_439 : vector<256xf32>
    %sub3A_575 = arith.subf %sub3A_495, %mul3A_574 : vector<256xf32>
    %mul3A_576 = arith.mulf %mul3A_569, %sub3A_441 : vector<256xf32>
    %sub3A_577 = arith.subf %sub3A_497, %mul3A_576 : vector<256xf32>
    %mul3A_578 = arith.mulf %mul3A_569, %sub3A_443 : vector<256xf32>
    %sub3A_579 = arith.subf %sub3A_499, %mul3A_578 : vector<256xf32>
    %mul3A_580 = arith.mulf %sub3A_437, %div3A_523 : vector<256xf32>
    %mul3A_581 = arith.mulf %mul3A_580, %sub3A_437 : vector<256xf32>
    %sub3A_582 = arith.subf %sub3A_502, %mul3A_581 : vector<256xf32>
    %mul3A_583 = arith.mulf %mul3A_580, %sub3A_439 : vector<256xf32>
    %sub3A_584 = arith.subf %sub3A_504, %mul3A_583 : vector<256xf32>
    %mul3A_585 = arith.mulf %mul3A_580, %sub3A_441 : vector<256xf32>
    %sub3A_586 = arith.subf %sub3A_506, %mul3A_585 : vector<256xf32>
    %mul3A_587 = arith.mulf %mul3A_580, %sub3A_443 : vector<256xf32>
    %sub3A_588 = arith.subf %sub3A_508, %mul3A_587 : vector<256xf32>
    %mul3A_589 = arith.mulf %sub3A_439, %div3A_523 : vector<256xf32>
    %mul3A_590 = arith.mulf %mul3A_589, %sub3A_439 : vector<256xf32>
    %sub3A_591 = arith.subf %sub3A_511, %mul3A_590 : vector<256xf32>
    %mul3A_592 = arith.mulf %mul3A_589, %sub3A_441 : vector<256xf32>
    %sub3A_593 = arith.subf %sub3A_513, %mul3A_592 : vector<256xf32>
    %mul3A_594 = arith.mulf %mul3A_589, %sub3A_443 : vector<256xf32>
    %sub3A_595 = arith.subf %sub3A_515, %mul3A_594 : vector<256xf32>
    %mul3A_596 = arith.mulf %sub3A_441, %div3A_523 : vector<256xf32>
    %mul3A_597 = arith.mulf %mul3A_596, %sub3A_441 : vector<256xf32>
    %sub3A_598 = arith.subf %sub3A_518, %mul3A_597 : vector<256xf32>
    %mul3A_599 = arith.mulf %mul3A_596, %sub3A_443 : vector<256xf32>
    %sub3A_600 = arith.subf %sub3A_520, %mul3A_599 : vector<256xf32>
    %div3A_601 = arith.constant 1.000000e+00 : f32
    %div3A_602 = vector.broadcast %div3A_601 : f32 to vector<256xf32>
    %div3A_603 = arith.divf %div3A_602, %sub3A_526 : vector<256xf32>
    %mul3A_604 = arith.mulf %sub3A_528, %div3A_603 : vector<256xf32>
    %mul3A_605 = arith.mulf %mul3A_604, %sub3A_528 : vector<256xf32>
    %sub3A_606 = arith.subf %sub3A_543, %mul3A_605 : vector<256xf32>
    %mul3A_607 = arith.mulf %mul3A_604, %sub3A_530 : vector<256xf32>
    %sub3A_608 = arith.subf %sub3A_545, %mul3A_607 : vector<256xf32>
    %mul3A_609 = arith.mulf %mul3A_604, %sub3A_532 : vector<256xf32>
    %sub3A_610 = arith.subf %sub3A_547, %mul3A_609 : vector<256xf32>
    %mul3A_611 = arith.mulf %mul3A_604, %sub3A_534 : vector<256xf32>
    %sub3A_612 = arith.subf %sub3A_549, %mul3A_611 : vector<256xf32>
    %mul3A_613 = arith.mulf %mul3A_604, %sub3A_536 : vector<256xf32>
    %sub3A_614 = arith.subf %sub3A_551, %mul3A_613 : vector<256xf32>
    %mul3A_615 = arith.mulf %mul3A_604, %sub3A_538 : vector<256xf32>
    %sub3A_616 = arith.subf %sub3A_553, %mul3A_615 : vector<256xf32>
    %mul3A_617 = arith.mulf %mul3A_604, %sub3A_540 : vector<256xf32>
    %sub3A_618 = arith.subf %sub3A_555, %mul3A_617 : vector<256xf32>
    %mul3A_619 = arith.mulf %sub3A_530, %div3A_603 : vector<256xf32>
    %mul3A_620 = arith.mulf %mul3A_619, %sub3A_530 : vector<256xf32>
    %sub3A_621 = arith.subf %sub3A_558, %mul3A_620 : vector<256xf32>
    %mul3A_622 = arith.mulf %mul3A_619, %sub3A_532 : vector<256xf32>
    %sub3A_623 = arith.subf %sub3A_560, %mul3A_622 : vector<256xf32>
    %mul3A_624 = arith.mulf %mul3A_619, %sub3A_534 : vector<256xf32>
    %sub3A_625 = arith.subf %sub3A_562, %mul3A_624 : vector<256xf32>
    %mul3A_626 = arith.mulf %mul3A_619, %sub3A_536 : vector<256xf32>
    %sub3A_627 = arith.subf %sub3A_564, %mul3A_626 : vector<256xf32>
    %mul3A_628 = arith.mulf %mul3A_619, %sub3A_538 : vector<256xf32>
    %sub3A_629 = arith.subf %sub3A_566, %mul3A_628 : vector<256xf32>
    %mul3A_630 = arith.mulf %mul3A_619, %sub3A_540 : vector<256xf32>
    %sub3A_631 = arith.subf %sub3A_568, %mul3A_630 : vector<256xf32>
    %mul3A_632 = arith.mulf %sub3A_532, %div3A_603 : vector<256xf32>
    %mul3A_633 = arith.mulf %mul3A_632, %sub3A_532 : vector<256xf32>
    %sub3A_634 = arith.subf %sub3A_571, %mul3A_633 : vector<256xf32>
    %mul3A_635 = arith.mulf %mul3A_632, %sub3A_534 : vector<256xf32>
    %sub3A_636 = arith.subf %sub3A_573, %mul3A_635 : vector<256xf32>
    %mul3A_637 = arith.mulf %mul3A_632, %sub3A_536 : vector<256xf32>
    %sub3A_638 = arith.subf %sub3A_575, %mul3A_637 : vector<256xf32>
    %mul3A_639 = arith.mulf %mul3A_632, %sub3A_538 : vector<256xf32>
    %sub3A_640 = arith.subf %sub3A_577, %mul3A_639 : vector<256xf32>
    %mul3A_641 = arith.mulf %mul3A_632, %sub3A_540 : vector<256xf32>
    %sub3A_642 = arith.subf %sub3A_579, %mul3A_641 : vector<256xf32>
    %mul3A_643 = arith.mulf %sub3A_534, %div3A_603 : vector<256xf32>
    %mul3A_644 = arith.mulf %mul3A_643, %sub3A_534 : vector<256xf32>
    %sub3A_645 = arith.subf %sub3A_582, %mul3A_644 : vector<256xf32>
    %mul3A_646 = arith.mulf %mul3A_643, %sub3A_536 : vector<256xf32>
    %sub3A_647 = arith.subf %sub3A_584, %mul3A_646 : vector<256xf32>
    %mul3A_648 = arith.mulf %mul3A_643, %sub3A_538 : vector<256xf32>
    %sub3A_649 = arith.subf %sub3A_586, %mul3A_648 : vector<256xf32>
    %mul3A_650 = arith.mulf %mul3A_643, %sub3A_540 : vector<256xf32>
    %sub3A_651 = arith.subf %sub3A_588, %mul3A_650 : vector<256xf32>
    %mul3A_652 = arith.mulf %sub3A_536, %div3A_603 : vector<256xf32>
    %mul3A_653 = arith.mulf %mul3A_652, %sub3A_536 : vector<256xf32>
    %sub3A_654 = arith.subf %sub3A_591, %mul3A_653 : vector<256xf32>
    %mul3A_655 = arith.mulf %mul3A_652, %sub3A_538 : vector<256xf32>
    %sub3A_656 = arith.subf %sub3A_593, %mul3A_655 : vector<256xf32>
    %mul3A_657 = arith.mulf %mul3A_652, %sub3A_540 : vector<256xf32>
    %sub3A_658 = arith.subf %sub3A_595, %mul3A_657 : vector<256xf32>
    %mul3A_659 = arith.mulf %sub3A_538, %div3A_603 : vector<256xf32>
    %mul3A_660 = arith.mulf %mul3A_659, %sub3A_538 : vector<256xf32>
    %sub3A_661 = arith.subf %sub3A_598, %mul3A_660 : vector<256xf32>
    %mul3A_662 = arith.mulf %mul3A_659, %sub3A_540 : vector<256xf32>
    %sub3A_663 = arith.subf %sub3A_600, %mul3A_662 : vector<256xf32>
    %div3A_664 = arith.constant 1.000000e+00 : f32
    %div3A_665 = vector.broadcast %div3A_664 : f32 to vector<256xf32>
    %div3A_666 = arith.divf %div3A_665, %sub3A_606 : vector<256xf32>
    %mul3A_667 = arith.mulf %sub3A_608, %div3A_666 : vector<256xf32>
    %mul3A_668 = arith.mulf %mul3A_667, %sub3A_608 : vector<256xf32>
    %sub3A_669 = arith.subf %sub3A_621, %mul3A_668 : vector<256xf32>
    %mul3A_670 = arith.mulf %mul3A_667, %sub3A_610 : vector<256xf32>
    %sub3A_671 = arith.subf %sub3A_623, %mul3A_670 : vector<256xf32>
    %mul3A_672 = arith.mulf %mul3A_667, %sub3A_612 : vector<256xf32>
    %sub3A_673 = arith.subf %sub3A_625, %mul3A_672 : vector<256xf32>
    %mul3A_674 = arith.mulf %mul3A_667, %sub3A_614 : vector<256xf32>
    %sub3A_675 = arith.subf %sub3A_627, %mul3A_674 : vector<256xf32>
    %mul3A_676 = arith.mulf %mul3A_667, %sub3A_616 : vector<256xf32>
    %sub3A_677 = arith.subf %sub3A_629, %mul3A_676 : vector<256xf32>
    %mul3A_678 = arith.mulf %mul3A_667, %sub3A_618 : vector<256xf32>
    %sub3A_679 = arith.subf %sub3A_631, %mul3A_678 : vector<256xf32>
    %mul3A_680 = arith.mulf %sub3A_610, %div3A_666 : vector<256xf32>
    %mul3A_681 = arith.mulf %mul3A_680, %sub3A_610 : vector<256xf32>
    %sub3A_682 = arith.subf %sub3A_634, %mul3A_681 : vector<256xf32>
    %mul3A_683 = arith.mulf %mul3A_680, %sub3A_612 : vector<256xf32>
    %sub3A_684 = arith.subf %sub3A_636, %mul3A_683 : vector<256xf32>
    %mul3A_685 = arith.mulf %mul3A_680, %sub3A_614 : vector<256xf32>
    %sub3A_686 = arith.subf %sub3A_638, %mul3A_685 : vector<256xf32>
    %mul3A_687 = arith.mulf %mul3A_680, %sub3A_616 : vector<256xf32>
    %sub3A_688 = arith.subf %sub3A_640, %mul3A_687 : vector<256xf32>
    %mul3A_689 = arith.mulf %mul3A_680, %sub3A_618 : vector<256xf32>
    %sub3A_690 = arith.subf %sub3A_642, %mul3A_689 : vector<256xf32>
    %mul3A_691 = arith.mulf %sub3A_612, %div3A_666 : vector<256xf32>
    %mul3A_692 = arith.mulf %mul3A_691, %sub3A_612 : vector<256xf32>
    %sub3A_693 = arith.subf %sub3A_645, %mul3A_692 : vector<256xf32>
    %mul3A_694 = arith.mulf %mul3A_691, %sub3A_614 : vector<256xf32>
    %sub3A_695 = arith.subf %sub3A_647, %mul3A_694 : vector<256xf32>
    %mul3A_696 = arith.mulf %mul3A_691, %sub3A_616 : vector<256xf32>
    %sub3A_697 = arith.subf %sub3A_649, %mul3A_696 : vector<256xf32>
    %mul3A_698 = arith.mulf %mul3A_691, %sub3A_618 : vector<256xf32>
    %sub3A_699 = arith.subf %sub3A_651, %mul3A_698 : vector<256xf32>
    %mul3A_700 = arith.mulf %sub3A_614, %div3A_666 : vector<256xf32>
    %mul3A_701 = arith.mulf %mul3A_700, %sub3A_614 : vector<256xf32>
    %sub3A_702 = arith.subf %sub3A_654, %mul3A_701 : vector<256xf32>
    %mul3A_703 = arith.mulf %mul3A_700, %sub3A_616 : vector<256xf32>
    %sub3A_704 = arith.subf %sub3A_656, %mul3A_703 : vector<256xf32>
    %mul3A_705 = arith.mulf %mul3A_700, %sub3A_618 : vector<256xf32>
    %sub3A_706 = arith.subf %sub3A_658, %mul3A_705 : vector<256xf32>
    %mul3A_707 = arith.mulf %sub3A_616, %div3A_666 : vector<256xf32>
    %mul3A_708 = arith.mulf %mul3A_707, %sub3A_616 : vector<256xf32>
    %sub3A_709 = arith.subf %sub3A_661, %mul3A_708 : vector<256xf32>
    %mul3A_710 = arith.mulf %mul3A_707, %sub3A_618 : vector<256xf32>
    %sub3A_711 = arith.subf %sub3A_663, %mul3A_710 : vector<256xf32>
    %div3A_712 = arith.constant 1.000000e+00 : f32
    %div3A_713 = vector.broadcast %div3A_712 : f32 to vector<256xf32>
    %div3A_714 = arith.divf %div3A_713, %sub3A_669 : vector<256xf32>
    %mul3A_715 = arith.mulf %sub3A_671, %div3A_714 : vector<256xf32>
    %mul3A_716 = arith.mulf %mul3A_715, %sub3A_671 : vector<256xf32>
    %sub3A_717 = arith.subf %sub3A_682, %mul3A_716 : vector<256xf32>
    %mul3A_718 = arith.mulf %mul3A_715, %sub3A_673 : vector<256xf32>
    %sub3A_719 = arith.subf %sub3A_684, %mul3A_718 : vector<256xf32>
    %mul3A_720 = arith.mulf %mul3A_715, %sub3A_675 : vector<256xf32>
    %sub3A_721 = arith.subf %sub3A_686, %mul3A_720 : vector<256xf32>
    %mul3A_722 = arith.mulf %mul3A_715, %sub3A_677 : vector<256xf32>
    %sub3A_723 = arith.subf %sub3A_688, %mul3A_722 : vector<256xf32>
    %mul3A_724 = arith.mulf %mul3A_715, %sub3A_679 : vector<256xf32>
    %sub3A_725 = arith.subf %sub3A_690, %mul3A_724 : vector<256xf32>
    %mul3A_726 = arith.mulf %sub3A_673, %div3A_714 : vector<256xf32>
    %mul3A_727 = arith.mulf %mul3A_726, %sub3A_673 : vector<256xf32>
    %sub3A_728 = arith.subf %sub3A_693, %mul3A_727 : vector<256xf32>
    %mul3A_729 = arith.mulf %mul3A_726, %sub3A_675 : vector<256xf32>
    %sub3A_730 = arith.subf %sub3A_695, %mul3A_729 : vector<256xf32>
    %mul3A_731 = arith.mulf %mul3A_726, %sub3A_677 : vector<256xf32>
    %sub3A_732 = arith.subf %sub3A_697, %mul3A_731 : vector<256xf32>
    %mul3A_733 = arith.mulf %mul3A_726, %sub3A_679 : vector<256xf32>
    %sub3A_734 = arith.subf %sub3A_699, %mul3A_733 : vector<256xf32>
    %mul3A_735 = arith.mulf %sub3A_675, %div3A_714 : vector<256xf32>
    %mul3A_736 = arith.mulf %mul3A_735, %sub3A_675 : vector<256xf32>
    %sub3A_737 = arith.subf %sub3A_702, %mul3A_736 : vector<256xf32>
    %mul3A_738 = arith.mulf %mul3A_735, %sub3A_677 : vector<256xf32>
    %sub3A_739 = arith.subf %sub3A_704, %mul3A_738 : vector<256xf32>
    %mul3A_740 = arith.mulf %mul3A_735, %sub3A_679 : vector<256xf32>
    %sub3A_741 = arith.subf %sub3A_706, %mul3A_740 : vector<256xf32>
    %mul3A_742 = arith.mulf %sub3A_677, %div3A_714 : vector<256xf32>
    %mul3A_743 = arith.mulf %mul3A_742, %sub3A_677 : vector<256xf32>
    %sub3A_744 = arith.subf %sub3A_709, %mul3A_743 : vector<256xf32>
    %mul3A_745 = arith.mulf %mul3A_742, %sub3A_679 : vector<256xf32>
    %sub3A_746 = arith.subf %sub3A_711, %mul3A_745 : vector<256xf32>
    %div3A_747 = arith.constant 1.000000e+00 : f32
    %div3A_748 = vector.broadcast %div3A_747 : f32 to vector<256xf32>
    %div3A_749 = arith.divf %div3A_748, %sub3A_717 : vector<256xf32>
    %mul3A_750 = arith.mulf %sub3A_719, %div3A_749 : vector<256xf32>
    %mul3A_751 = arith.mulf %mul3A_750, %sub3A_719 : vector<256xf32>
    %sub3A_752 = arith.subf %sub3A_728, %mul3A_751 : vector<256xf32>
    %mul3A_753 = arith.mulf %mul3A_750, %sub3A_721 : vector<256xf32>
    %sub3A_754 = arith.subf %sub3A_730, %mul3A_753 : vector<256xf32>
    %mul3A_755 = arith.mulf %mul3A_750, %sub3A_723 : vector<256xf32>
    %sub3A_756 = arith.subf %sub3A_732, %mul3A_755 : vector<256xf32>
    %mul3A_757 = arith.mulf %mul3A_750, %sub3A_725 : vector<256xf32>
    %sub3A_758 = arith.subf %sub3A_734, %mul3A_757 : vector<256xf32>
    %mul3A_759 = arith.mulf %sub3A_721, %div3A_749 : vector<256xf32>
    %mul3A_760 = arith.mulf %mul3A_759, %sub3A_721 : vector<256xf32>
    %sub3A_761 = arith.subf %sub3A_737, %mul3A_760 : vector<256xf32>
    %mul3A_762 = arith.mulf %mul3A_759, %sub3A_723 : vector<256xf32>
    %sub3A_763 = arith.subf %sub3A_739, %mul3A_762 : vector<256xf32>
    %mul3A_764 = arith.mulf %mul3A_759, %sub3A_725 : vector<256xf32>
    %sub3A_765 = arith.subf %sub3A_741, %mul3A_764 : vector<256xf32>
    %mul3A_766 = arith.mulf %sub3A_723, %div3A_749 : vector<256xf32>
    %mul3A_767 = arith.mulf %mul3A_766, %sub3A_723 : vector<256xf32>
    %sub3A_768 = arith.subf %sub3A_744, %mul3A_767 : vector<256xf32>
    %mul3A_769 = arith.mulf %mul3A_766, %sub3A_725 : vector<256xf32>
    %sub3A_770 = arith.subf %sub3A_746, %mul3A_769 : vector<256xf32>
    %div3A_771 = arith.constant 1.000000e+00 : f32
    %div3A_772 = vector.broadcast %div3A_771 : f32 to vector<256xf32>
    %div3A_773 = arith.divf %div3A_772, %sub3A_752 : vector<256xf32>
    %mul3A_774 = arith.mulf %sub3A_754, %div3A_773 : vector<256xf32>
    %mul3A_775 = arith.mulf %mul3A_774, %sub3A_754 : vector<256xf32>
    %sub3A_776 = arith.subf %sub3A_761, %mul3A_775 : vector<256xf32>
    %mul3A_777 = arith.mulf %mul3A_774, %sub3A_756 : vector<256xf32>
    %sub3A_778 = arith.subf %sub3A_763, %mul3A_777 : vector<256xf32>
    %mul3A_779 = arith.mulf %mul3A_774, %sub3A_758 : vector<256xf32>
    %sub3A_780 = arith.subf %sub3A_765, %mul3A_779 : vector<256xf32>
    %mul3A_781 = arith.mulf %sub3A_756, %div3A_773 : vector<256xf32>
    %mul3A_782 = arith.mulf %mul3A_781, %sub3A_756 : vector<256xf32>
    %sub3A_783 = arith.subf %sub3A_768, %mul3A_782 : vector<256xf32>
    %mul3A_784 = arith.mulf %mul3A_781, %sub3A_758 : vector<256xf32>
    %sub3A_785 = arith.subf %sub3A_770, %mul3A_784 : vector<256xf32>
    %div3A_786 = arith.constant 1.000000e+00 : f32
    %div3A_787 = vector.broadcast %div3A_786 : f32 to vector<256xf32>
    %div3A_788 = arith.divf %div3A_787, %sub3A_776 : vector<256xf32>
    %mul3A_789 = arith.mulf %sub3A_778, %div3A_788 : vector<256xf32>
    %mul3A_790 = arith.mulf %mul3A_789, %sub3A_778 : vector<256xf32>
    %sub3A_791 = arith.subf %sub3A_783, %mul3A_790 : vector<256xf32>
    %mul3A_792 = arith.mulf %mul3A_789, %sub3A_780 : vector<256xf32>
    %sub3A_793 = arith.subf %sub3A_785, %mul3A_792 : vector<256xf32>
    %div3A_794 = arith.divf %sub3A_793, %sub3A_791 : vector<256xf32>
    %mul3A_795 = arith.mulf %sub3A_778, %div3A_794 : vector<256xf32>
    %sub3A_796 = arith.subf %sub3A_780, %mul3A_795 : vector<256xf32>
    %div3A_797 = arith.divf %sub3A_796, %sub3A_776 : vector<256xf32>
    %mul3A_798 = arith.mulf %sub3A_754, %div3A_797 : vector<256xf32>
    %sub3A_799 = arith.subf %sub3A_758, %mul3A_798 : vector<256xf32>
    %mul3A_800 = arith.mulf %sub3A_756, %div3A_794 : vector<256xf32>
    %sub3A_801 = arith.subf %sub3A_799, %mul3A_800 : vector<256xf32>
    %div3A_802 = arith.divf %sub3A_801, %sub3A_752 : vector<256xf32>
    %mul3A_803 = arith.mulf %sub3A_719, %div3A_802 : vector<256xf32>
    %sub3A_804 = arith.subf %sub3A_725, %mul3A_803 : vector<256xf32>
    %mul3A_805 = arith.mulf %sub3A_721, %div3A_797 : vector<256xf32>
    %sub3A_806 = arith.subf %sub3A_804, %mul3A_805 : vector<256xf32>
    %mul3A_807 = arith.mulf %sub3A_723, %div3A_794 : vector<256xf32>
    %sub3A_808 = arith.subf %sub3A_806, %mul3A_807 : vector<256xf32>
    %div3A_809 = arith.divf %sub3A_808, %sub3A_717 : vector<256xf32>
    %mul3A_810 = arith.mulf %sub3A_671, %div3A_809 : vector<256xf32>
    %sub3A_811 = arith.subf %sub3A_679, %mul3A_810 : vector<256xf32>
    %mul3A_812 = arith.mulf %sub3A_673, %div3A_802 : vector<256xf32>
    %sub3A_813 = arith.subf %sub3A_811, %mul3A_812 : vector<256xf32>
    %mul3A_814 = arith.mulf %sub3A_675, %div3A_797 : vector<256xf32>
    %sub3A_815 = arith.subf %sub3A_813, %mul3A_814 : vector<256xf32>
    %mul3A_816 = arith.mulf %sub3A_677, %div3A_794 : vector<256xf32>
    %sub3A_817 = arith.subf %sub3A_815, %mul3A_816 : vector<256xf32>
    %div3A_818 = arith.divf %sub3A_817, %sub3A_669 : vector<256xf32>
    %mul3A_819 = arith.mulf %sub3A_608, %div3A_818 : vector<256xf32>
    %sub3A_820 = arith.subf %sub3A_618, %mul3A_819 : vector<256xf32>
    %mul3A_821 = arith.mulf %sub3A_610, %div3A_809 : vector<256xf32>
    %sub3A_822 = arith.subf %sub3A_820, %mul3A_821 : vector<256xf32>
    %mul3A_823 = arith.mulf %sub3A_612, %div3A_802 : vector<256xf32>
    %sub3A_824 = arith.subf %sub3A_822, %mul3A_823 : vector<256xf32>
    %mul3A_825 = arith.mulf %sub3A_614, %div3A_797 : vector<256xf32>
    %sub3A_826 = arith.subf %sub3A_824, %mul3A_825 : vector<256xf32>
    %mul3A_827 = arith.mulf %sub3A_616, %div3A_794 : vector<256xf32>
    %sub3A_828 = arith.subf %sub3A_826, %mul3A_827 : vector<256xf32>
    %div3A_829 = arith.divf %sub3A_828, %sub3A_606 : vector<256xf32>
    %mul3A_830 = arith.mulf %sub3A_528, %div3A_829 : vector<256xf32>
    %sub3A_831 = arith.subf %sub3A_540, %mul3A_830 : vector<256xf32>
    %mul3A_832 = arith.mulf %sub3A_530, %div3A_818 : vector<256xf32>
    %sub3A_833 = arith.subf %sub3A_831, %mul3A_832 : vector<256xf32>
    %mul3A_834 = arith.mulf %sub3A_532, %div3A_809 : vector<256xf32>
    %sub3A_835 = arith.subf %sub3A_833, %mul3A_834 : vector<256xf32>
    %mul3A_836 = arith.mulf %sub3A_534, %div3A_802 : vector<256xf32>
    %sub3A_837 = arith.subf %sub3A_835, %mul3A_836 : vector<256xf32>
    %mul3A_838 = arith.mulf %sub3A_536, %div3A_797 : vector<256xf32>
    %sub3A_839 = arith.subf %sub3A_837, %mul3A_838 : vector<256xf32>
    %mul3A_840 = arith.mulf %sub3A_538, %div3A_794 : vector<256xf32>
    %sub3A_841 = arith.subf %sub3A_839, %mul3A_840 : vector<256xf32>
    %div3A_842 = arith.divf %sub3A_841, %sub3A_526 : vector<256xf32>
    %mul3A_843 = arith.mulf %sub3A_429, %div3A_842 : vector<256xf32>
    %sub3A_844 = arith.subf %sub3A_443, %mul3A_843 : vector<256xf32>
    %mul3A_845 = arith.mulf %sub3A_431, %div3A_829 : vector<256xf32>
    %sub3A_846 = arith.subf %sub3A_844, %mul3A_845 : vector<256xf32>
    %mul3A_847 = arith.mulf %sub3A_433, %div3A_818 : vector<256xf32>
    %sub3A_848 = arith.subf %sub3A_846, %mul3A_847 : vector<256xf32>
    %mul3A_849 = arith.mulf %sub3A_435, %div3A_809 : vector<256xf32>
    %sub3A_850 = arith.subf %sub3A_848, %mul3A_849 : vector<256xf32>
    %mul3A_851 = arith.mulf %sub3A_437, %div3A_802 : vector<256xf32>
    %sub3A_852 = arith.subf %sub3A_850, %mul3A_851 : vector<256xf32>
    %mul3A_853 = arith.mulf %sub3A_439, %div3A_797 : vector<256xf32>
    %sub3A_854 = arith.subf %sub3A_852, %mul3A_853 : vector<256xf32>
    %mul3A_855 = arith.mulf %sub3A_441, %div3A_794 : vector<256xf32>
    %sub3A_856 = arith.subf %sub3A_854, %mul3A_855 : vector<256xf32>
    %div3A_857 = arith.divf %sub3A_856, %sub3A_427 : vector<256xf32>
    %mul3A_858 = arith.mulf %sub3A_309, %div3A_857 : vector<256xf32>
    %sub3A_859 = arith.subf %sub3A_325, %mul3A_858 : vector<256xf32>
    %mul3A_860 = arith.mulf %sub3A_311, %div3A_842 : vector<256xf32>
    %sub3A_861 = arith.subf %sub3A_859, %mul3A_860 : vector<256xf32>
    %mul3A_862 = arith.mulf %sub3A_313, %div3A_829 : vector<256xf32>
    %sub3A_863 = arith.subf %sub3A_861, %mul3A_862 : vector<256xf32>
    %mul3A_864 = arith.mulf %sub3A_315, %div3A_818 : vector<256xf32>
    %sub3A_865 = arith.subf %sub3A_863, %mul3A_864 : vector<256xf32>
    %mul3A_866 = arith.mulf %sub3A_317, %div3A_809 : vector<256xf32>
    %sub3A_867 = arith.subf %sub3A_865, %mul3A_866 : vector<256xf32>
    %mul3A_868 = arith.mulf %sub3A_319, %div3A_802 : vector<256xf32>
    %sub3A_869 = arith.subf %sub3A_867, %mul3A_868 : vector<256xf32>
    %mul3A_870 = arith.mulf %sub3A_321, %div3A_797 : vector<256xf32>
    %sub3A_871 = arith.subf %sub3A_869, %mul3A_870 : vector<256xf32>
    %mul3A_872 = arith.mulf %sub3A_323, %div3A_794 : vector<256xf32>
    %sub3A_873 = arith.subf %sub3A_871, %mul3A_872 : vector<256xf32>
    %div3A_874 = arith.divf %sub3A_873, %sub3A_307 : vector<256xf32>
    %mul3A_875 = arith.mulf %reduce_sum3A_97, %div3A_874 : vector<256xf32>
    %sub3A_876 = arith.subf %broadcast_in_dim3A_284, %mul3A_875 : vector<256xf32>
    %mul3A_877 = arith.mulf %reduce_sum3A_100, %div3A_857 : vector<256xf32>
    %sub3A_878 = arith.subf %sub3A_876, %mul3A_877 : vector<256xf32>
    %mul3A_879 = arith.mulf %reduce_sum3A_103, %div3A_842 : vector<256xf32>
    %sub3A_880 = arith.subf %sub3A_878, %mul3A_879 : vector<256xf32>
    %mul3A_881 = arith.mulf %reduce_sum3A_106, %div3A_829 : vector<256xf32>
    %sub3A_882 = arith.subf %sub3A_880, %mul3A_881 : vector<256xf32>
    %mul3A_883 = arith.mulf %reduce_sum3A_109, %div3A_818 : vector<256xf32>
    %sub3A_884 = arith.subf %sub3A_882, %mul3A_883 : vector<256xf32>
    %mul3A_885 = arith.mulf %reduce_sum3A_112, %div3A_809 : vector<256xf32>
    %sub3A_886 = arith.subf %sub3A_884, %mul3A_885 : vector<256xf32>
    %mul3A_887 = arith.mulf %reduce_sum3A_115, %div3A_802 : vector<256xf32>
    %sub3A_888 = arith.subf %sub3A_886, %mul3A_887 : vector<256xf32>
    %mul3A_889 = arith.mulf %reduce_sum3A_118, %div3A_797 : vector<256xf32>
    %sub3A_890 = arith.subf %sub3A_888, %mul3A_889 : vector<256xf32>
    %mul3A_891 = arith.mulf %reduce_sum3A_121, %div3A_794 : vector<256xf32>
    %sub3A_892 = arith.subf %sub3A_890, %mul3A_891 : vector<256xf32>
    %div3A_893 = arith.divf %sub3A_892, %add3A_94 : vector<256xf32>
    %add3A_894 = arith.addf %div3A_893, %div3A_874 : vector<256xf32>
    %add3A_895 = arith.addf %add3A_894, %div3A_857 : vector<256xf32>
    %add3A_896 = arith.addf %add3A_895, %div3A_842 : vector<256xf32>
    %add3A_897 = arith.addf %add3A_896, %div3A_829 : vector<256xf32>
    %add3A_898 = arith.addf %add3A_897, %div3A_818 : vector<256xf32>
    %add3A_899 = arith.addf %add3A_898, %div3A_809 : vector<256xf32>
    %add3A_900 = arith.addf %add3A_899, %div3A_802 : vector<256xf32>
    %add3A_901 = arith.addf %add3A_900, %div3A_797 : vector<256xf32>
    %add3A_902 = arith.addf %add3A_901, %div3A_794 : vector<256xf32>
    %div3A_903 = arith.constant 1.000000e+00 : f32
    %div3A_904 = vector.broadcast %div3A_903 : f32 to vector<256xf32>
    %div3A_905 = arith.divf %div3A_904, %add3A_902 : vector<256xf32>
    %broadcast_in_dim3A_906 = arith.constant 0.000000e+00 : f32
    %broadcast_in_dim3A_907 = vector.broadcast %broadcast_in_dim3A_906 : f32 to vector<32x256xf32>
    %mul3A_908 = arith.mulf %div3A_893, %div3A_905 : vector<256xf32>
    %broadcast_in_dim3A_909 = vector.shape_cast %mul3A_908 : vector<256xf32> to vector<1x256xf32>
    %get3A_910 = arith.constant 0 : index
    %get3A_911 = arith.constant 0 : index
    %get3A_912 = arith.constant 0 : index
    %get3A_913 = vector.load %arg4[%get3A_910, %get3A_911, %get3A_912] : memref<10x256x128xf32, #tpu.memory_space<vmem>>, vector<1x256x128xf32>
    %get3A_914 = vector.shape_cast %get3A_913 : vector<1x256x128xf32> to vector<256x128xf32>
    %dot_general3A_915 = arith.constant dense<0.000000e+00> : vector<128x256xf32>
    %dot_general3A_916 = tpu.matmul %get3A_914, %mul3A_5, %dot_general3A_915 {dimension_numbers = #tpu.dot_dimension_numbers<[0], [0], [1], [1], [0, 1, 1, 1], [], []>, transpose_lhs_hint = false} : vector<256x128xf32>, vector<256x256xf32>, vector<128x256xf32> -> vector<128x256xf32>
    %slice3A = vector.extract_strided_slice %dot_general3A_916 {offsets = [0, 0], sizes = [32, 256], strides = [1, 1]} : vector<128x256xf32> to vector<32x256xf32>
    %mul3A_917 = vector.broadcast %broadcast_in_dim3A_909 : vector<1x256xf32> to vector<32x256xf32>
    %mul3A_918 = arith.mulf %mul3A_917, %slice3A : vector<32x256xf32>
    %add3A_919 = arith.addf %broadcast_in_dim3A_907, %mul3A_918 : vector<32x256xf32>
    %mul3A_920 = arith.mulf %div3A_874, %div3A_905 : vector<256xf32>
    %broadcast_in_dim3A_921 = vector.shape_cast %mul3A_920 : vector<256xf32> to vector<1x256xf32>
    %get3A_922 = arith.constant 1 : index
    %get3A_923 = arith.constant 0 : index
    %get3A_924 = arith.constant 0 : index
    %get3A_925 = vector.load %arg4[%get3A_922, %get3A_923, %get3A_924] : memref<10x256x128xf32, #tpu.memory_space<vmem>>, vector<1x256x128xf32>
    %get3A_926 = vector.shape_cast %get3A_925 : vector<1x256x128xf32> to vector<256x128xf32>
    %dot_general3A_927 = arith.constant dense<0.000000e+00> : vector<128x256xf32>
    %dot_general3A_928 = tpu.matmul %get3A_926, %mul3A_5, %dot_general3A_927 {dimension_numbers = #tpu.dot_dimension_numbers<[0], [0], [1], [1], [0, 1, 1, 1], [], []>, transpose_lhs_hint = false} : vector<256x128xf32>, vector<256x256xf32>, vector<128x256xf32> -> vector<128x256xf32>
    %slice3A_929 = vector.extract_strided_slice %dot_general3A_928 {offsets = [0, 0], sizes = [32, 256], strides = [1, 1]} : vector<128x256xf32> to vector<32x256xf32>
    %mul3A_930 = vector.broadcast %broadcast_in_dim3A_921 : vector<1x256xf32> to vector<32x256xf32>
    %mul3A_931 = arith.mulf %mul3A_930, %slice3A_929 : vector<32x256xf32>
    %add3A_932 = arith.addf %add3A_919, %mul3A_931 : vector<32x256xf32>
    %mul3A_933 = arith.mulf %div3A_857, %div3A_905 : vector<256xf32>
    %broadcast_in_dim3A_934 = vector.shape_cast %mul3A_933 : vector<256xf32> to vector<1x256xf32>
    %get3A_935 = arith.constant 2 : index
    %get3A_936 = arith.constant 0 : index
    %get3A_937 = arith.constant 0 : index
    %get3A_938 = vector.load %arg4[%get3A_935, %get3A_936, %get3A_937] : memref<10x256x128xf32, #tpu.memory_space<vmem>>, vector<1x256x128xf32>
    %get3A_939 = vector.shape_cast %get3A_938 : vector<1x256x128xf32> to vector<256x128xf32>
    %dot_general3A_940 = arith.constant dense<0.000000e+00> : vector<128x256xf32>
    %dot_general3A_941 = tpu.matmul %get3A_939, %mul3A_5, %dot_general3A_940 {dimension_numbers = #tpu.dot_dimension_numbers<[0], [0], [1], [1], [0, 1, 1, 1], [], []>, transpose_lhs_hint = false} : vector<256x128xf32>, vector<256x256xf32>, vector<128x256xf32> -> vector<128x256xf32>
    %slice3A_942 = vector.extract_strided_slice %dot_general3A_941 {offsets = [0, 0], sizes = [32, 256], strides = [1, 1]} : vector<128x256xf32> to vector<32x256xf32>
    %mul3A_943 = vector.broadcast %broadcast_in_dim3A_934 : vector<1x256xf32> to vector<32x256xf32>
    %mul3A_944 = arith.mulf %mul3A_943, %slice3A_942 : vector<32x256xf32>
    %add3A_945 = arith.addf %add3A_932, %mul3A_944 : vector<32x256xf32>
    %mul3A_946 = arith.mulf %div3A_842, %div3A_905 : vector<256xf32>
    %broadcast_in_dim3A_947 = vector.shape_cast %mul3A_946 : vector<256xf32> to vector<1x256xf32>
    %get3A_948 = arith.constant 3 : index
    %get3A_949 = arith.constant 0 : index
    %get3A_950 = arith.constant 0 : index
    %get3A_951 = vector.load %arg4[%get3A_948, %get3A_949, %get3A_950] : memref<10x256x128xf32, #tpu.memory_space<vmem>>, vector<1x256x128xf32>
    %get3A_952 = vector.shape_cast %get3A_951 : vector<1x256x128xf32> to vector<256x128xf32>
    %dot_general3A_953 = arith.constant dense<0.000000e+00> : vector<128x256xf32>
    %dot_general3A_954 = tpu.matmul %get3A_952, %mul3A_5, %dot_general3A_953 {dimension_numbers = #tpu.dot_dimension_numbers<[0], [0], [1], [1], [0, 1, 1, 1], [], []>, transpose_lhs_hint = false} : vector<256x128xf32>, vector<256x256xf32>, vector<128x256xf32> -> vector<128x256xf32>
    %slice3A_955 = vector.extract_strided_slice %dot_general3A_954 {offsets = [0, 0], sizes = [32, 256], strides = [1, 1]} : vector<128x256xf32> to vector<32x256xf32>
    %mul3A_956 = vector.broadcast %broadcast_in_dim3A_947 : vector<1x256xf32> to vector<32x256xf32>
    %mul3A_957 = arith.mulf %mul3A_956, %slice3A_955 : vector<32x256xf32>
    %add3A_958 = arith.addf %add3A_945, %mul3A_957 : vector<32x256xf32>
    %mul3A_959 = arith.mulf %div3A_829, %div3A_905 : vector<256xf32>
    %broadcast_in_dim3A_960 = vector.shape_cast %mul3A_959 : vector<256xf32> to vector<1x256xf32>
    %get3A_961 = arith.constant 4 : index
    %get3A_962 = arith.constant 0 : index
    %get3A_963 = arith.constant 0 : index
    %get3A_964 = vector.load %arg4[%get3A_961, %get3A_962, %get3A_963] : memref<10x256x128xf32, #tpu.memory_space<vmem>>, vector<1x256x128xf32>
    %get3A_965 = vector.shape_cast %get3A_964 : vector<1x256x128xf32> to vector<256x128xf32>
    %dot_general3A_966 = arith.constant dense<0.000000e+00> : vector<128x256xf32>
    %dot_general3A_967 = tpu.matmul %get3A_965, %mul3A_5, %dot_general3A_966 {dimension_numbers = #tpu.dot_dimension_numbers<[0], [0], [1], [1], [0, 1, 1, 1], [], []>, transpose_lhs_hint = false} : vector<256x128xf32>, vector<256x256xf32>, vector<128x256xf32> -> vector<128x256xf32>
    %slice3A_968 = vector.extract_strided_slice %dot_general3A_967 {offsets = [0, 0], sizes = [32, 256], strides = [1, 1]} : vector<128x256xf32> to vector<32x256xf32>
    %mul3A_969 = vector.broadcast %broadcast_in_dim3A_960 : vector<1x256xf32> to vector<32x256xf32>
    %mul3A_970 = arith.mulf %mul3A_969, %slice3A_968 : vector<32x256xf32>
    %add3A_971 = arith.addf %add3A_958, %mul3A_970 : vector<32x256xf32>
    %mul3A_972 = arith.mulf %div3A_818, %div3A_905 : vector<256xf32>
    %broadcast_in_dim3A_973 = vector.shape_cast %mul3A_972 : vector<256xf32> to vector<1x256xf32>
    %get3A_974 = arith.constant 5 : index
    %get3A_975 = arith.constant 0 : index
    %get3A_976 = arith.constant 0 : index
    %get3A_977 = vector.load %arg4[%get3A_974, %get3A_975, %get3A_976] : memref<10x256x128xf32, #tpu.memory_space<vmem>>, vector<1x256x128xf32>
    %get3A_978 = vector.shape_cast %get3A_977 : vector<1x256x128xf32> to vector<256x128xf32>
    %dot_general3A_979 = arith.constant dense<0.000000e+00> : vector<128x256xf32>
    %dot_general3A_980 = tpu.matmul %get3A_978, %mul3A_5, %dot_general3A_979 {dimension_numbers = #tpu.dot_dimension_numbers<[0], [0], [1], [1], [0, 1, 1, 1], [], []>, transpose_lhs_hint = false} : vector<256x128xf32>, vector<256x256xf32>, vector<128x256xf32> -> vector<128x256xf32>
    %slice3A_981 = vector.extract_strided_slice %dot_general3A_980 {offsets = [0, 0], sizes = [32, 256], strides = [1, 1]} : vector<128x256xf32> to vector<32x256xf32>
    %mul3A_982 = vector.broadcast %broadcast_in_dim3A_973 : vector<1x256xf32> to vector<32x256xf32>
    %mul3A_983 = arith.mulf %mul3A_982, %slice3A_981 : vector<32x256xf32>
    %add3A_984 = arith.addf %add3A_971, %mul3A_983 : vector<32x256xf32>
    %mul3A_985 = arith.mulf %div3A_809, %div3A_905 : vector<256xf32>
    %broadcast_in_dim3A_986 = vector.shape_cast %mul3A_985 : vector<256xf32> to vector<1x256xf32>
    %get3A_987 = arith.constant 6 : index
    %get3A_988 = arith.constant 0 : index
    %get3A_989 = arith.constant 0 : index
    %get3A_990 = vector.load %arg4[%get3A_987, %get3A_988, %get3A_989] : memref<10x256x128xf32, #tpu.memory_space<vmem>>, vector<1x256x128xf32>
    %get3A_991 = vector.shape_cast %get3A_990 : vector<1x256x128xf32> to vector<256x128xf32>
    %dot_general3A_992 = arith.constant dense<0.000000e+00> : vector<128x256xf32>
    %dot_general3A_993 = tpu.matmul %get3A_991, %mul3A_5, %dot_general3A_992 {dimension_numbers = #tpu.dot_dimension_numbers<[0], [0], [1], [1], [0, 1, 1, 1], [], []>, transpose_lhs_hint = false} : vector<256x128xf32>, vector<256x256xf32>, vector<128x256xf32> -> vector<128x256xf32>
    %slice3A_994 = vector.extract_strided_slice %dot_general3A_993 {offsets = [0, 0], sizes = [32, 256], strides = [1, 1]} : vector<128x256xf32> to vector<32x256xf32>
    %mul3A_995 = vector.broadcast %broadcast_in_dim3A_986 : vector<1x256xf32> to vector<32x256xf32>
    %mul3A_996 = arith.mulf %mul3A_995, %slice3A_994 : vector<32x256xf32>
    %add3A_997 = arith.addf %add3A_984, %mul3A_996 : vector<32x256xf32>
    %mul3A_998 = arith.mulf %div3A_802, %div3A_905 : vector<256xf32>
    %broadcast_in_dim3A_999 = vector.shape_cast %mul3A_998 : vector<256xf32> to vector<1x256xf32>
    %get3A_1000 = arith.constant 7 : index
    %get3A_1001 = arith.constant 0 : index
    %get3A_1002 = arith.constant 0 : index
    %get3A_1003 = vector.load %arg4[%get3A_1000, %get3A_1001, %get3A_1002] : memref<10x256x128xf32, #tpu.memory_space<vmem>>, vector<1x256x128xf32>
    %get3A_1004 = vector.shape_cast %get3A_1003 : vector<1x256x128xf32> to vector<256x128xf32>
    %dot_general3A_1005 = arith.constant dense<0.000000e+00> : vector<128x256xf32>
    %dot_general3A_1006 = tpu.matmul %get3A_1004, %mul3A_5, %dot_general3A_1005 {dimension_numbers = #tpu.dot_dimension_numbers<[0], [0], [1], [1], [0, 1, 1, 1], [], []>, transpose_lhs_hint = false} : vector<256x128xf32>, vector<256x256xf32>, vector<128x256xf32> -> vector<128x256xf32>
    %slice3A_1007 = vector.extract_strided_slice %dot_general3A_1006 {offsets = [0, 0], sizes = [32, 256], strides = [1, 1]} : vector<128x256xf32> to vector<32x256xf32>
    %mul3A_1008 = vector.broadcast %broadcast_in_dim3A_999 : vector<1x256xf32> to vector<32x256xf32>
    %mul3A_1009 = arith.mulf %mul3A_1008, %slice3A_1007 : vector<32x256xf32>
    %add3A_1010 = arith.addf %add3A_997, %mul3A_1009 : vector<32x256xf32>
    %mul3A_1011 = arith.mulf %div3A_797, %div3A_905 : vector<256xf32>
    %broadcast_in_dim3A_1012 = vector.shape_cast %mul3A_1011 : vector<256xf32> to vector<1x256xf32>
    %get3A_1013 = arith.constant 8 : index
    %get3A_1014 = arith.constant 0 : index
    %get3A_1015 = arith.constant 0 : index
    %get3A_1016 = vector.load %arg4[%get3A_1013, %get3A_1014, %get3A_1015] : memref<10x256x128xf32, #tpu.memory_space<vmem>>, vector<1x256x128xf32>
    %get3A_1017 = vector.shape_cast %get3A_1016 : vector<1x256x128xf32> to vector<256x128xf32>
    %dot_general3A_1018 = arith.constant dense<0.000000e+00> : vector<128x256xf32>
    %dot_general3A_1019 = tpu.matmul %get3A_1017, %mul3A_5, %dot_general3A_1018 {dimension_numbers = #tpu.dot_dimension_numbers<[0], [0], [1], [1], [0, 1, 1, 1], [], []>, transpose_lhs_hint = false} : vector<256x128xf32>, vector<256x256xf32>, vector<128x256xf32> -> vector<128x256xf32>
    %slice3A_1020 = vector.extract_strided_slice %dot_general3A_1019 {offsets = [0, 0], sizes = [32, 256], strides = [1, 1]} : vector<128x256xf32> to vector<32x256xf32>
    %mul3A_1021 = vector.broadcast %broadcast_in_dim3A_1012 : vector<1x256xf32> to vector<32x256xf32>
    %mul3A_1022 = arith.mulf %mul3A_1021, %slice3A_1020 : vector<32x256xf32>
    %add3A_1023 = arith.addf %add3A_1010, %mul3A_1022 : vector<32x256xf32>
    %mul3A_1024 = arith.mulf %div3A_794, %div3A_905 : vector<256xf32>
    %broadcast_in_dim3A_1025 = vector.shape_cast %mul3A_1024 : vector<256xf32> to vector<1x256xf32>
    %get3A_1026 = arith.constant 9 : index
    %get3A_1027 = arith.constant 0 : index
    %get3A_1028 = arith.constant 0 : index
    %get3A_1029 = vector.load %arg4[%get3A_1026, %get3A_1027, %get3A_1028] : memref<10x256x128xf32, #tpu.memory_space<vmem>>, vector<1x256x128xf32>
    %get3A_1030 = vector.shape_cast %get3A_1029 : vector<1x256x128xf32> to vector<256x128xf32>
    %dot_general3A_1031 = arith.constant dense<0.000000e+00> : vector<128x256xf32>
    %dot_general3A_1032 = tpu.matmul %get3A_1030, %mul3A_5, %dot_general3A_1031 {dimension_numbers = #tpu.dot_dimension_numbers<[0], [0], [1], [1], [0, 1, 1, 1], [], []>, transpose_lhs_hint = false} : vector<256x128xf32>, vector<256x256xf32>, vector<128x256xf32> -> vector<128x256xf32>
    %slice3A_1033 = vector.extract_strided_slice %dot_general3A_1032 {offsets = [0, 0], sizes = [32, 256], strides = [1, 1]} : vector<128x256xf32> to vector<32x256xf32>
    %mul3A_1034 = vector.broadcast %broadcast_in_dim3A_1025 : vector<1x256xf32> to vector<32x256xf32>
    %mul3A_1035 = arith.mulf %mul3A_1034, %slice3A_1033 : vector<32x256xf32>
    %add3A_1036 = arith.addf %add3A_1023, %mul3A_1035 : vector<32x256xf32>
    %sub3A_1037 = arith.subf %add3A_1036, %dot_general3A_9 : vector<32x256xf32>
    %integer_pow3A = arith.mulf %sub3A_1037, %sub3A_1037 : vector<32x256xf32>
    %reduce_sum3A_1038 = vector.shape_cast %integer_pow3A : vector<32x256xf32> to vector<1x32x256xf32>
    %reduce_sum3A_1039 = arith.constant dense<0.000000e+00> : vector<1xf32>
    %reduce_sum3A_1040 = vector.multi_reduction <add>, %reduce_sum3A_1038, %reduce_sum3A_1039 [1, 2] : vector<1x32x256xf32> to vector<1xf32>
    %reduce_sum3A_1041 = vector.shape_cast %reduce_sum3A_1040 : vector<1xf32> to vector<1x1x1xf32>
    %reduce_sum3A_1042 = vector.extract %reduce_sum3A_1041[0, 0, 0] : f32 from vector<1x1x1xf32>
    %eq3A_1043 = arith.constant 0 : i32
    %eq3A_1044 = arith.cmpi eq, %arg0, %eq3A_1043 : i32
    %convert_element_type3A_1045 = arith.extui %eq3A_1044 : i1 to i32
    %cond3A = arith.constant 0 : i32
    %cond3A_1046 = arith.cmpi ne, %convert_element_type3A_1045, %cond3A : i32
    scf.if %cond3A_1046 {
      %swap3A_1053 = arith.constant 0.000000e+00 : f32
      %swap3A_1054 = arith.constant 0 : index
      %swap3A_1055 = arith.constant 0 : index
      %swap3A_1056 = memref.load %arg5[%swap3A_1054, %swap3A_1055] : memref<1x1xf32, #tpu.memory_space<smem>>
      memref.store %swap3A_1053, %arg5[%swap3A_1054, %swap3A_1055] : memref<1x1xf32, #tpu.memory_space<smem>>
    } else {
    }
    %get3A_1047 = arith.constant 0 : index
    %get3A_1048 = arith.constant 0 : index
    %get3A_1049 = memref.load %arg5[%get3A_1047, %get3A_1048] : memref<1x1xf32, #tpu.memory_space<smem>>
    %add3A_1050 = arith.addf %get3A_1049, %reduce_sum3A_1042 : f32
    %swap3A = arith.constant 0 : index
    %swap3A_1051 = arith.constant 0 : index
    %swap3A_1052 = memref.load %arg5[%swap3A, %swap3A_1051] : memref<1x1xf32, #tpu.memory_space<smem>>
    memref.store %add3A_1050, %arg5[%swap3A, %swap3A_1051] : memref<1x1xf32, #tpu.memory_space<smem>>
    return
  }
  func.func @transform_0(%arg0: i32) -> (i32, i32) {
    %c0_i32 = arith.constant 0 : i32
    %c0_i32_0 = arith.constant 0 : i32
    return %arg0, %c0_i32 : i32, i32
  }
  func.func @transform_1(%arg0: i32) -> (i32, i32) {
    %c0_i32 = arith.constant 0 : i32
    %c0_i32_0 = arith.constant 0 : i32
    return %arg0, %c0_i32 : i32, i32
  }
  func.func @transform_2(%arg0: i32) -> (i32, i32, i32) {
    %c0_i32 = arith.constant 0 : i32
    %c0_i32_0 = arith.constant 0 : i32
    %c0_i32_1 = arith.constant 0 : i32
    return %c0_i32, %arg0, %c0_i32_0 : i32, i32, i32
  }
  func.func @transform_3(%arg0: i32) -> (i32, i32, i32) {
    %c0_i32 = arith.constant 0 : i32
    %c0_i32_0 = arith.constant 0 : i32
    %c0_i32_1 = arith.constant 0 : i32
    return %c0_i32, %arg0, %c0_i32_0 : i32, i32, i32
  }
  func.func @transform_4(%arg0: i32) -> (i32, i32) {
    %c0_i32 = arith.constant 0 : i32
    %c0_i32_0 = arith.constant 0 : i32
    %c0_i32_1 = arith.constant 0 : i32
    return %c0_i32, %c0_i32_0 : i32, i32
  }
}

module attributes {stable_mosaic.version = 14 : i64} {
  func.func @_knn_body(%arg0: i32, %arg1: memref<512x128xf32, #tpu.memory_space<vmem>>, %arg2: memref<2048x128xf32, #tpu.memory_space<vmem>>, %arg3: memref<512x32xf32, #tpu.memory_space<vmem>>, %arg4: memref<16x512xi32, #tpu.memory_space<vmem>>, %arg5: memref<512x128xf32, #tpu.memory_space<vmem>>, %arg6: memref<512x2048xf32, #tpu.memory_space<vmem>>) attributes {dimension_semantics = [#tpu.dimension_semantics<arbitrary>], iteration_bounds = array<i64: 4>, scalar_prefetch = 0 : i64, scratch_operands = 1 : i64, tpu.core_type = #tpu.core_type<tc>, window_params = [{transform_indices = @transform_0, window_bounds = array<i64: 512, 128>}, {pipeline_mode = #tpu.pipeline_mode<synchronous>, transform_indices = @transform_1, window_bounds = array<i64: 2048, 128>}, {transform_indices = @transform_2, window_bounds = array<i64: 512, 32>}, {transform_indices = @transform_3, window_bounds = array<i64: 16, 512>}, {transform_indices = @transform_4, window_bounds = array<i64: 512, 128>}]} {
    %get3A = arith.constant 0 : index
    %get3A_0 = arith.constant 0 : index
    %get3A_1 = vector.load %arg1[%get3A, %get3A_0] : memref<512x128xf32, #tpu.memory_space<vmem>>, vector<512x128xf32>
    %get3A_2 = arith.constant 0 : index
    %get3A_3 = arith.constant 0 : index
    %get3A_4 = vector.load %arg2[%get3A_2, %get3A_3] : memref<2048x128xf32, #tpu.memory_space<vmem>>, vector<2048x128xf32>
    %get3A_5 = arith.constant 0 : index
    %get3A_6 = arith.constant 0 : index
    %get3A_7 = vector.load %arg3[%get3A_5, %get3A_6] : memref<512x32xf32, #tpu.memory_space<vmem>>, vector<512x32xf32>
    %swap3A = arith.constant 0 : index
    %swap3A_8 = arith.constant 0 : index
    %swap3A_9 = vector.load %arg5[%swap3A, %swap3A_8] : memref<512x128xf32, #tpu.memory_space<vmem>>, vector<512x32xf32>
    tpu.vector_store %arg5[%swap3A, %swap3A_8], %get3A_7 {strides = array<i32>} : memref<512x128xf32, #tpu.memory_space<vmem>>, vector<512x32xf32>,
    %broadcast_in_dim3A = arith.constant 0.000000e+00 : f32
    %broadcast_in_dim3A_10 = vector.broadcast %broadcast_in_dim3A : f32 to vector<512x96xf32>
    %swap3A_11 = arith.constant 0 : index
    %swap3A_12 = arith.constant 32 : index
    %swap3A_13 = vector.load %arg5[%swap3A_11, %swap3A_12] : memref<512x128xf32, #tpu.memory_space<vmem>>, vector<512x96xf32>
    tpu.vector_store %arg5[%swap3A_11, %swap3A_12], %broadcast_in_dim3A_10 {strides = array<i32>} : memref<512x128xf32, #tpu.memory_space<vmem>>, vector<512x96xf32>,
    %dot_general3A = arith.constant dense<0.000000e+00> : vector<512x2048xf32>
    %dot_general3A_14 = tpu.matmul %get3A_1, %get3A_4, %dot_general3A {dimension_numbers = #tpu.dot_dimension_numbers<[1], [1], [0], [0], [0, 0, 1, 0], [], []>, transpose_lhs_hint = false} : vector<512x128xf32>, vector<2048x128xf32>, vector<512x2048xf32> -> vector<512x2048xf32>
    %mul3A = arith.mulf %get3A_4, %get3A_4 : vector<2048x128xf32>
    %reduce_sum3A = arith.constant dense<0.000000e+00> : vector<2048xf32>
    %reduce_sum3A_15 = vector.multi_reduction <add>, %mul3A, %reduce_sum3A [1] : vector<2048x128xf32> to vector<2048xf32>
    %mul3A_16 = arith.mulf %get3A_1, %get3A_1 : vector<512x128xf32>
    %reduce_sum3A_17 = arith.constant dense<0.000000e+00> : vector<512xf32>
    %reduce_sum3A_18 = vector.multi_reduction <add>, %mul3A_16, %reduce_sum3A_17 [1] : vector<512x128xf32> to vector<512xf32>
    %broadcast_in_dim3A_19 = vector.shape_cast %reduce_sum3A_18 : vector<512xf32> to vector<512x1xf32>
    %broadcast_in_dim3A_20 = vector.shape_cast %reduce_sum3A_15 : vector<2048xf32> to vector<1x2048xf32>
    %add3A = vector.broadcast %broadcast_in_dim3A_19 : vector<512x1xf32> to vector<512x2048xf32>
    %add3A_21 = vector.broadcast %broadcast_in_dim3A_20 : vector<1x2048xf32> to vector<512x2048xf32>
    %add3A_22 = arith.addf %add3A, %add3A_21 : vector<512x2048xf32>
    %mul3A_23 = arith.constant 2.000000e+00 : f32
    %mul3A_24 = vector.broadcast %mul3A_23 : f32 to vector<512x2048xf32>
    %mul3A_25 = arith.mulf %mul3A_24, %dot_general3A_14 : vector<512x2048xf32>
    %sub3A = arith.subf %add3A_22, %mul3A_25 : vector<512x2048xf32>
    %swap3A_26 = arith.constant 0 : index
    %swap3A_27 = arith.constant 0 : index
    %swap3A_28 = vector.load %arg6[%swap3A_26, %swap3A_27] : memref<512x2048xf32, #tpu.memory_space<vmem>>, vector<512x2048xf32>
    tpu.vector_store %arg6[%swap3A_26, %swap3A_27], %sub3A {strides = array<i32>} : memref<512x2048xf32, #tpu.memory_space<vmem>>, vector<512x2048xf32>,
    %iota3A = tpu.iota {dimensions = array<i32: 1>} : vector<512x2048xi32>
    %iota3A_29 = tpu.iota {dimensions = array<i32: 1>} : vector<512x1024xi32>
    %broadcast_in_dim3A_30 = arith.constant 0 : i32
    %broadcast_in_dim3A_31 = vector.broadcast %broadcast_in_dim3A_30 : i32 to vector<16x512xi32>
    %iota3A_32 = tpu.iota {dimensions = array<i32: 0>} : vector<16x512xi32>
    %get3A_33 = arith.constant 0 : index
    %get3A_34 = arith.constant 0 : index
    %get3A_35 = vector.load %arg6[%get3A_33, %get3A_34] : memref<512x2048xf32, #tpu.memory_space<vmem>>, vector<512x2048xf32>
    %slice3A = vector.extract_strided_slice %get3A_35 {offsets = [0, 0], sizes = [512, 1024], strides = [1, 1]} : vector<512x2048xf32> to vector<512x1024xf32>
    %slice3A_36 = vector.extract_strided_slice %get3A_35 {offsets = [0, 1024], sizes = [512, 1024], strides = [1, 1]} : vector<512x2048xf32> to vector<512x1024xf32>
    %le3A = arith.cmpf ole, %slice3A, %slice3A_36 : vector<512x1024xf32>
    %slice3A_37 = vector.extract_strided_slice %get3A_35 {offsets = [0, 0], sizes = [512, 1024], strides = [1, 1]} : vector<512x2048xf32> to vector<512x1024xf32>
    %slice3A_38 = vector.extract_strided_slice %get3A_35 {offsets = [0, 1024], sizes = [512, 1024], strides = [1, 1]} : vector<512x2048xf32> to vector<512x1024xf32>
    %select_n3A = arith.select %le3A, %slice3A_37, %slice3A_38 : vector<512x1024xi1>, vector<512x1024xf32>
    %add3A_39 = arith.constant 1024 : i32
    %add3A_40 = vector.broadcast %add3A_39 : i32 to vector<512x1024xi32>
    %add3A_41 = arith.addi %iota3A_29, %add3A_40 : vector<512x1024xi32>
    %select_n3A_42 = arith.select %le3A, %iota3A_29, %add3A_41 : vector<512x1024xi1>, vector<512x1024xi32>
    %slice3A_43 = vector.extract_strided_slice %select_n3A {offsets = [0, 0], sizes = [512, 512], strides = [1, 1]} : vector<512x1024xf32> to vector<512x512xf32>
    %slice3A_44 = vector.extract_strided_slice %select_n3A {offsets = [0, 512], sizes = [512, 512], strides = [1, 1]} : vector<512x1024xf32> to vector<512x512xf32>
    %le3A_45 = arith.cmpf ole, %slice3A_43, %slice3A_44 : vector<512x512xf32>
    %slice3A_46 = vector.extract_strided_slice %select_n3A {offsets = [0, 0], sizes = [512, 512], strides = [1, 1]} : vector<512x1024xf32> to vector<512x512xf32>
    %slice3A_47 = vector.extract_strided_slice %select_n3A {offsets = [0, 512], sizes = [512, 512], strides = [1, 1]} : vector<512x1024xf32> to vector<512x512xf32>
    %select_n3A_48 = arith.select %le3A_45, %slice3A_46, %slice3A_47 : vector<512x512xi1>, vector<512x512xf32>
    %slice3A_49 = vector.extract_strided_slice %select_n3A_42 {offsets = [0, 0], sizes = [512, 512], strides = [1, 1]} : vector<512x1024xi32> to vector<512x512xi32>
    %slice3A_50 = vector.extract_strided_slice %select_n3A_42 {offsets = [0, 512], sizes = [512, 512], strides = [1, 1]} : vector<512x1024xi32> to vector<512x512xi32>
    %select_n3A_51 = arith.select %le3A_45, %slice3A_49, %slice3A_50 : vector<512x512xi1>, vector<512x512xi32>
    %slice3A_52 = vector.extract_strided_slice %select_n3A_48 {offsets = [0, 0], sizes = [512, 256], strides = [1, 1]} : vector<512x512xf32> to vector<512x256xf32>
    %slice3A_53 = vector.extract_strided_slice %select_n3A_48 {offsets = [0, 256], sizes = [512, 256], strides = [1, 1]} : vector<512x512xf32> to vector<512x256xf32>
    %le3A_54 = arith.cmpf ole, %slice3A_52, %slice3A_53 : vector<512x256xf32>
    %slice3A_55 = vector.extract_strided_slice %select_n3A_48 {offsets = [0, 0], sizes = [512, 256], strides = [1, 1]} : vector<512x512xf32> to vector<512x256xf32>
    %slice3A_56 = vector.extract_strided_slice %select_n3A_48 {offsets = [0, 256], sizes = [512, 256], strides = [1, 1]} : vector<512x512xf32> to vector<512x256xf32>
    %select_n3A_57 = arith.select %le3A_54, %slice3A_55, %slice3A_56 : vector<512x256xi1>, vector<512x256xf32>
    %slice3A_58 = vector.extract_strided_slice %select_n3A_51 {offsets = [0, 0], sizes = [512, 256], strides = [1, 1]} : vector<512x512xi32> to vector<512x256xi32>
    %slice3A_59 = vector.extract_strided_slice %select_n3A_51 {offsets = [0, 256], sizes = [512, 256], strides = [1, 1]} : vector<512x512xi32> to vector<512x256xi32>
    %select_n3A_60 = arith.select %le3A_54, %slice3A_58, %slice3A_59 : vector<512x256xi1>, vector<512x256xi32>
    %slice3A_61 = vector.extract_strided_slice %select_n3A_57 {offsets = [0, 0], sizes = [512, 128], strides = [1, 1]} : vector<512x256xf32> to vector<512x128xf32>
    %slice3A_62 = vector.extract_strided_slice %select_n3A_57 {offsets = [0, 128], sizes = [512, 128], strides = [1, 1]} : vector<512x256xf32> to vector<512x128xf32>
    %le3A_63 = arith.cmpf ole, %slice3A_61, %slice3A_62 : vector<512x128xf32>
    %slice3A_64 = vector.extract_strided_slice %select_n3A_57 {offsets = [0, 0], sizes = [512, 128], strides = [1, 1]} : vector<512x256xf32> to vector<512x128xf32>
    %slice3A_65 = vector.extract_strided_slice %select_n3A_57 {offsets = [0, 128], sizes = [512, 128], strides = [1, 1]} : vector<512x256xf32> to vector<512x128xf32>
    %select_n3A_66 = arith.select %le3A_63, %slice3A_64, %slice3A_65 : vector<512x128xi1>, vector<512x128xf32>
    %slice3A_67 = vector.extract_strided_slice %select_n3A_60 {offsets = [0, 0], sizes = [512, 128], strides = [1, 1]} : vector<512x256xi32> to vector<512x128xi32>
    %slice3A_68 = vector.extract_strided_slice %select_n3A_60 {offsets = [0, 128], sizes = [512, 128], strides = [1, 1]} : vector<512x256xi32> to vector<512x128xi32>
    %select_n3A_69 = arith.select %le3A_63, %slice3A_67, %slice3A_68 : vector<512x128xi1>, vector<512x128xi32>
    %reduce_min3A = arith.constant dense<0x7F800000> : vector<512xf32>
    %reduce_min3A_70 = vector.multi_reduction <minimumf>, %select_n3A_66, %reduce_min3A [1] : vector<512x128xf32> to vector<512xf32>
    %broadcast_in_dim3A_71 = vector.shape_cast %reduce_min3A_70 : vector<512xf32> to vector<512x1xf32>
    %eq3A = vector.broadcast %broadcast_in_dim3A_71 : vector<512x1xf32> to vector<512x128xf32>
    %eq3A_72 = arith.cmpf oeq, %select_n3A_66, %eq3A : vector<512x128xf32>
    %jit3A = arith.constant 8192 : i32
    %broadcast_in_dim3A_73 = vector.broadcast %jit3A : i32 to vector<512x128xi32>
    %select_n3A_74 = arith.select %eq3A_72, %select_n3A_69, %broadcast_in_dim3A_73 : vector<512x128xi1>, vector<512x128xi32>
    %reduce_min3A_75 = arith.constant dense<2147483647> : vector<512xi32>
    %reduce_min3A_76 = vector.multi_reduction <minsi>, %select_n3A_74, %reduce_min3A_75 [1] : vector<512x128xi32> to vector<512xi32>
    %eq3A_77 = arith.constant 0 : i32
    %eq3A_78 = vector.broadcast %eq3A_77 : i32 to vector<16x512xi32>
    %eq3A_79 = arith.cmpi eq, %iota3A_32, %eq3A_78 : vector<16x512xi32>
    %broadcast_in_dim3A_80 = vector.shape_cast %reduce_min3A_76 : vector<512xi32> to vector<1x512xi32>
    %broadcast_in_dim3A_81 = vector.shape_cast %broadcast_in_dim3A_80 : vector<1x512xi32> to vector<1x512xi32>
    %broadcast_in_dim3A_82 = vector.broadcast %broadcast_in_dim3A_81 : vector<1x512xi32> to vector<16x512xi32>
    %select_n3A_83 = arith.select %eq3A_79, %broadcast_in_dim3A_82, %broadcast_in_dim3A_31 : vector<16x512xi1>, vector<16x512xi32>
    %broadcast_in_dim3A_84 = vector.shape_cast %reduce_min3A_76 : vector<512xi32> to vector<512x1xi32>
    %eq3A_85 = vector.broadcast %broadcast_in_dim3A_84 : vector<512x1xi32> to vector<512x2048xi32>
    %eq3A_86 = arith.cmpi eq, %iota3A, %eq3A_85 : vector<512x2048xi32>
    %jit3A_87 = arith.constant 3.000000e+38 : f32
    %broadcast_in_dim3A_88 = vector.broadcast %jit3A_87 : f32 to vector<512x2048xf32>
    %select_n3A_89 = arith.select %eq3A_86, %broadcast_in_dim3A_88, %get3A_35 : vector<512x2048xi1>, vector<512x2048xf32>
    %swap3A_90 = arith.constant 0 : index
    %swap3A_91 = arith.constant 0 : index
    %swap3A_92 = vector.load %arg6[%swap3A_90, %swap3A_91] : memref<512x2048xf32, #tpu.memory_space<vmem>>, vector<512x2048xf32>
    tpu.vector_store %arg6[%swap3A_90, %swap3A_91], %select_n3A_89 {strides = array<i32>} : memref<512x2048xf32, #tpu.memory_space<vmem>>, vector<512x2048xf32>,
    %get3A_93 = arith.constant 0 : index
    %get3A_94 = arith.constant 0 : index
    %get3A_95 = vector.load %arg6[%get3A_93, %get3A_94] : memref<512x2048xf32, #tpu.memory_space<vmem>>, vector<512x2048xf32>
    %slice3A_96 = vector.extract_strided_slice %get3A_95 {offsets = [0, 0], sizes = [512, 1024], strides = [1, 1]} : vector<512x2048xf32> to vector<512x1024xf32>
    %slice3A_97 = vector.extract_strided_slice %get3A_95 {offsets = [0, 1024], sizes = [512, 1024], strides = [1, 1]} : vector<512x2048xf32> to vector<512x1024xf32>
    %le3A_98 = arith.cmpf ole, %slice3A_96, %slice3A_97 : vector<512x1024xf32>
    %slice3A_99 = vector.extract_strided_slice %get3A_95 {offsets = [0, 0], sizes = [512, 1024], strides = [1, 1]} : vector<512x2048xf32> to vector<512x1024xf32>
    %slice3A_100 = vector.extract_strided_slice %get3A_95 {offsets = [0, 1024], sizes = [512, 1024], strides = [1, 1]} : vector<512x2048xf32> to vector<512x1024xf32>
    %select_n3A_101 = arith.select %le3A_98, %slice3A_99, %slice3A_100 : vector<512x1024xi1>, vector<512x1024xf32>
    %add3A_102 = arith.constant 1024 : i32
    %add3A_103 = vector.broadcast %add3A_102 : i32 to vector<512x1024xi32>
    %add3A_104 = arith.addi %iota3A_29, %add3A_103 : vector<512x1024xi32>
    %select_n3A_105 = arith.select %le3A_98, %iota3A_29, %add3A_104 : vector<512x1024xi1>, vector<512x1024xi32>
    %slice3A_106 = vector.extract_strided_slice %select_n3A_101 {offsets = [0, 0], sizes = [512, 512], strides = [1, 1]} : vector<512x1024xf32> to vector<512x512xf32>
    %slice3A_107 = vector.extract_strided_slice %select_n3A_101 {offsets = [0, 512], sizes = [512, 512], strides = [1, 1]} : vector<512x1024xf32> to vector<512x512xf32>
    %le3A_108 = arith.cmpf ole, %slice3A_106, %slice3A_107 : vector<512x512xf32>
    %slice3A_109 = vector.extract_strided_slice %select_n3A_101 {offsets = [0, 0], sizes = [512, 512], strides = [1, 1]} : vector<512x1024xf32> to vector<512x512xf32>
    %slice3A_110 = vector.extract_strided_slice %select_n3A_101 {offsets = [0, 512], sizes = [512, 512], strides = [1, 1]} : vector<512x1024xf32> to vector<512x512xf32>
    %select_n3A_111 = arith.select %le3A_108, %slice3A_109, %slice3A_110 : vector<512x512xi1>, vector<512x512xf32>
    %slice3A_112 = vector.extract_strided_slice %select_n3A_105 {offsets = [0, 0], sizes = [512, 512], strides = [1, 1]} : vector<512x1024xi32> to vector<512x512xi32>
    %slice3A_113 = vector.extract_strided_slice %select_n3A_105 {offsets = [0, 512], sizes = [512, 512], strides = [1, 1]} : vector<512x1024xi32> to vector<512x512xi32>
    %select_n3A_114 = arith.select %le3A_108, %slice3A_112, %slice3A_113 : vector<512x512xi1>, vector<512x512xi32>
    %slice3A_115 = vector.extract_strided_slice %select_n3A_111 {offsets = [0, 0], sizes = [512, 256], strides = [1, 1]} : vector<512x512xf32> to vector<512x256xf32>
    %slice3A_116 = vector.extract_strided_slice %select_n3A_111 {offsets = [0, 256], sizes = [512, 256], strides = [1, 1]} : vector<512x512xf32> to vector<512x256xf32>
    %le3A_117 = arith.cmpf ole, %slice3A_115, %slice3A_116 : vector<512x256xf32>
    %slice3A_118 = vector.extract_strided_slice %select_n3A_111 {offsets = [0, 0], sizes = [512, 256], strides = [1, 1]} : vector<512x512xf32> to vector<512x256xf32>
    %slice3A_119 = vector.extract_strided_slice %select_n3A_111 {offsets = [0, 256], sizes = [512, 256], strides = [1, 1]} : vector<512x512xf32> to vector<512x256xf32>
    %select_n3A_120 = arith.select %le3A_117, %slice3A_118, %slice3A_119 : vector<512x256xi1>, vector<512x256xf32>
    %slice3A_121 = vector.extract_strided_slice %select_n3A_114 {offsets = [0, 0], sizes = [512, 256], strides = [1, 1]} : vector<512x512xi32> to vector<512x256xi32>
    %slice3A_122 = vector.extract_strided_slice %select_n3A_114 {offsets = [0, 256], sizes = [512, 256], strides = [1, 1]} : vector<512x512xi32> to vector<512x256xi32>
    %select_n3A_123 = arith.select %le3A_117, %slice3A_121, %slice3A_122 : vector<512x256xi1>, vector<512x256xi32>
    %slice3A_124 = vector.extract_strided_slice %select_n3A_120 {offsets = [0, 0], sizes = [512, 128], strides = [1, 1]} : vector<512x256xf32> to vector<512x128xf32>
    %slice3A_125 = vector.extract_strided_slice %select_n3A_120 {offsets = [0, 128], sizes = [512, 128], strides = [1, 1]} : vector<512x256xf32> to vector<512x128xf32>
    %le3A_126 = arith.cmpf ole, %slice3A_124, %slice3A_125 : vector<512x128xf32>
    %slice3A_127 = vector.extract_strided_slice %select_n3A_120 {offsets = [0, 0], sizes = [512, 128], strides = [1, 1]} : vector<512x256xf32> to vector<512x128xf32>
    %slice3A_128 = vector.extract_strided_slice %select_n3A_120 {offsets = [0, 128], sizes = [512, 128], strides = [1, 1]} : vector<512x256xf32> to vector<512x128xf32>
    %select_n3A_129 = arith.select %le3A_126, %slice3A_127, %slice3A_128 : vector<512x128xi1>, vector<512x128xf32>
    %slice3A_130 = vector.extract_strided_slice %select_n3A_123 {offsets = [0, 0], sizes = [512, 128], strides = [1, 1]} : vector<512x256xi32> to vector<512x128xi32>
    %slice3A_131 = vector.extract_strided_slice %select_n3A_123 {offsets = [0, 128], sizes = [512, 128], strides = [1, 1]} : vector<512x256xi32> to vector<512x128xi32>
    %select_n3A_132 = arith.select %le3A_126, %slice3A_130, %slice3A_131 : vector<512x128xi1>, vector<512x128xi32>
    %reduce_min3A_133 = arith.constant dense<0x7F800000> : vector<512xf32>
    %reduce_min3A_134 = vector.multi_reduction <minimumf>, %select_n3A_129, %reduce_min3A_133 [1] : vector<512x128xf32> to vector<512xf32>
    %broadcast_in_dim3A_135 = vector.shape_cast %reduce_min3A_134 : vector<512xf32> to vector<512x1xf32>
    %eq3A_136 = vector.broadcast %broadcast_in_dim3A_135 : vector<512x1xf32> to vector<512x128xf32>
    %eq3A_137 = arith.cmpf oeq, %select_n3A_129, %eq3A_136 : vector<512x128xf32>
    %jit3A_138 = arith.constant 8192 : i32
    %broadcast_in_dim3A_139 = vector.broadcast %jit3A_138 : i32 to vector<512x128xi32>
    %select_n3A_140 = arith.select %eq3A_137, %select_n3A_132, %broadcast_in_dim3A_139 : vector<512x128xi1>, vector<512x128xi32>
    %reduce_min3A_141 = arith.constant dense<2147483647> : vector<512xi32>
    %reduce_min3A_142 = vector.multi_reduction <minsi>, %select_n3A_140, %reduce_min3A_141 [1] : vector<512x128xi32> to vector<512xi32>
    %eq3A_143 = arith.constant 1 : i32
    %eq3A_144 = vector.broadcast %eq3A_143 : i32 to vector<16x512xi32>
    %eq3A_145 = arith.cmpi eq, %iota3A_32, %eq3A_144 : vector<16x512xi32>
    %broadcast_in_dim3A_146 = vector.shape_cast %reduce_min3A_142 : vector<512xi32> to vector<1x512xi32>
    %broadcast_in_dim3A_147 = vector.shape_cast %broadcast_in_dim3A_146 : vector<1x512xi32> to vector<1x512xi32>
    %broadcast_in_dim3A_148 = vector.broadcast %broadcast_in_dim3A_147 : vector<1x512xi32> to vector<16x512xi32>
    %select_n3A_149 = arith.select %eq3A_145, %broadcast_in_dim3A_148, %select_n3A_83 : vector<16x512xi1>, vector<16x512xi32>
    %broadcast_in_dim3A_150 = vector.shape_cast %reduce_min3A_142 : vector<512xi32> to vector<512x1xi32>
    %eq3A_151 = vector.broadcast %broadcast_in_dim3A_150 : vector<512x1xi32> to vector<512x2048xi32>
    %eq3A_152 = arith.cmpi eq, %iota3A, %eq3A_151 : vector<512x2048xi32>
    %jit3A_153 = arith.constant 3.000000e+38 : f32
    %broadcast_in_dim3A_154 = vector.broadcast %jit3A_153 : f32 to vector<512x2048xf32>
    %select_n3A_155 = arith.select %eq3A_152, %broadcast_in_dim3A_154, %get3A_95 : vector<512x2048xi1>, vector<512x2048xf32>
    %swap3A_156 = arith.constant 0 : index
    %swap3A_157 = arith.constant 0 : index
    %swap3A_158 = vector.load %arg6[%swap3A_156, %swap3A_157] : memref<512x2048xf32, #tpu.memory_space<vmem>>, vector<512x2048xf32>
    tpu.vector_store %arg6[%swap3A_156, %swap3A_157], %select_n3A_155 {strides = array<i32>} : memref<512x2048xf32, #tpu.memory_space<vmem>>, vector<512x2048xf32>,
    %get3A_159 = arith.constant 0 : index
    %get3A_160 = arith.constant 0 : index
    %get3A_161 = vector.load %arg6[%get3A_159, %get3A_160] : memref<512x2048xf32, #tpu.memory_space<vmem>>, vector<512x2048xf32>
    %slice3A_162 = vector.extract_strided_slice %get3A_161 {offsets = [0, 0], sizes = [512, 1024], strides = [1, 1]} : vector<512x2048xf32> to vector<512x1024xf32>
    %slice3A_163 = vector.extract_strided_slice %get3A_161 {offsets = [0, 1024], sizes = [512, 1024], strides = [1, 1]} : vector<512x2048xf32> to vector<512x1024xf32>
    %le3A_164 = arith.cmpf ole, %slice3A_162, %slice3A_163 : vector<512x1024xf32>
    %slice3A_165 = vector.extract_strided_slice %get3A_161 {offsets = [0, 0], sizes = [512, 1024], strides = [1, 1]} : vector<512x2048xf32> to vector<512x1024xf32>
    %slice3A_166 = vector.extract_strided_slice %get3A_161 {offsets = [0, 1024], sizes = [512, 1024], strides = [1, 1]} : vector<512x2048xf32> to vector<512x1024xf32>
    %select_n3A_167 = arith.select %le3A_164, %slice3A_165, %slice3A_166 : vector<512x1024xi1>, vector<512x1024xf32>
    %add3A_168 = arith.constant 1024 : i32
    %add3A_169 = vector.broadcast %add3A_168 : i32 to vector<512x1024xi32>
    %add3A_170 = arith.addi %iota3A_29, %add3A_169 : vector<512x1024xi32>
    %select_n3A_171 = arith.select %le3A_164, %iota3A_29, %add3A_170 : vector<512x1024xi1>, vector<512x1024xi32>
    %slice3A_172 = vector.extract_strided_slice %select_n3A_167 {offsets = [0, 0], sizes = [512, 512], strides = [1, 1]} : vector<512x1024xf32> to vector<512x512xf32>
    %slice3A_173 = vector.extract_strided_slice %select_n3A_167 {offsets = [0, 512], sizes = [512, 512], strides = [1, 1]} : vector<512x1024xf32> to vector<512x512xf32>
    %le3A_174 = arith.cmpf ole, %slice3A_172, %slice3A_173 : vector<512x512xf32>
    %slice3A_175 = vector.extract_strided_slice %select_n3A_167 {offsets = [0, 0], sizes = [512, 512], strides = [1, 1]} : vector<512x1024xf32> to vector<512x512xf32>
    %slice3A_176 = vector.extract_strided_slice %select_n3A_167 {offsets = [0, 512], sizes = [512, 512], strides = [1, 1]} : vector<512x1024xf32> to vector<512x512xf32>
    %select_n3A_177 = arith.select %le3A_174, %slice3A_175, %slice3A_176 : vector<512x512xi1>, vector<512x512xf32>
    %slice3A_178 = vector.extract_strided_slice %select_n3A_171 {offsets = [0, 0], sizes = [512, 512], strides = [1, 1]} : vector<512x1024xi32> to vector<512x512xi32>
    %slice3A_179 = vector.extract_strided_slice %select_n3A_171 {offsets = [0, 512], sizes = [512, 512], strides = [1, 1]} : vector<512x1024xi32> to vector<512x512xi32>
    %select_n3A_180 = arith.select %le3A_174, %slice3A_178, %slice3A_179 : vector<512x512xi1>, vector<512x512xi32>
    %slice3A_181 = vector.extract_strided_slice %select_n3A_177 {offsets = [0, 0], sizes = [512, 256], strides = [1, 1]} : vector<512x512xf32> to vector<512x256xf32>
    %slice3A_182 = vector.extract_strided_slice %select_n3A_177 {offsets = [0, 256], sizes = [512, 256], strides = [1, 1]} : vector<512x512xf32> to vector<512x256xf32>
    %le3A_183 = arith.cmpf ole, %slice3A_181, %slice3A_182 : vector<512x256xf32>
    %slice3A_184 = vector.extract_strided_slice %select_n3A_177 {offsets = [0, 0], sizes = [512, 256], strides = [1, 1]} : vector<512x512xf32> to vector<512x256xf32>
    %slice3A_185 = vector.extract_strided_slice %select_n3A_177 {offsets = [0, 256], sizes = [512, 256], strides = [1, 1]} : vector<512x512xf32> to vector<512x256xf32>
    %select_n3A_186 = arith.select %le3A_183, %slice3A_184, %slice3A_185 : vector<512x256xi1>, vector<512x256xf32>
    %slice3A_187 = vector.extract_strided_slice %select_n3A_180 {offsets = [0, 0], sizes = [512, 256], strides = [1, 1]} : vector<512x512xi32> to vector<512x256xi32>
    %slice3A_188 = vector.extract_strided_slice %select_n3A_180 {offsets = [0, 256], sizes = [512, 256], strides = [1, 1]} : vector<512x512xi32> to vector<512x256xi32>
    %select_n3A_189 = arith.select %le3A_183, %slice3A_187, %slice3A_188 : vector<512x256xi1>, vector<512x256xi32>
    %slice3A_190 = vector.extract_strided_slice %select_n3A_186 {offsets = [0, 0], sizes = [512, 128], strides = [1, 1]} : vector<512x256xf32> to vector<512x128xf32>
    %slice3A_191 = vector.extract_strided_slice %select_n3A_186 {offsets = [0, 128], sizes = [512, 128], strides = [1, 1]} : vector<512x256xf32> to vector<512x128xf32>
    %le3A_192 = arith.cmpf ole, %slice3A_190, %slice3A_191 : vector<512x128xf32>
    %slice3A_193 = vector.extract_strided_slice %select_n3A_186 {offsets = [0, 0], sizes = [512, 128], strides = [1, 1]} : vector<512x256xf32> to vector<512x128xf32>
    %slice3A_194 = vector.extract_strided_slice %select_n3A_186 {offsets = [0, 128], sizes = [512, 128], strides = [1, 1]} : vector<512x256xf32> to vector<512x128xf32>
    %select_n3A_195 = arith.select %le3A_192, %slice3A_193, %slice3A_194 : vector<512x128xi1>, vector<512x128xf32>
    %slice3A_196 = vector.extract_strided_slice %select_n3A_189 {offsets = [0, 0], sizes = [512, 128], strides = [1, 1]} : vector<512x256xi32> to vector<512x128xi32>
    %slice3A_197 = vector.extract_strided_slice %select_n3A_189 {offsets = [0, 128], sizes = [512, 128], strides = [1, 1]} : vector<512x256xi32> to vector<512x128xi32>
    %select_n3A_198 = arith.select %le3A_192, %slice3A_196, %slice3A_197 : vector<512x128xi1>, vector<512x128xi32>
    %reduce_min3A_199 = arith.constant dense<0x7F800000> : vector<512xf32>
    %reduce_min3A_200 = vector.multi_reduction <minimumf>, %select_n3A_195, %reduce_min3A_199 [1] : vector<512x128xf32> to vector<512xf32>
    %broadcast_in_dim3A_201 = vector.shape_cast %reduce_min3A_200 : vector<512xf32> to vector<512x1xf32>
    %eq3A_202 = vector.broadcast %broadcast_in_dim3A_201 : vector<512x1xf32> to vector<512x128xf32>
    %eq3A_203 = arith.cmpf oeq, %select_n3A_195, %eq3A_202 : vector<512x128xf32>
    %jit3A_204 = arith.constant 8192 : i32
    %broadcast_in_dim3A_205 = vector.broadcast %jit3A_204 : i32 to vector<512x128xi32>
    %select_n3A_206 = arith.select %eq3A_203, %select_n3A_198, %broadcast_in_dim3A_205 : vector<512x128xi1>, vector<512x128xi32>
    %reduce_min3A_207 = arith.constant dense<2147483647> : vector<512xi32>
    %reduce_min3A_208 = vector.multi_reduction <minsi>, %select_n3A_206, %reduce_min3A_207 [1] : vector<512x128xi32> to vector<512xi32>
    %eq3A_209 = arith.constant 2 : i32
    %eq3A_210 = vector.broadcast %eq3A_209 : i32 to vector<16x512xi32>
    %eq3A_211 = arith.cmpi eq, %iota3A_32, %eq3A_210 : vector<16x512xi32>
    %broadcast_in_dim3A_212 = vector.shape_cast %reduce_min3A_208 : vector<512xi32> to vector<1x512xi32>
    %broadcast_in_dim3A_213 = vector.shape_cast %broadcast_in_dim3A_212 : vector<1x512xi32> to vector<1x512xi32>
    %broadcast_in_dim3A_214 = vector.broadcast %broadcast_in_dim3A_213 : vector<1x512xi32> to vector<16x512xi32>
    %select_n3A_215 = arith.select %eq3A_211, %broadcast_in_dim3A_214, %select_n3A_149 : vector<16x512xi1>, vector<16x512xi32>
    %broadcast_in_dim3A_216 = vector.shape_cast %reduce_min3A_208 : vector<512xi32> to vector<512x1xi32>
    %eq3A_217 = vector.broadcast %broadcast_in_dim3A_216 : vector<512x1xi32> to vector<512x2048xi32>
    %eq3A_218 = arith.cmpi eq, %iota3A, %eq3A_217 : vector<512x2048xi32>
    %jit3A_219 = arith.constant 3.000000e+38 : f32
    %broadcast_in_dim3A_220 = vector.broadcast %jit3A_219 : f32 to vector<512x2048xf32>
    %select_n3A_221 = arith.select %eq3A_218, %broadcast_in_dim3A_220, %get3A_161 : vector<512x2048xi1>, vector<512x2048xf32>
    %swap3A_222 = arith.constant 0 : index
    %swap3A_223 = arith.constant 0 : index
    %swap3A_224 = vector.load %arg6[%swap3A_222, %swap3A_223] : memref<512x2048xf32, #tpu.memory_space<vmem>>, vector<512x2048xf32>
    tpu.vector_store %arg6[%swap3A_222, %swap3A_223], %select_n3A_221 {strides = array<i32>} : memref<512x2048xf32, #tpu.memory_space<vmem>>, vector<512x2048xf32>,
    %get3A_225 = arith.constant 0 : index
    %get3A_226 = arith.constant 0 : index
    %get3A_227 = vector.load %arg6[%get3A_225, %get3A_226] : memref<512x2048xf32, #tpu.memory_space<vmem>>, vector<512x2048xf32>
    %slice3A_228 = vector.extract_strided_slice %get3A_227 {offsets = [0, 0], sizes = [512, 1024], strides = [1, 1]} : vector<512x2048xf32> to vector<512x1024xf32>
    %slice3A_229 = vector.extract_strided_slice %get3A_227 {offsets = [0, 1024], sizes = [512, 1024], strides = [1, 1]} : vector<512x2048xf32> to vector<512x1024xf32>
    %le3A_230 = arith.cmpf ole, %slice3A_228, %slice3A_229 : vector<512x1024xf32>
    %slice3A_231 = vector.extract_strided_slice %get3A_227 {offsets = [0, 0], sizes = [512, 1024], strides = [1, 1]} : vector<512x2048xf32> to vector<512x1024xf32>
    %slice3A_232 = vector.extract_strided_slice %get3A_227 {offsets = [0, 1024], sizes = [512, 1024], strides = [1, 1]} : vector<512x2048xf32> to vector<512x1024xf32>
    %select_n3A_233 = arith.select %le3A_230, %slice3A_231, %slice3A_232 : vector<512x1024xi1>, vector<512x1024xf32>
    %add3A_234 = arith.constant 1024 : i32
    %add3A_235 = vector.broadcast %add3A_234 : i32 to vector<512x1024xi32>
    %add3A_236 = arith.addi %iota3A_29, %add3A_235 : vector<512x1024xi32>
    %select_n3A_237 = arith.select %le3A_230, %iota3A_29, %add3A_236 : vector<512x1024xi1>, vector<512x1024xi32>
    %slice3A_238 = vector.extract_strided_slice %select_n3A_233 {offsets = [0, 0], sizes = [512, 512], strides = [1, 1]} : vector<512x1024xf32> to vector<512x512xf32>
    %slice3A_239 = vector.extract_strided_slice %select_n3A_233 {offsets = [0, 512], sizes = [512, 512], strides = [1, 1]} : vector<512x1024xf32> to vector<512x512xf32>
    %le3A_240 = arith.cmpf ole, %slice3A_238, %slice3A_239 : vector<512x512xf32>
    %slice3A_241 = vector.extract_strided_slice %select_n3A_233 {offsets = [0, 0], sizes = [512, 512], strides = [1, 1]} : vector<512x1024xf32> to vector<512x512xf32>
    %slice3A_242 = vector.extract_strided_slice %select_n3A_233 {offsets = [0, 512], sizes = [512, 512], strides = [1, 1]} : vector<512x1024xf32> to vector<512x512xf32>
    %select_n3A_243 = arith.select %le3A_240, %slice3A_241, %slice3A_242 : vector<512x512xi1>, vector<512x512xf32>
    %slice3A_244 = vector.extract_strided_slice %select_n3A_237 {offsets = [0, 0], sizes = [512, 512], strides = [1, 1]} : vector<512x1024xi32> to vector<512x512xi32>
    %slice3A_245 = vector.extract_strided_slice %select_n3A_237 {offsets = [0, 512], sizes = [512, 512], strides = [1, 1]} : vector<512x1024xi32> to vector<512x512xi32>
    %select_n3A_246 = arith.select %le3A_240, %slice3A_244, %slice3A_245 : vector<512x512xi1>, vector<512x512xi32>
    %slice3A_247 = vector.extract_strided_slice %select_n3A_243 {offsets = [0, 0], sizes = [512, 256], strides = [1, 1]} : vector<512x512xf32> to vector<512x256xf32>
    %slice3A_248 = vector.extract_strided_slice %select_n3A_243 {offsets = [0, 256], sizes = [512, 256], strides = [1, 1]} : vector<512x512xf32> to vector<512x256xf32>
    %le3A_249 = arith.cmpf ole, %slice3A_247, %slice3A_248 : vector<512x256xf32>
    %slice3A_250 = vector.extract_strided_slice %select_n3A_243 {offsets = [0, 0], sizes = [512, 256], strides = [1, 1]} : vector<512x512xf32> to vector<512x256xf32>
    %slice3A_251 = vector.extract_strided_slice %select_n3A_243 {offsets = [0, 256], sizes = [512, 256], strides = [1, 1]} : vector<512x512xf32> to vector<512x256xf32>
    %select_n3A_252 = arith.select %le3A_249, %slice3A_250, %slice3A_251 : vector<512x256xi1>, vector<512x256xf32>
    %slice3A_253 = vector.extract_strided_slice %select_n3A_246 {offsets = [0, 0], sizes = [512, 256], strides = [1, 1]} : vector<512x512xi32> to vector<512x256xi32>
    %slice3A_254 = vector.extract_strided_slice %select_n3A_246 {offsets = [0, 256], sizes = [512, 256], strides = [1, 1]} : vector<512x512xi32> to vector<512x256xi32>
    %select_n3A_255 = arith.select %le3A_249, %slice3A_253, %slice3A_254 : vector<512x256xi1>, vector<512x256xi32>
    %slice3A_256 = vector.extract_strided_slice %select_n3A_252 {offsets = [0, 0], sizes = [512, 128], strides = [1, 1]} : vector<512x256xf32> to vector<512x128xf32>
    %slice3A_257 = vector.extract_strided_slice %select_n3A_252 {offsets = [0, 128], sizes = [512, 128], strides = [1, 1]} : vector<512x256xf32> to vector<512x128xf32>
    %le3A_258 = arith.cmpf ole, %slice3A_256, %slice3A_257 : vector<512x128xf32>
    %slice3A_259 = vector.extract_strided_slice %select_n3A_252 {offsets = [0, 0], sizes = [512, 128], strides = [1, 1]} : vector<512x256xf32> to vector<512x128xf32>
    %slice3A_260 = vector.extract_strided_slice %select_n3A_252 {offsets = [0, 128], sizes = [512, 128], strides = [1, 1]} : vector<512x256xf32> to vector<512x128xf32>
    %select_n3A_261 = arith.select %le3A_258, %slice3A_259, %slice3A_260 : vector<512x128xi1>, vector<512x128xf32>
    %slice3A_262 = vector.extract_strided_slice %select_n3A_255 {offsets = [0, 0], sizes = [512, 128], strides = [1, 1]} : vector<512x256xi32> to vector<512x128xi32>
    %slice3A_263 = vector.extract_strided_slice %select_n3A_255 {offsets = [0, 128], sizes = [512, 128], strides = [1, 1]} : vector<512x256xi32> to vector<512x128xi32>
    %select_n3A_264 = arith.select %le3A_258, %slice3A_262, %slice3A_263 : vector<512x128xi1>, vector<512x128xi32>
    %reduce_min3A_265 = arith.constant dense<0x7F800000> : vector<512xf32>
    %reduce_min3A_266 = vector.multi_reduction <minimumf>, %select_n3A_261, %reduce_min3A_265 [1] : vector<512x128xf32> to vector<512xf32>
    %broadcast_in_dim3A_267 = vector.shape_cast %reduce_min3A_266 : vector<512xf32> to vector<512x1xf32>
    %eq3A_268 = vector.broadcast %broadcast_in_dim3A_267 : vector<512x1xf32> to vector<512x128xf32>
    %eq3A_269 = arith.cmpf oeq, %select_n3A_261, %eq3A_268 : vector<512x128xf32>
    %jit3A_270 = arith.constant 8192 : i32
    %broadcast_in_dim3A_271 = vector.broadcast %jit3A_270 : i32 to vector<512x128xi32>
    %select_n3A_272 = arith.select %eq3A_269, %select_n3A_264, %broadcast_in_dim3A_271 : vector<512x128xi1>, vector<512x128xi32>
    %reduce_min3A_273 = arith.constant dense<2147483647> : vector<512xi32>
    %reduce_min3A_274 = vector.multi_reduction <minsi>, %select_n3A_272, %reduce_min3A_273 [1] : vector<512x128xi32> to vector<512xi32>
    %eq3A_275 = arith.constant 3 : i32
    %eq3A_276 = vector.broadcast %eq3A_275 : i32 to vector<16x512xi32>
    %eq3A_277 = arith.cmpi eq, %iota3A_32, %eq3A_276 : vector<16x512xi32>
    %broadcast_in_dim3A_278 = vector.shape_cast %reduce_min3A_274 : vector<512xi32> to vector<1x512xi32>
    %broadcast_in_dim3A_279 = vector.shape_cast %broadcast_in_dim3A_278 : vector<1x512xi32> to vector<1x512xi32>
    %broadcast_in_dim3A_280 = vector.broadcast %broadcast_in_dim3A_279 : vector<1x512xi32> to vector<16x512xi32>
    %select_n3A_281 = arith.select %eq3A_277, %broadcast_in_dim3A_280, %select_n3A_215 : vector<16x512xi1>, vector<16x512xi32>
    %broadcast_in_dim3A_282 = vector.shape_cast %reduce_min3A_274 : vector<512xi32> to vector<512x1xi32>
    %eq3A_283 = vector.broadcast %broadcast_in_dim3A_282 : vector<512x1xi32> to vector<512x2048xi32>
    %eq3A_284 = arith.cmpi eq, %iota3A, %eq3A_283 : vector<512x2048xi32>
    %jit3A_285 = arith.constant 3.000000e+38 : f32
    %broadcast_in_dim3A_286 = vector.broadcast %jit3A_285 : f32 to vector<512x2048xf32>
    %select_n3A_287 = arith.select %eq3A_284, %broadcast_in_dim3A_286, %get3A_227 : vector<512x2048xi1>, vector<512x2048xf32>
    %swap3A_288 = arith.constant 0 : index
    %swap3A_289 = arith.constant 0 : index
    %swap3A_290 = vector.load %arg6[%swap3A_288, %swap3A_289] : memref<512x2048xf32, #tpu.memory_space<vmem>>, vector<512x2048xf32>
    tpu.vector_store %arg6[%swap3A_288, %swap3A_289], %select_n3A_287 {strides = array<i32>} : memref<512x2048xf32, #tpu.memory_space<vmem>>, vector<512x2048xf32>,
    %get3A_291 = arith.constant 0 : index
    %get3A_292 = arith.constant 0 : index
    %get3A_293 = vector.load %arg6[%get3A_291, %get3A_292] : memref<512x2048xf32, #tpu.memory_space<vmem>>, vector<512x2048xf32>
    %slice3A_294 = vector.extract_strided_slice %get3A_293 {offsets = [0, 0], sizes = [512, 1024], strides = [1, 1]} : vector<512x2048xf32> to vector<512x1024xf32>
    %slice3A_295 = vector.extract_strided_slice %get3A_293 {offsets = [0, 1024], sizes = [512, 1024], strides = [1, 1]} : vector<512x2048xf32> to vector<512x1024xf32>
    %le3A_296 = arith.cmpf ole, %slice3A_294, %slice3A_295 : vector<512x1024xf32>
    %slice3A_297 = vector.extract_strided_slice %get3A_293 {offsets = [0, 0], sizes = [512, 1024], strides = [1, 1]} : vector<512x2048xf32> to vector<512x1024xf32>
    %slice3A_298 = vector.extract_strided_slice %get3A_293 {offsets = [0, 1024], sizes = [512, 1024], strides = [1, 1]} : vector<512x2048xf32> to vector<512x1024xf32>
    %select_n3A_299 = arith.select %le3A_296, %slice3A_297, %slice3A_298 : vector<512x1024xi1>, vector<512x1024xf32>
    %add3A_300 = arith.constant 1024 : i32
    %add3A_301 = vector.broadcast %add3A_300 : i32 to vector<512x1024xi32>
    %add3A_302 = arith.addi %iota3A_29, %add3A_301 : vector<512x1024xi32>
    %select_n3A_303 = arith.select %le3A_296, %iota3A_29, %add3A_302 : vector<512x1024xi1>, vector<512x1024xi32>
    %slice3A_304 = vector.extract_strided_slice %select_n3A_299 {offsets = [0, 0], sizes = [512, 512], strides = [1, 1]} : vector<512x1024xf32> to vector<512x512xf32>
    %slice3A_305 = vector.extract_strided_slice %select_n3A_299 {offsets = [0, 512], sizes = [512, 512], strides = [1, 1]} : vector<512x1024xf32> to vector<512x512xf32>
    %le3A_306 = arith.cmpf ole, %slice3A_304, %slice3A_305 : vector<512x512xf32>
    %slice3A_307 = vector.extract_strided_slice %select_n3A_299 {offsets = [0, 0], sizes = [512, 512], strides = [1, 1]} : vector<512x1024xf32> to vector<512x512xf32>
    %slice3A_308 = vector.extract_strided_slice %select_n3A_299 {offsets = [0, 512], sizes = [512, 512], strides = [1, 1]} : vector<512x1024xf32> to vector<512x512xf32>
    %select_n3A_309 = arith.select %le3A_306, %slice3A_307, %slice3A_308 : vector<512x512xi1>, vector<512x512xf32>
    %slice3A_310 = vector.extract_strided_slice %select_n3A_303 {offsets = [0, 0], sizes = [512, 512], strides = [1, 1]} : vector<512x1024xi32> to vector<512x512xi32>
    %slice3A_311 = vector.extract_strided_slice %select_n3A_303 {offsets = [0, 512], sizes = [512, 512], strides = [1, 1]} : vector<512x1024xi32> to vector<512x512xi32>
    %select_n3A_312 = arith.select %le3A_306, %slice3A_310, %slice3A_311 : vector<512x512xi1>, vector<512x512xi32>
    %slice3A_313 = vector.extract_strided_slice %select_n3A_309 {offsets = [0, 0], sizes = [512, 256], strides = [1, 1]} : vector<512x512xf32> to vector<512x256xf32>
    %slice3A_314 = vector.extract_strided_slice %select_n3A_309 {offsets = [0, 256], sizes = [512, 256], strides = [1, 1]} : vector<512x512xf32> to vector<512x256xf32>
    %le3A_315 = arith.cmpf ole, %slice3A_313, %slice3A_314 : vector<512x256xf32>
    %slice3A_316 = vector.extract_strided_slice %select_n3A_309 {offsets = [0, 0], sizes = [512, 256], strides = [1, 1]} : vector<512x512xf32> to vector<512x256xf32>
    %slice3A_317 = vector.extract_strided_slice %select_n3A_309 {offsets = [0, 256], sizes = [512, 256], strides = [1, 1]} : vector<512x512xf32> to vector<512x256xf32>
    %select_n3A_318 = arith.select %le3A_315, %slice3A_316, %slice3A_317 : vector<512x256xi1>, vector<512x256xf32>
    %slice3A_319 = vector.extract_strided_slice %select_n3A_312 {offsets = [0, 0], sizes = [512, 256], strides = [1, 1]} : vector<512x512xi32> to vector<512x256xi32>
    %slice3A_320 = vector.extract_strided_slice %select_n3A_312 {offsets = [0, 256], sizes = [512, 256], strides = [1, 1]} : vector<512x512xi32> to vector<512x256xi32>
    %select_n3A_321 = arith.select %le3A_315, %slice3A_319, %slice3A_320 : vector<512x256xi1>, vector<512x256xi32>
    %slice3A_322 = vector.extract_strided_slice %select_n3A_318 {offsets = [0, 0], sizes = [512, 128], strides = [1, 1]} : vector<512x256xf32> to vector<512x128xf32>
    %slice3A_323 = vector.extract_strided_slice %select_n3A_318 {offsets = [0, 128], sizes = [512, 128], strides = [1, 1]} : vector<512x256xf32> to vector<512x128xf32>
    %le3A_324 = arith.cmpf ole, %slice3A_322, %slice3A_323 : vector<512x128xf32>
    %slice3A_325 = vector.extract_strided_slice %select_n3A_318 {offsets = [0, 0], sizes = [512, 128], strides = [1, 1]} : vector<512x256xf32> to vector<512x128xf32>
    %slice3A_326 = vector.extract_strided_slice %select_n3A_318 {offsets = [0, 128], sizes = [512, 128], strides = [1, 1]} : vector<512x256xf32> to vector<512x128xf32>
    %select_n3A_327 = arith.select %le3A_324, %slice3A_325, %slice3A_326 : vector<512x128xi1>, vector<512x128xf32>
    %slice3A_328 = vector.extract_strided_slice %select_n3A_321 {offsets = [0, 0], sizes = [512, 128], strides = [1, 1]} : vector<512x256xi32> to vector<512x128xi32>
    %slice3A_329 = vector.extract_strided_slice %select_n3A_321 {offsets = [0, 128], sizes = [512, 128], strides = [1, 1]} : vector<512x256xi32> to vector<512x128xi32>
    %select_n3A_330 = arith.select %le3A_324, %slice3A_328, %slice3A_329 : vector<512x128xi1>, vector<512x128xi32>
    %reduce_min3A_331 = arith.constant dense<0x7F800000> : vector<512xf32>
    %reduce_min3A_332 = vector.multi_reduction <minimumf>, %select_n3A_327, %reduce_min3A_331 [1] : vector<512x128xf32> to vector<512xf32>
    %broadcast_in_dim3A_333 = vector.shape_cast %reduce_min3A_332 : vector<512xf32> to vector<512x1xf32>
    %eq3A_334 = vector.broadcast %broadcast_in_dim3A_333 : vector<512x1xf32> to vector<512x128xf32>
    %eq3A_335 = arith.cmpf oeq, %select_n3A_327, %eq3A_334 : vector<512x128xf32>
    %jit3A_336 = arith.constant 8192 : i32
    %broadcast_in_dim3A_337 = vector.broadcast %jit3A_336 : i32 to vector<512x128xi32>
    %select_n3A_338 = arith.select %eq3A_335, %select_n3A_330, %broadcast_in_dim3A_337 : vector<512x128xi1>, vector<512x128xi32>
    %reduce_min3A_339 = arith.constant dense<2147483647> : vector<512xi32>
    %reduce_min3A_340 = vector.multi_reduction <minsi>, %select_n3A_338, %reduce_min3A_339 [1] : vector<512x128xi32> to vector<512xi32>
    %eq3A_341 = arith.constant 4 : i32
    %eq3A_342 = vector.broadcast %eq3A_341 : i32 to vector<16x512xi32>
    %eq3A_343 = arith.cmpi eq, %iota3A_32, %eq3A_342 : vector<16x512xi32>
    %broadcast_in_dim3A_344 = vector.shape_cast %reduce_min3A_340 : vector<512xi32> to vector<1x512xi32>
    %broadcast_in_dim3A_345 = vector.shape_cast %broadcast_in_dim3A_344 : vector<1x512xi32> to vector<1x512xi32>
    %broadcast_in_dim3A_346 = vector.broadcast %broadcast_in_dim3A_345 : vector<1x512xi32> to vector<16x512xi32>
    %select_n3A_347 = arith.select %eq3A_343, %broadcast_in_dim3A_346, %select_n3A_281 : vector<16x512xi1>, vector<16x512xi32>
    %broadcast_in_dim3A_348 = vector.shape_cast %reduce_min3A_340 : vector<512xi32> to vector<512x1xi32>
    %eq3A_349 = vector.broadcast %broadcast_in_dim3A_348 : vector<512x1xi32> to vector<512x2048xi32>
    %eq3A_350 = arith.cmpi eq, %iota3A, %eq3A_349 : vector<512x2048xi32>
    %jit3A_351 = arith.constant 3.000000e+38 : f32
    %broadcast_in_dim3A_352 = vector.broadcast %jit3A_351 : f32 to vector<512x2048xf32>
    %select_n3A_353 = arith.select %eq3A_350, %broadcast_in_dim3A_352, %get3A_293 : vector<512x2048xi1>, vector<512x2048xf32>
    %swap3A_354 = arith.constant 0 : index
    %swap3A_355 = arith.constant 0 : index
    %swap3A_356 = vector.load %arg6[%swap3A_354, %swap3A_355] : memref<512x2048xf32, #tpu.memory_space<vmem>>, vector<512x2048xf32>
    tpu.vector_store %arg6[%swap3A_354, %swap3A_355], %select_n3A_353 {strides = array<i32>} : memref<512x2048xf32, #tpu.memory_space<vmem>>, vector<512x2048xf32>,
    %get3A_357 = arith.constant 0 : index
    %get3A_358 = arith.constant 0 : index
    %get3A_359 = vector.load %arg6[%get3A_357, %get3A_358] : memref<512x2048xf32, #tpu.memory_space<vmem>>, vector<512x2048xf32>
    %slice3A_360 = vector.extract_strided_slice %get3A_359 {offsets = [0, 0], sizes = [512, 1024], strides = [1, 1]} : vector<512x2048xf32> to vector<512x1024xf32>
    %slice3A_361 = vector.extract_strided_slice %get3A_359 {offsets = [0, 1024], sizes = [512, 1024], strides = [1, 1]} : vector<512x2048xf32> to vector<512x1024xf32>
    %le3A_362 = arith.cmpf ole, %slice3A_360, %slice3A_361 : vector<512x1024xf32>
    %slice3A_363 = vector.extract_strided_slice %get3A_359 {offsets = [0, 0], sizes = [512, 1024], strides = [1, 1]} : vector<512x2048xf32> to vector<512x1024xf32>
    %slice3A_364 = vector.extract_strided_slice %get3A_359 {offsets = [0, 1024], sizes = [512, 1024], strides = [1, 1]} : vector<512x2048xf32> to vector<512x1024xf32>
    %select_n3A_365 = arith.select %le3A_362, %slice3A_363, %slice3A_364 : vector<512x1024xi1>, vector<512x1024xf32>
    %add3A_366 = arith.constant 1024 : i32
    %add3A_367 = vector.broadcast %add3A_366 : i32 to vector<512x1024xi32>
    %add3A_368 = arith.addi %iota3A_29, %add3A_367 : vector<512x1024xi32>
    %select_n3A_369 = arith.select %le3A_362, %iota3A_29, %add3A_368 : vector<512x1024xi1>, vector<512x1024xi32>
    %slice3A_370 = vector.extract_strided_slice %select_n3A_365 {offsets = [0, 0], sizes = [512, 512], strides = [1, 1]} : vector<512x1024xf32> to vector<512x512xf32>
    %slice3A_371 = vector.extract_strided_slice %select_n3A_365 {offsets = [0, 512], sizes = [512, 512], strides = [1, 1]} : vector<512x1024xf32> to vector<512x512xf32>
    %le3A_372 = arith.cmpf ole, %slice3A_370, %slice3A_371 : vector<512x512xf32>
    %slice3A_373 = vector.extract_strided_slice %select_n3A_365 {offsets = [0, 0], sizes = [512, 512], strides = [1, 1]} : vector<512x1024xf32> to vector<512x512xf32>
    %slice3A_374 = vector.extract_strided_slice %select_n3A_365 {offsets = [0, 512], sizes = [512, 512], strides = [1, 1]} : vector<512x1024xf32> to vector<512x512xf32>
    %select_n3A_375 = arith.select %le3A_372, %slice3A_373, %slice3A_374 : vector<512x512xi1>, vector<512x512xf32>
    %slice3A_376 = vector.extract_strided_slice %select_n3A_369 {offsets = [0, 0], sizes = [512, 512], strides = [1, 1]} : vector<512x1024xi32> to vector<512x512xi32>
    %slice3A_377 = vector.extract_strided_slice %select_n3A_369 {offsets = [0, 512], sizes = [512, 512], strides = [1, 1]} : vector<512x1024xi32> to vector<512x512xi32>
    %select_n3A_378 = arith.select %le3A_372, %slice3A_376, %slice3A_377 : vector<512x512xi1>, vector<512x512xi32>
    %slice3A_379 = vector.extract_strided_slice %select_n3A_375 {offsets = [0, 0], sizes = [512, 256], strides = [1, 1]} : vector<512x512xf32> to vector<512x256xf32>
    %slice3A_380 = vector.extract_strided_slice %select_n3A_375 {offsets = [0, 256], sizes = [512, 256], strides = [1, 1]} : vector<512x512xf32> to vector<512x256xf32>
    %le3A_381 = arith.cmpf ole, %slice3A_379, %slice3A_380 : vector<512x256xf32>
    %slice3A_382 = vector.extract_strided_slice %select_n3A_375 {offsets = [0, 0], sizes = [512, 256], strides = [1, 1]} : vector<512x512xf32> to vector<512x256xf32>
    %slice3A_383 = vector.extract_strided_slice %select_n3A_375 {offsets = [0, 256], sizes = [512, 256], strides = [1, 1]} : vector<512x512xf32> to vector<512x256xf32>
    %select_n3A_384 = arith.select %le3A_381, %slice3A_382, %slice3A_383 : vector<512x256xi1>, vector<512x256xf32>
    %slice3A_385 = vector.extract_strided_slice %select_n3A_378 {offsets = [0, 0], sizes = [512, 256], strides = [1, 1]} : vector<512x512xi32> to vector<512x256xi32>
    %slice3A_386 = vector.extract_strided_slice %select_n3A_378 {offsets = [0, 256], sizes = [512, 256], strides = [1, 1]} : vector<512x512xi32> to vector<512x256xi32>
    %select_n3A_387 = arith.select %le3A_381, %slice3A_385, %slice3A_386 : vector<512x256xi1>, vector<512x256xi32>
    %slice3A_388 = vector.extract_strided_slice %select_n3A_384 {offsets = [0, 0], sizes = [512, 128], strides = [1, 1]} : vector<512x256xf32> to vector<512x128xf32>
    %slice3A_389 = vector.extract_strided_slice %select_n3A_384 {offsets = [0, 128], sizes = [512, 128], strides = [1, 1]} : vector<512x256xf32> to vector<512x128xf32>
    %le3A_390 = arith.cmpf ole, %slice3A_388, %slice3A_389 : vector<512x128xf32>
    %slice3A_391 = vector.extract_strided_slice %select_n3A_384 {offsets = [0, 0], sizes = [512, 128], strides = [1, 1]} : vector<512x256xf32> to vector<512x128xf32>
    %slice3A_392 = vector.extract_strided_slice %select_n3A_384 {offsets = [0, 128], sizes = [512, 128], strides = [1, 1]} : vector<512x256xf32> to vector<512x128xf32>
    %select_n3A_393 = arith.select %le3A_390, %slice3A_391, %slice3A_392 : vector<512x128xi1>, vector<512x128xf32>
    %slice3A_394 = vector.extract_strided_slice %select_n3A_387 {offsets = [0, 0], sizes = [512, 128], strides = [1, 1]} : vector<512x256xi32> to vector<512x128xi32>
    %slice3A_395 = vector.extract_strided_slice %select_n3A_387 {offsets = [0, 128], sizes = [512, 128], strides = [1, 1]} : vector<512x256xi32> to vector<512x128xi32>
    %select_n3A_396 = arith.select %le3A_390, %slice3A_394, %slice3A_395 : vector<512x128xi1>, vector<512x128xi32>
    %reduce_min3A_397 = arith.constant dense<0x7F800000> : vector<512xf32>
    %reduce_min3A_398 = vector.multi_reduction <minimumf>, %select_n3A_393, %reduce_min3A_397 [1] : vector<512x128xf32> to vector<512xf32>
    %broadcast_in_dim3A_399 = vector.shape_cast %reduce_min3A_398 : vector<512xf32> to vector<512x1xf32>
    %eq3A_400 = vector.broadcast %broadcast_in_dim3A_399 : vector<512x1xf32> to vector<512x128xf32>
    %eq3A_401 = arith.cmpf oeq, %select_n3A_393, %eq3A_400 : vector<512x128xf32>
    %jit3A_402 = arith.constant 8192 : i32
    %broadcast_in_dim3A_403 = vector.broadcast %jit3A_402 : i32 to vector<512x128xi32>
    %select_n3A_404 = arith.select %eq3A_401, %select_n3A_396, %broadcast_in_dim3A_403 : vector<512x128xi1>, vector<512x128xi32>
    %reduce_min3A_405 = arith.constant dense<2147483647> : vector<512xi32>
    %reduce_min3A_406 = vector.multi_reduction <minsi>, %select_n3A_404, %reduce_min3A_405 [1] : vector<512x128xi32> to vector<512xi32>
    %eq3A_407 = arith.constant 5 : i32
    %eq3A_408 = vector.broadcast %eq3A_407 : i32 to vector<16x512xi32>
    %eq3A_409 = arith.cmpi eq, %iota3A_32, %eq3A_408 : vector<16x512xi32>
    %broadcast_in_dim3A_410 = vector.shape_cast %reduce_min3A_406 : vector<512xi32> to vector<1x512xi32>
    %broadcast_in_dim3A_411 = vector.shape_cast %broadcast_in_dim3A_410 : vector<1x512xi32> to vector<1x512xi32>
    %broadcast_in_dim3A_412 = vector.broadcast %broadcast_in_dim3A_411 : vector<1x512xi32> to vector<16x512xi32>
    %select_n3A_413 = arith.select %eq3A_409, %broadcast_in_dim3A_412, %select_n3A_347 : vector<16x512xi1>, vector<16x512xi32>
    %broadcast_in_dim3A_414 = vector.shape_cast %reduce_min3A_406 : vector<512xi32> to vector<512x1xi32>
    %eq3A_415 = vector.broadcast %broadcast_in_dim3A_414 : vector<512x1xi32> to vector<512x2048xi32>
    %eq3A_416 = arith.cmpi eq, %iota3A, %eq3A_415 : vector<512x2048xi32>
    %jit3A_417 = arith.constant 3.000000e+38 : f32
    %broadcast_in_dim3A_418 = vector.broadcast %jit3A_417 : f32 to vector<512x2048xf32>
    %select_n3A_419 = arith.select %eq3A_416, %broadcast_in_dim3A_418, %get3A_359 : vector<512x2048xi1>, vector<512x2048xf32>
    %swap3A_420 = arith.constant 0 : index
    %swap3A_421 = arith.constant 0 : index
    %swap3A_422 = vector.load %arg6[%swap3A_420, %swap3A_421] : memref<512x2048xf32, #tpu.memory_space<vmem>>, vector<512x2048xf32>
    tpu.vector_store %arg6[%swap3A_420, %swap3A_421], %select_n3A_419 {strides = array<i32>} : memref<512x2048xf32, #tpu.memory_space<vmem>>, vector<512x2048xf32>,
    %get3A_423 = arith.constant 0 : index
    %get3A_424 = arith.constant 0 : index
    %get3A_425 = vector.load %arg6[%get3A_423, %get3A_424] : memref<512x2048xf32, #tpu.memory_space<vmem>>, vector<512x2048xf32>
    %slice3A_426 = vector.extract_strided_slice %get3A_425 {offsets = [0, 0], sizes = [512, 1024], strides = [1, 1]} : vector<512x2048xf32> to vector<512x1024xf32>
    %slice3A_427 = vector.extract_strided_slice %get3A_425 {offsets = [0, 1024], sizes = [512, 1024], strides = [1, 1]} : vector<512x2048xf32> to vector<512x1024xf32>
    %le3A_428 = arith.cmpf ole, %slice3A_426, %slice3A_427 : vector<512x1024xf32>
    %slice3A_429 = vector.extract_strided_slice %get3A_425 {offsets = [0, 0], sizes = [512, 1024], strides = [1, 1]} : vector<512x2048xf32> to vector<512x1024xf32>
    %slice3A_430 = vector.extract_strided_slice %get3A_425 {offsets = [0, 1024], sizes = [512, 1024], strides = [1, 1]} : vector<512x2048xf32> to vector<512x1024xf32>
    %select_n3A_431 = arith.select %le3A_428, %slice3A_429, %slice3A_430 : vector<512x1024xi1>, vector<512x1024xf32>
    %add3A_432 = arith.constant 1024 : i32
    %add3A_433 = vector.broadcast %add3A_432 : i32 to vector<512x1024xi32>
    %add3A_434 = arith.addi %iota3A_29, %add3A_433 : vector<512x1024xi32>
    %select_n3A_435 = arith.select %le3A_428, %iota3A_29, %add3A_434 : vector<512x1024xi1>, vector<512x1024xi32>
    %slice3A_436 = vector.extract_strided_slice %select_n3A_431 {offsets = [0, 0], sizes = [512, 512], strides = [1, 1]} : vector<512x1024xf32> to vector<512x512xf32>
    %slice3A_437 = vector.extract_strided_slice %select_n3A_431 {offsets = [0, 512], sizes = [512, 512], strides = [1, 1]} : vector<512x1024xf32> to vector<512x512xf32>
    %le3A_438 = arith.cmpf ole, %slice3A_436, %slice3A_437 : vector<512x512xf32>
    %slice3A_439 = vector.extract_strided_slice %select_n3A_431 {offsets = [0, 0], sizes = [512, 512], strides = [1, 1]} : vector<512x1024xf32> to vector<512x512xf32>
    %slice3A_440 = vector.extract_strided_slice %select_n3A_431 {offsets = [0, 512], sizes = [512, 512], strides = [1, 1]} : vector<512x1024xf32> to vector<512x512xf32>
    %select_n3A_441 = arith.select %le3A_438, %slice3A_439, %slice3A_440 : vector<512x512xi1>, vector<512x512xf32>
    %slice3A_442 = vector.extract_strided_slice %select_n3A_435 {offsets = [0, 0], sizes = [512, 512], strides = [1, 1]} : vector<512x1024xi32> to vector<512x512xi32>
    %slice3A_443 = vector.extract_strided_slice %select_n3A_435 {offsets = [0, 512], sizes = [512, 512], strides = [1, 1]} : vector<512x1024xi32> to vector<512x512xi32>
    %select_n3A_444 = arith.select %le3A_438, %slice3A_442, %slice3A_443 : vector<512x512xi1>, vector<512x512xi32>
    %slice3A_445 = vector.extract_strided_slice %select_n3A_441 {offsets = [0, 0], sizes = [512, 256], strides = [1, 1]} : vector<512x512xf32> to vector<512x256xf32>
    %slice3A_446 = vector.extract_strided_slice %select_n3A_441 {offsets = [0, 256], sizes = [512, 256], strides = [1, 1]} : vector<512x512xf32> to vector<512x256xf32>
    %le3A_447 = arith.cmpf ole, %slice3A_445, %slice3A_446 : vector<512x256xf32>
    %slice3A_448 = vector.extract_strided_slice %select_n3A_441 {offsets = [0, 0], sizes = [512, 256], strides = [1, 1]} : vector<512x512xf32> to vector<512x256xf32>
    %slice3A_449 = vector.extract_strided_slice %select_n3A_441 {offsets = [0, 256], sizes = [512, 256], strides = [1, 1]} : vector<512x512xf32> to vector<512x256xf32>
    %select_n3A_450 = arith.select %le3A_447, %slice3A_448, %slice3A_449 : vector<512x256xi1>, vector<512x256xf32>
    %slice3A_451 = vector.extract_strided_slice %select_n3A_444 {offsets = [0, 0], sizes = [512, 256], strides = [1, 1]} : vector<512x512xi32> to vector<512x256xi32>
    %slice3A_452 = vector.extract_strided_slice %select_n3A_444 {offsets = [0, 256], sizes = [512, 256], strides = [1, 1]} : vector<512x512xi32> to vector<512x256xi32>
    %select_n3A_453 = arith.select %le3A_447, %slice3A_451, %slice3A_452 : vector<512x256xi1>, vector<512x256xi32>
    %slice3A_454 = vector.extract_strided_slice %select_n3A_450 {offsets = [0, 0], sizes = [512, 128], strides = [1, 1]} : vector<512x256xf32> to vector<512x128xf32>
    %slice3A_455 = vector.extract_strided_slice %select_n3A_450 {offsets = [0, 128], sizes = [512, 128], strides = [1, 1]} : vector<512x256xf32> to vector<512x128xf32>
    %le3A_456 = arith.cmpf ole, %slice3A_454, %slice3A_455 : vector<512x128xf32>
    %slice3A_457 = vector.extract_strided_slice %select_n3A_450 {offsets = [0, 0], sizes = [512, 128], strides = [1, 1]} : vector<512x256xf32> to vector<512x128xf32>
    %slice3A_458 = vector.extract_strided_slice %select_n3A_450 {offsets = [0, 128], sizes = [512, 128], strides = [1, 1]} : vector<512x256xf32> to vector<512x128xf32>
    %select_n3A_459 = arith.select %le3A_456, %slice3A_457, %slice3A_458 : vector<512x128xi1>, vector<512x128xf32>
    %slice3A_460 = vector.extract_strided_slice %select_n3A_453 {offsets = [0, 0], sizes = [512, 128], strides = [1, 1]} : vector<512x256xi32> to vector<512x128xi32>
    %slice3A_461 = vector.extract_strided_slice %select_n3A_453 {offsets = [0, 128], sizes = [512, 128], strides = [1, 1]} : vector<512x256xi32> to vector<512x128xi32>
    %select_n3A_462 = arith.select %le3A_456, %slice3A_460, %slice3A_461 : vector<512x128xi1>, vector<512x128xi32>
    %reduce_min3A_463 = arith.constant dense<0x7F800000> : vector<512xf32>
    %reduce_min3A_464 = vector.multi_reduction <minimumf>, %select_n3A_459, %reduce_min3A_463 [1] : vector<512x128xf32> to vector<512xf32>
    %broadcast_in_dim3A_465 = vector.shape_cast %reduce_min3A_464 : vector<512xf32> to vector<512x1xf32>
    %eq3A_466 = vector.broadcast %broadcast_in_dim3A_465 : vector<512x1xf32> to vector<512x128xf32>
    %eq3A_467 = arith.cmpf oeq, %select_n3A_459, %eq3A_466 : vector<512x128xf32>
    %jit3A_468 = arith.constant 8192 : i32
    %broadcast_in_dim3A_469 = vector.broadcast %jit3A_468 : i32 to vector<512x128xi32>
    %select_n3A_470 = arith.select %eq3A_467, %select_n3A_462, %broadcast_in_dim3A_469 : vector<512x128xi1>, vector<512x128xi32>
    %reduce_min3A_471 = arith.constant dense<2147483647> : vector<512xi32>
    %reduce_min3A_472 = vector.multi_reduction <minsi>, %select_n3A_470, %reduce_min3A_471 [1] : vector<512x128xi32> to vector<512xi32>
    %eq3A_473 = arith.constant 6 : i32
    %eq3A_474 = vector.broadcast %eq3A_473 : i32 to vector<16x512xi32>
    %eq3A_475 = arith.cmpi eq, %iota3A_32, %eq3A_474 : vector<16x512xi32>
    %broadcast_in_dim3A_476 = vector.shape_cast %reduce_min3A_472 : vector<512xi32> to vector<1x512xi32>
    %broadcast_in_dim3A_477 = vector.shape_cast %broadcast_in_dim3A_476 : vector<1x512xi32> to vector<1x512xi32>
    %broadcast_in_dim3A_478 = vector.broadcast %broadcast_in_dim3A_477 : vector<1x512xi32> to vector<16x512xi32>
    %select_n3A_479 = arith.select %eq3A_475, %broadcast_in_dim3A_478, %select_n3A_413 : vector<16x512xi1>, vector<16x512xi32>
    %broadcast_in_dim3A_480 = vector.shape_cast %reduce_min3A_472 : vector<512xi32> to vector<512x1xi32>
    %eq3A_481 = vector.broadcast %broadcast_in_dim3A_480 : vector<512x1xi32> to vector<512x2048xi32>
    %eq3A_482 = arith.cmpi eq, %iota3A, %eq3A_481 : vector<512x2048xi32>
    %jit3A_483 = arith.constant 3.000000e+38 : f32
    %broadcast_in_dim3A_484 = vector.broadcast %jit3A_483 : f32 to vector<512x2048xf32>
    %select_n3A_485 = arith.select %eq3A_482, %broadcast_in_dim3A_484, %get3A_425 : vector<512x2048xi1>, vector<512x2048xf32>
    %swap3A_486 = arith.constant 0 : index
    %swap3A_487 = arith.constant 0 : index
    %swap3A_488 = vector.load %arg6[%swap3A_486, %swap3A_487] : memref<512x2048xf32, #tpu.memory_space<vmem>>, vector<512x2048xf32>
    tpu.vector_store %arg6[%swap3A_486, %swap3A_487], %select_n3A_485 {strides = array<i32>} : memref<512x2048xf32, #tpu.memory_space<vmem>>, vector<512x2048xf32>,
    %get3A_489 = arith.constant 0 : index
    %get3A_490 = arith.constant 0 : index
    %get3A_491 = vector.load %arg6[%get3A_489, %get3A_490] : memref<512x2048xf32, #tpu.memory_space<vmem>>, vector<512x2048xf32>
    %slice3A_492 = vector.extract_strided_slice %get3A_491 {offsets = [0, 0], sizes = [512, 1024], strides = [1, 1]} : vector<512x2048xf32> to vector<512x1024xf32>
    %slice3A_493 = vector.extract_strided_slice %get3A_491 {offsets = [0, 1024], sizes = [512, 1024], strides = [1, 1]} : vector<512x2048xf32> to vector<512x1024xf32>
    %le3A_494 = arith.cmpf ole, %slice3A_492, %slice3A_493 : vector<512x1024xf32>
    %slice3A_495 = vector.extract_strided_slice %get3A_491 {offsets = [0, 0], sizes = [512, 1024], strides = [1, 1]} : vector<512x2048xf32> to vector<512x1024xf32>
    %slice3A_496 = vector.extract_strided_slice %get3A_491 {offsets = [0, 1024], sizes = [512, 1024], strides = [1, 1]} : vector<512x2048xf32> to vector<512x1024xf32>
    %select_n3A_497 = arith.select %le3A_494, %slice3A_495, %slice3A_496 : vector<512x1024xi1>, vector<512x1024xf32>
    %add3A_498 = arith.constant 1024 : i32
    %add3A_499 = vector.broadcast %add3A_498 : i32 to vector<512x1024xi32>
    %add3A_500 = arith.addi %iota3A_29, %add3A_499 : vector<512x1024xi32>
    %select_n3A_501 = arith.select %le3A_494, %iota3A_29, %add3A_500 : vector<512x1024xi1>, vector<512x1024xi32>
    %slice3A_502 = vector.extract_strided_slice %select_n3A_497 {offsets = [0, 0], sizes = [512, 512], strides = [1, 1]} : vector<512x1024xf32> to vector<512x512xf32>
    %slice3A_503 = vector.extract_strided_slice %select_n3A_497 {offsets = [0, 512], sizes = [512, 512], strides = [1, 1]} : vector<512x1024xf32> to vector<512x512xf32>
    %le3A_504 = arith.cmpf ole, %slice3A_502, %slice3A_503 : vector<512x512xf32>
    %slice3A_505 = vector.extract_strided_slice %select_n3A_497 {offsets = [0, 0], sizes = [512, 512], strides = [1, 1]} : vector<512x1024xf32> to vector<512x512xf32>
    %slice3A_506 = vector.extract_strided_slice %select_n3A_497 {offsets = [0, 512], sizes = [512, 512], strides = [1, 1]} : vector<512x1024xf32> to vector<512x512xf32>
    %select_n3A_507 = arith.select %le3A_504, %slice3A_505, %slice3A_506 : vector<512x512xi1>, vector<512x512xf32>
    %slice3A_508 = vector.extract_strided_slice %select_n3A_501 {offsets = [0, 0], sizes = [512, 512], strides = [1, 1]} : vector<512x1024xi32> to vector<512x512xi32>
    %slice3A_509 = vector.extract_strided_slice %select_n3A_501 {offsets = [0, 512], sizes = [512, 512], strides = [1, 1]} : vector<512x1024xi32> to vector<512x512xi32>
    %select_n3A_510 = arith.select %le3A_504, %slice3A_508, %slice3A_509 : vector<512x512xi1>, vector<512x512xi32>
    %slice3A_511 = vector.extract_strided_slice %select_n3A_507 {offsets = [0, 0], sizes = [512, 256], strides = [1, 1]} : vector<512x512xf32> to vector<512x256xf32>
    %slice3A_512 = vector.extract_strided_slice %select_n3A_507 {offsets = [0, 256], sizes = [512, 256], strides = [1, 1]} : vector<512x512xf32> to vector<512x256xf32>
    %le3A_513 = arith.cmpf ole, %slice3A_511, %slice3A_512 : vector<512x256xf32>
    %slice3A_514 = vector.extract_strided_slice %select_n3A_507 {offsets = [0, 0], sizes = [512, 256], strides = [1, 1]} : vector<512x512xf32> to vector<512x256xf32>
    %slice3A_515 = vector.extract_strided_slice %select_n3A_507 {offsets = [0, 256], sizes = [512, 256], strides = [1, 1]} : vector<512x512xf32> to vector<512x256xf32>
    %select_n3A_516 = arith.select %le3A_513, %slice3A_514, %slice3A_515 : vector<512x256xi1>, vector<512x256xf32>
    %slice3A_517 = vector.extract_strided_slice %select_n3A_510 {offsets = [0, 0], sizes = [512, 256], strides = [1, 1]} : vector<512x512xi32> to vector<512x256xi32>
    %slice3A_518 = vector.extract_strided_slice %select_n3A_510 {offsets = [0, 256], sizes = [512, 256], strides = [1, 1]} : vector<512x512xi32> to vector<512x256xi32>
    %select_n3A_519 = arith.select %le3A_513, %slice3A_517, %slice3A_518 : vector<512x256xi1>, vector<512x256xi32>
    %slice3A_520 = vector.extract_strided_slice %select_n3A_516 {offsets = [0, 0], sizes = [512, 128], strides = [1, 1]} : vector<512x256xf32> to vector<512x128xf32>
    %slice3A_521 = vector.extract_strided_slice %select_n3A_516 {offsets = [0, 128], sizes = [512, 128], strides = [1, 1]} : vector<512x256xf32> to vector<512x128xf32>
    %le3A_522 = arith.cmpf ole, %slice3A_520, %slice3A_521 : vector<512x128xf32>
    %slice3A_523 = vector.extract_strided_slice %select_n3A_516 {offsets = [0, 0], sizes = [512, 128], strides = [1, 1]} : vector<512x256xf32> to vector<512x128xf32>
    %slice3A_524 = vector.extract_strided_slice %select_n3A_516 {offsets = [0, 128], sizes = [512, 128], strides = [1, 1]} : vector<512x256xf32> to vector<512x128xf32>
    %select_n3A_525 = arith.select %le3A_522, %slice3A_523, %slice3A_524 : vector<512x128xi1>, vector<512x128xf32>
    %slice3A_526 = vector.extract_strided_slice %select_n3A_519 {offsets = [0, 0], sizes = [512, 128], strides = [1, 1]} : vector<512x256xi32> to vector<512x128xi32>
    %slice3A_527 = vector.extract_strided_slice %select_n3A_519 {offsets = [0, 128], sizes = [512, 128], strides = [1, 1]} : vector<512x256xi32> to vector<512x128xi32>
    %select_n3A_528 = arith.select %le3A_522, %slice3A_526, %slice3A_527 : vector<512x128xi1>, vector<512x128xi32>
    %reduce_min3A_529 = arith.constant dense<0x7F800000> : vector<512xf32>
    %reduce_min3A_530 = vector.multi_reduction <minimumf>, %select_n3A_525, %reduce_min3A_529 [1] : vector<512x128xf32> to vector<512xf32>
    %broadcast_in_dim3A_531 = vector.shape_cast %reduce_min3A_530 : vector<512xf32> to vector<512x1xf32>
    %eq3A_532 = vector.broadcast %broadcast_in_dim3A_531 : vector<512x1xf32> to vector<512x128xf32>
    %eq3A_533 = arith.cmpf oeq, %select_n3A_525, %eq3A_532 : vector<512x128xf32>
    %jit3A_534 = arith.constant 8192 : i32
    %broadcast_in_dim3A_535 = vector.broadcast %jit3A_534 : i32 to vector<512x128xi32>
    %select_n3A_536 = arith.select %eq3A_533, %select_n3A_528, %broadcast_in_dim3A_535 : vector<512x128xi1>, vector<512x128xi32>
    %reduce_min3A_537 = arith.constant dense<2147483647> : vector<512xi32>
    %reduce_min3A_538 = vector.multi_reduction <minsi>, %select_n3A_536, %reduce_min3A_537 [1] : vector<512x128xi32> to vector<512xi32>
    %eq3A_539 = arith.constant 7 : i32
    %eq3A_540 = vector.broadcast %eq3A_539 : i32 to vector<16x512xi32>
    %eq3A_541 = arith.cmpi eq, %iota3A_32, %eq3A_540 : vector<16x512xi32>
    %broadcast_in_dim3A_542 = vector.shape_cast %reduce_min3A_538 : vector<512xi32> to vector<1x512xi32>
    %broadcast_in_dim3A_543 = vector.shape_cast %broadcast_in_dim3A_542 : vector<1x512xi32> to vector<1x512xi32>
    %broadcast_in_dim3A_544 = vector.broadcast %broadcast_in_dim3A_543 : vector<1x512xi32> to vector<16x512xi32>
    %select_n3A_545 = arith.select %eq3A_541, %broadcast_in_dim3A_544, %select_n3A_479 : vector<16x512xi1>, vector<16x512xi32>
    %broadcast_in_dim3A_546 = vector.shape_cast %reduce_min3A_538 : vector<512xi32> to vector<512x1xi32>
    %eq3A_547 = vector.broadcast %broadcast_in_dim3A_546 : vector<512x1xi32> to vector<512x2048xi32>
    %eq3A_548 = arith.cmpi eq, %iota3A, %eq3A_547 : vector<512x2048xi32>
    %jit3A_549 = arith.constant 3.000000e+38 : f32
    %broadcast_in_dim3A_550 = vector.broadcast %jit3A_549 : f32 to vector<512x2048xf32>
    %select_n3A_551 = arith.select %eq3A_548, %broadcast_in_dim3A_550, %get3A_491 : vector<512x2048xi1>, vector<512x2048xf32>
    %swap3A_552 = arith.constant 0 : index
    %swap3A_553 = arith.constant 0 : index
    %swap3A_554 = vector.load %arg6[%swap3A_552, %swap3A_553] : memref<512x2048xf32, #tpu.memory_space<vmem>>, vector<512x2048xf32>
    tpu.vector_store %arg6[%swap3A_552, %swap3A_553], %select_n3A_551 {strides = array<i32>} : memref<512x2048xf32, #tpu.memory_space<vmem>>, vector<512x2048xf32>,
    %get3A_555 = arith.constant 0 : index
    %get3A_556 = arith.constant 0 : index
    %get3A_557 = vector.load %arg6[%get3A_555, %get3A_556] : memref<512x2048xf32, #tpu.memory_space<vmem>>, vector<512x2048xf32>
    %slice3A_558 = vector.extract_strided_slice %get3A_557 {offsets = [0, 0], sizes = [512, 1024], strides = [1, 1]} : vector<512x2048xf32> to vector<512x1024xf32>
    %slice3A_559 = vector.extract_strided_slice %get3A_557 {offsets = [0, 1024], sizes = [512, 1024], strides = [1, 1]} : vector<512x2048xf32> to vector<512x1024xf32>
    %le3A_560 = arith.cmpf ole, %slice3A_558, %slice3A_559 : vector<512x1024xf32>
    %slice3A_561 = vector.extract_strided_slice %get3A_557 {offsets = [0, 0], sizes = [512, 1024], strides = [1, 1]} : vector<512x2048xf32> to vector<512x1024xf32>
    %slice3A_562 = vector.extract_strided_slice %get3A_557 {offsets = [0, 1024], sizes = [512, 1024], strides = [1, 1]} : vector<512x2048xf32> to vector<512x1024xf32>
    %select_n3A_563 = arith.select %le3A_560, %slice3A_561, %slice3A_562 : vector<512x1024xi1>, vector<512x1024xf32>
    %add3A_564 = arith.constant 1024 : i32
    %add3A_565 = vector.broadcast %add3A_564 : i32 to vector<512x1024xi32>
    %add3A_566 = arith.addi %iota3A_29, %add3A_565 : vector<512x1024xi32>
    %select_n3A_567 = arith.select %le3A_560, %iota3A_29, %add3A_566 : vector<512x1024xi1>, vector<512x1024xi32>
    %slice3A_568 = vector.extract_strided_slice %select_n3A_563 {offsets = [0, 0], sizes = [512, 512], strides = [1, 1]} : vector<512x1024xf32> to vector<512x512xf32>
    %slice3A_569 = vector.extract_strided_slice %select_n3A_563 {offsets = [0, 512], sizes = [512, 512], strides = [1, 1]} : vector<512x1024xf32> to vector<512x512xf32>
    %le3A_570 = arith.cmpf ole, %slice3A_568, %slice3A_569 : vector<512x512xf32>
    %slice3A_571 = vector.extract_strided_slice %select_n3A_563 {offsets = [0, 0], sizes = [512, 512], strides = [1, 1]} : vector<512x1024xf32> to vector<512x512xf32>
    %slice3A_572 = vector.extract_strided_slice %select_n3A_563 {offsets = [0, 512], sizes = [512, 512], strides = [1, 1]} : vector<512x1024xf32> to vector<512x512xf32>
    %select_n3A_573 = arith.select %le3A_570, %slice3A_571, %slice3A_572 : vector<512x512xi1>, vector<512x512xf32>
    %slice3A_574 = vector.extract_strided_slice %select_n3A_567 {offsets = [0, 0], sizes = [512, 512], strides = [1, 1]} : vector<512x1024xi32> to vector<512x512xi32>
    %slice3A_575 = vector.extract_strided_slice %select_n3A_567 {offsets = [0, 512], sizes = [512, 512], strides = [1, 1]} : vector<512x1024xi32> to vector<512x512xi32>
    %select_n3A_576 = arith.select %le3A_570, %slice3A_574, %slice3A_575 : vector<512x512xi1>, vector<512x512xi32>
    %slice3A_577 = vector.extract_strided_slice %select_n3A_573 {offsets = [0, 0], sizes = [512, 256], strides = [1, 1]} : vector<512x512xf32> to vector<512x256xf32>
    %slice3A_578 = vector.extract_strided_slice %select_n3A_573 {offsets = [0, 256], sizes = [512, 256], strides = [1, 1]} : vector<512x512xf32> to vector<512x256xf32>
    %le3A_579 = arith.cmpf ole, %slice3A_577, %slice3A_578 : vector<512x256xf32>
    %slice3A_580 = vector.extract_strided_slice %select_n3A_573 {offsets = [0, 0], sizes = [512, 256], strides = [1, 1]} : vector<512x512xf32> to vector<512x256xf32>
    %slice3A_581 = vector.extract_strided_slice %select_n3A_573 {offsets = [0, 256], sizes = [512, 256], strides = [1, 1]} : vector<512x512xf32> to vector<512x256xf32>
    %select_n3A_582 = arith.select %le3A_579, %slice3A_580, %slice3A_581 : vector<512x256xi1>, vector<512x256xf32>
    %slice3A_583 = vector.extract_strided_slice %select_n3A_576 {offsets = [0, 0], sizes = [512, 256], strides = [1, 1]} : vector<512x512xi32> to vector<512x256xi32>
    %slice3A_584 = vector.extract_strided_slice %select_n3A_576 {offsets = [0, 256], sizes = [512, 256], strides = [1, 1]} : vector<512x512xi32> to vector<512x256xi32>
    %select_n3A_585 = arith.select %le3A_579, %slice3A_583, %slice3A_584 : vector<512x256xi1>, vector<512x256xi32>
    %slice3A_586 = vector.extract_strided_slice %select_n3A_582 {offsets = [0, 0], sizes = [512, 128], strides = [1, 1]} : vector<512x256xf32> to vector<512x128xf32>
    %slice3A_587 = vector.extract_strided_slice %select_n3A_582 {offsets = [0, 128], sizes = [512, 128], strides = [1, 1]} : vector<512x256xf32> to vector<512x128xf32>
    %le3A_588 = arith.cmpf ole, %slice3A_586, %slice3A_587 : vector<512x128xf32>
    %slice3A_589 = vector.extract_strided_slice %select_n3A_582 {offsets = [0, 0], sizes = [512, 128], strides = [1, 1]} : vector<512x256xf32> to vector<512x128xf32>
    %slice3A_590 = vector.extract_strided_slice %select_n3A_582 {offsets = [0, 128], sizes = [512, 128], strides = [1, 1]} : vector<512x256xf32> to vector<512x128xf32>
    %select_n3A_591 = arith.select %le3A_588, %slice3A_589, %slice3A_590 : vector<512x128xi1>, vector<512x128xf32>
    %slice3A_592 = vector.extract_strided_slice %select_n3A_585 {offsets = [0, 0], sizes = [512, 128], strides = [1, 1]} : vector<512x256xi32> to vector<512x128xi32>
    %slice3A_593 = vector.extract_strided_slice %select_n3A_585 {offsets = [0, 128], sizes = [512, 128], strides = [1, 1]} : vector<512x256xi32> to vector<512x128xi32>
    %select_n3A_594 = arith.select %le3A_588, %slice3A_592, %slice3A_593 : vector<512x128xi1>, vector<512x128xi32>
    %reduce_min3A_595 = arith.constant dense<0x7F800000> : vector<512xf32>
    %reduce_min3A_596 = vector.multi_reduction <minimumf>, %select_n3A_591, %reduce_min3A_595 [1] : vector<512x128xf32> to vector<512xf32>
    %broadcast_in_dim3A_597 = vector.shape_cast %reduce_min3A_596 : vector<512xf32> to vector<512x1xf32>
    %eq3A_598 = vector.broadcast %broadcast_in_dim3A_597 : vector<512x1xf32> to vector<512x128xf32>
    %eq3A_599 = arith.cmpf oeq, %select_n3A_591, %eq3A_598 : vector<512x128xf32>
    %jit3A_600 = arith.constant 8192 : i32
    %broadcast_in_dim3A_601 = vector.broadcast %jit3A_600 : i32 to vector<512x128xi32>
    %select_n3A_602 = arith.select %eq3A_599, %select_n3A_594, %broadcast_in_dim3A_601 : vector<512x128xi1>, vector<512x128xi32>
    %reduce_min3A_603 = arith.constant dense<2147483647> : vector<512xi32>
    %reduce_min3A_604 = vector.multi_reduction <minsi>, %select_n3A_602, %reduce_min3A_603 [1] : vector<512x128xi32> to vector<512xi32>
    %eq3A_605 = arith.constant 8 : i32
    %eq3A_606 = vector.broadcast %eq3A_605 : i32 to vector<16x512xi32>
    %eq3A_607 = arith.cmpi eq, %iota3A_32, %eq3A_606 : vector<16x512xi32>
    %broadcast_in_dim3A_608 = vector.shape_cast %reduce_min3A_604 : vector<512xi32> to vector<1x512xi32>
    %broadcast_in_dim3A_609 = vector.shape_cast %broadcast_in_dim3A_608 : vector<1x512xi32> to vector<1x512xi32>
    %broadcast_in_dim3A_610 = vector.broadcast %broadcast_in_dim3A_609 : vector<1x512xi32> to vector<16x512xi32>
    %select_n3A_611 = arith.select %eq3A_607, %broadcast_in_dim3A_610, %select_n3A_545 : vector<16x512xi1>, vector<16x512xi32>
    %broadcast_in_dim3A_612 = vector.shape_cast %reduce_min3A_604 : vector<512xi32> to vector<512x1xi32>
    %eq3A_613 = vector.broadcast %broadcast_in_dim3A_612 : vector<512x1xi32> to vector<512x2048xi32>
    %eq3A_614 = arith.cmpi eq, %iota3A, %eq3A_613 : vector<512x2048xi32>
    %jit3A_615 = arith.constant 3.000000e+38 : f32
    %broadcast_in_dim3A_616 = vector.broadcast %jit3A_615 : f32 to vector<512x2048xf32>
    %select_n3A_617 = arith.select %eq3A_614, %broadcast_in_dim3A_616, %get3A_557 : vector<512x2048xi1>, vector<512x2048xf32>
    %swap3A_618 = arith.constant 0 : index
    %swap3A_619 = arith.constant 0 : index
    %swap3A_620 = vector.load %arg6[%swap3A_618, %swap3A_619] : memref<512x2048xf32, #tpu.memory_space<vmem>>, vector<512x2048xf32>
    tpu.vector_store %arg6[%swap3A_618, %swap3A_619], %select_n3A_617 {strides = array<i32>} : memref<512x2048xf32, #tpu.memory_space<vmem>>, vector<512x2048xf32>,
    %get3A_621 = arith.constant 0 : index
    %get3A_622 = arith.constant 0 : index
    %get3A_623 = vector.load %arg6[%get3A_621, %get3A_622] : memref<512x2048xf32, #tpu.memory_space<vmem>>, vector<512x2048xf32>
    %slice3A_624 = vector.extract_strided_slice %get3A_623 {offsets = [0, 0], sizes = [512, 1024], strides = [1, 1]} : vector<512x2048xf32> to vector<512x1024xf32>
    %slice3A_625 = vector.extract_strided_slice %get3A_623 {offsets = [0, 1024], sizes = [512, 1024], strides = [1, 1]} : vector<512x2048xf32> to vector<512x1024xf32>
    %le3A_626 = arith.cmpf ole, %slice3A_624, %slice3A_625 : vector<512x1024xf32>
    %slice3A_627 = vector.extract_strided_slice %get3A_623 {offsets = [0, 0], sizes = [512, 1024], strides = [1, 1]} : vector<512x2048xf32> to vector<512x1024xf32>
    %slice3A_628 = vector.extract_strided_slice %get3A_623 {offsets = [0, 1024], sizes = [512, 1024], strides = [1, 1]} : vector<512x2048xf32> to vector<512x1024xf32>
    %select_n3A_629 = arith.select %le3A_626, %slice3A_627, %slice3A_628 : vector<512x1024xi1>, vector<512x1024xf32>
    %add3A_630 = arith.constant 1024 : i32
    %add3A_631 = vector.broadcast %add3A_630 : i32 to vector<512x1024xi32>
    %add3A_632 = arith.addi %iota3A_29, %add3A_631 : vector<512x1024xi32>
    %select_n3A_633 = arith.select %le3A_626, %iota3A_29, %add3A_632 : vector<512x1024xi1>, vector<512x1024xi32>
    %slice3A_634 = vector.extract_strided_slice %select_n3A_629 {offsets = [0, 0], sizes = [512, 512], strides = [1, 1]} : vector<512x1024xf32> to vector<512x512xf32>
    %slice3A_635 = vector.extract_strided_slice %select_n3A_629 {offsets = [0, 512], sizes = [512, 512], strides = [1, 1]} : vector<512x1024xf32> to vector<512x512xf32>
    %le3A_636 = arith.cmpf ole, %slice3A_634, %slice3A_635 : vector<512x512xf32>
    %slice3A_637 = vector.extract_strided_slice %select_n3A_629 {offsets = [0, 0], sizes = [512, 512], strides = [1, 1]} : vector<512x1024xf32> to vector<512x512xf32>
    %slice3A_638 = vector.extract_strided_slice %select_n3A_629 {offsets = [0, 512], sizes = [512, 512], strides = [1, 1]} : vector<512x1024xf32> to vector<512x512xf32>
    %select_n3A_639 = arith.select %le3A_636, %slice3A_637, %slice3A_638 : vector<512x512xi1>, vector<512x512xf32>
    %slice3A_640 = vector.extract_strided_slice %select_n3A_633 {offsets = [0, 0], sizes = [512, 512], strides = [1, 1]} : vector<512x1024xi32> to vector<512x512xi32>
    %slice3A_641 = vector.extract_strided_slice %select_n3A_633 {offsets = [0, 512], sizes = [512, 512], strides = [1, 1]} : vector<512x1024xi32> to vector<512x512xi32>
    %select_n3A_642 = arith.select %le3A_636, %slice3A_640, %slice3A_641 : vector<512x512xi1>, vector<512x512xi32>
    %slice3A_643 = vector.extract_strided_slice %select_n3A_639 {offsets = [0, 0], sizes = [512, 256], strides = [1, 1]} : vector<512x512xf32> to vector<512x256xf32>
    %slice3A_644 = vector.extract_strided_slice %select_n3A_639 {offsets = [0, 256], sizes = [512, 256], strides = [1, 1]} : vector<512x512xf32> to vector<512x256xf32>
    %le3A_645 = arith.cmpf ole, %slice3A_643, %slice3A_644 : vector<512x256xf32>
    %slice3A_646 = vector.extract_strided_slice %select_n3A_639 {offsets = [0, 0], sizes = [512, 256], strides = [1, 1]} : vector<512x512xf32> to vector<512x256xf32>
    %slice3A_647 = vector.extract_strided_slice %select_n3A_639 {offsets = [0, 256], sizes = [512, 256], strides = [1, 1]} : vector<512x512xf32> to vector<512x256xf32>
    %select_n3A_648 = arith.select %le3A_645, %slice3A_646, %slice3A_647 : vector<512x256xi1>, vector<512x256xf32>
    %slice3A_649 = vector.extract_strided_slice %select_n3A_642 {offsets = [0, 0], sizes = [512, 256], strides = [1, 1]} : vector<512x512xi32> to vector<512x256xi32>
    %slice3A_650 = vector.extract_strided_slice %select_n3A_642 {offsets = [0, 256], sizes = [512, 256], strides = [1, 1]} : vector<512x512xi32> to vector<512x256xi32>
    %select_n3A_651 = arith.select %le3A_645, %slice3A_649, %slice3A_650 : vector<512x256xi1>, vector<512x256xi32>
    %slice3A_652 = vector.extract_strided_slice %select_n3A_648 {offsets = [0, 0], sizes = [512, 128], strides = [1, 1]} : vector<512x256xf32> to vector<512x128xf32>
    %slice3A_653 = vector.extract_strided_slice %select_n3A_648 {offsets = [0, 128], sizes = [512, 128], strides = [1, 1]} : vector<512x256xf32> to vector<512x128xf32>
    %le3A_654 = arith.cmpf ole, %slice3A_652, %slice3A_653 : vector<512x128xf32>
    %slice3A_655 = vector.extract_strided_slice %select_n3A_648 {offsets = [0, 0], sizes = [512, 128], strides = [1, 1]} : vector<512x256xf32> to vector<512x128xf32>
    %slice3A_656 = vector.extract_strided_slice %select_n3A_648 {offsets = [0, 128], sizes = [512, 128], strides = [1, 1]} : vector<512x256xf32> to vector<512x128xf32>
    %select_n3A_657 = arith.select %le3A_654, %slice3A_655, %slice3A_656 : vector<512x128xi1>, vector<512x128xf32>
    %slice3A_658 = vector.extract_strided_slice %select_n3A_651 {offsets = [0, 0], sizes = [512, 128], strides = [1, 1]} : vector<512x256xi32> to vector<512x128xi32>
    %slice3A_659 = vector.extract_strided_slice %select_n3A_651 {offsets = [0, 128], sizes = [512, 128], strides = [1, 1]} : vector<512x256xi32> to vector<512x128xi32>
    %select_n3A_660 = arith.select %le3A_654, %slice3A_658, %slice3A_659 : vector<512x128xi1>, vector<512x128xi32>
    %reduce_min3A_661 = arith.constant dense<0x7F800000> : vector<512xf32>
    %reduce_min3A_662 = vector.multi_reduction <minimumf>, %select_n3A_657, %reduce_min3A_661 [1] : vector<512x128xf32> to vector<512xf32>
    %broadcast_in_dim3A_663 = vector.shape_cast %reduce_min3A_662 : vector<512xf32> to vector<512x1xf32>
    %eq3A_664 = vector.broadcast %broadcast_in_dim3A_663 : vector<512x1xf32> to vector<512x128xf32>
    %eq3A_665 = arith.cmpf oeq, %select_n3A_657, %eq3A_664 : vector<512x128xf32>
    %jit3A_666 = arith.constant 8192 : i32
    %broadcast_in_dim3A_667 = vector.broadcast %jit3A_666 : i32 to vector<512x128xi32>
    %select_n3A_668 = arith.select %eq3A_665, %select_n3A_660, %broadcast_in_dim3A_667 : vector<512x128xi1>, vector<512x128xi32>
    %reduce_min3A_669 = arith.constant dense<2147483647> : vector<512xi32>
    %reduce_min3A_670 = vector.multi_reduction <minsi>, %select_n3A_668, %reduce_min3A_669 [1] : vector<512x128xi32> to vector<512xi32>
    %eq3A_671 = arith.constant 9 : i32
    %eq3A_672 = vector.broadcast %eq3A_671 : i32 to vector<16x512xi32>
    %eq3A_673 = arith.cmpi eq, %iota3A_32, %eq3A_672 : vector<16x512xi32>
    %broadcast_in_dim3A_674 = vector.shape_cast %reduce_min3A_670 : vector<512xi32> to vector<1x512xi32>
    %broadcast_in_dim3A_675 = vector.shape_cast %broadcast_in_dim3A_674 : vector<1x512xi32> to vector<1x512xi32>
    %broadcast_in_dim3A_676 = vector.broadcast %broadcast_in_dim3A_675 : vector<1x512xi32> to vector<16x512xi32>
    %select_n3A_677 = arith.select %eq3A_673, %broadcast_in_dim3A_676, %select_n3A_611 : vector<16x512xi1>, vector<16x512xi32>
    %broadcast_in_dim3A_678 = vector.shape_cast %reduce_min3A_670 : vector<512xi32> to vector<512x1xi32>
    %eq3A_679 = vector.broadcast %broadcast_in_dim3A_678 : vector<512x1xi32> to vector<512x2048xi32>
    %eq3A_680 = arith.cmpi eq, %iota3A, %eq3A_679 : vector<512x2048xi32>
    %jit3A_681 = arith.constant 3.000000e+38 : f32
    %broadcast_in_dim3A_682 = vector.broadcast %jit3A_681 : f32 to vector<512x2048xf32>
    %select_n3A_683 = arith.select %eq3A_680, %broadcast_in_dim3A_682, %get3A_623 : vector<512x2048xi1>, vector<512x2048xf32>
    %swap3A_684 = arith.constant 0 : index
    %swap3A_685 = arith.constant 0 : index
    %swap3A_686 = vector.load %arg6[%swap3A_684, %swap3A_685] : memref<512x2048xf32, #tpu.memory_space<vmem>>, vector<512x2048xf32>
    tpu.vector_store %arg6[%swap3A_684, %swap3A_685], %select_n3A_683 {strides = array<i32>} : memref<512x2048xf32, #tpu.memory_space<vmem>>, vector<512x2048xf32>,
    %get3A_687 = arith.constant 0 : index
    %get3A_688 = arith.constant 0 : index
    %get3A_689 = vector.load %arg6[%get3A_687, %get3A_688] : memref<512x2048xf32, #tpu.memory_space<vmem>>, vector<512x2048xf32>
    %slice3A_690 = vector.extract_strided_slice %get3A_689 {offsets = [0, 0], sizes = [512, 1024], strides = [1, 1]} : vector<512x2048xf32> to vector<512x1024xf32>
    %slice3A_691 = vector.extract_strided_slice %get3A_689 {offsets = [0, 1024], sizes = [512, 1024], strides = [1, 1]} : vector<512x2048xf32> to vector<512x1024xf32>
    %le3A_692 = arith.cmpf ole, %slice3A_690, %slice3A_691 : vector<512x1024xf32>
    %slice3A_693 = vector.extract_strided_slice %get3A_689 {offsets = [0, 0], sizes = [512, 1024], strides = [1, 1]} : vector<512x2048xf32> to vector<512x1024xf32>
    %slice3A_694 = vector.extract_strided_slice %get3A_689 {offsets = [0, 1024], sizes = [512, 1024], strides = [1, 1]} : vector<512x2048xf32> to vector<512x1024xf32>
    %select_n3A_695 = arith.select %le3A_692, %slice3A_693, %slice3A_694 : vector<512x1024xi1>, vector<512x1024xf32>
    %add3A_696 = arith.constant 1024 : i32
    %add3A_697 = vector.broadcast %add3A_696 : i32 to vector<512x1024xi32>
    %add3A_698 = arith.addi %iota3A_29, %add3A_697 : vector<512x1024xi32>
    %select_n3A_699 = arith.select %le3A_692, %iota3A_29, %add3A_698 : vector<512x1024xi1>, vector<512x1024xi32>
    %slice3A_700 = vector.extract_strided_slice %select_n3A_695 {offsets = [0, 0], sizes = [512, 512], strides = [1, 1]} : vector<512x1024xf32> to vector<512x512xf32>
    %slice3A_701 = vector.extract_strided_slice %select_n3A_695 {offsets = [0, 512], sizes = [512, 512], strides = [1, 1]} : vector<512x1024xf32> to vector<512x512xf32>
    %le3A_702 = arith.cmpf ole, %slice3A_700, %slice3A_701 : vector<512x512xf32>
    %slice3A_703 = vector.extract_strided_slice %select_n3A_695 {offsets = [0, 0], sizes = [512, 512], strides = [1, 1]} : vector<512x1024xf32> to vector<512x512xf32>
    %slice3A_704 = vector.extract_strided_slice %select_n3A_695 {offsets = [0, 512], sizes = [512, 512], strides = [1, 1]} : vector<512x1024xf32> to vector<512x512xf32>
    %select_n3A_705 = arith.select %le3A_702, %slice3A_703, %slice3A_704 : vector<512x512xi1>, vector<512x512xf32>
    %slice3A_706 = vector.extract_strided_slice %select_n3A_699 {offsets = [0, 0], sizes = [512, 512], strides = [1, 1]} : vector<512x1024xi32> to vector<512x512xi32>
    %slice3A_707 = vector.extract_strided_slice %select_n3A_699 {offsets = [0, 512], sizes = [512, 512], strides = [1, 1]} : vector<512x1024xi32> to vector<512x512xi32>
    %select_n3A_708 = arith.select %le3A_702, %slice3A_706, %slice3A_707 : vector<512x512xi1>, vector<512x512xi32>
    %slice3A_709 = vector.extract_strided_slice %select_n3A_705 {offsets = [0, 0], sizes = [512, 256], strides = [1, 1]} : vector<512x512xf32> to vector<512x256xf32>
    %slice3A_710 = vector.extract_strided_slice %select_n3A_705 {offsets = [0, 256], sizes = [512, 256], strides = [1, 1]} : vector<512x512xf32> to vector<512x256xf32>
    %le3A_711 = arith.cmpf ole, %slice3A_709, %slice3A_710 : vector<512x256xf32>
    %slice3A_712 = vector.extract_strided_slice %select_n3A_705 {offsets = [0, 0], sizes = [512, 256], strides = [1, 1]} : vector<512x512xf32> to vector<512x256xf32>
    %slice3A_713 = vector.extract_strided_slice %select_n3A_705 {offsets = [0, 256], sizes = [512, 256], strides = [1, 1]} : vector<512x512xf32> to vector<512x256xf32>
    %select_n3A_714 = arith.select %le3A_711, %slice3A_712, %slice3A_713 : vector<512x256xi1>, vector<512x256xf32>
    %slice3A_715 = vector.extract_strided_slice %select_n3A_708 {offsets = [0, 0], sizes = [512, 256], strides = [1, 1]} : vector<512x512xi32> to vector<512x256xi32>
    %slice3A_716 = vector.extract_strided_slice %select_n3A_708 {offsets = [0, 256], sizes = [512, 256], strides = [1, 1]} : vector<512x512xi32> to vector<512x256xi32>
    %select_n3A_717 = arith.select %le3A_711, %slice3A_715, %slice3A_716 : vector<512x256xi1>, vector<512x256xi32>
    %slice3A_718 = vector.extract_strided_slice %select_n3A_714 {offsets = [0, 0], sizes = [512, 128], strides = [1, 1]} : vector<512x256xf32> to vector<512x128xf32>
    %slice3A_719 = vector.extract_strided_slice %select_n3A_714 {offsets = [0, 128], sizes = [512, 128], strides = [1, 1]} : vector<512x256xf32> to vector<512x128xf32>
    %le3A_720 = arith.cmpf ole, %slice3A_718, %slice3A_719 : vector<512x128xf32>
    %slice3A_721 = vector.extract_strided_slice %select_n3A_714 {offsets = [0, 0], sizes = [512, 128], strides = [1, 1]} : vector<512x256xf32> to vector<512x128xf32>
    %slice3A_722 = vector.extract_strided_slice %select_n3A_714 {offsets = [0, 128], sizes = [512, 128], strides = [1, 1]} : vector<512x256xf32> to vector<512x128xf32>
    %select_n3A_723 = arith.select %le3A_720, %slice3A_721, %slice3A_722 : vector<512x128xi1>, vector<512x128xf32>
    %slice3A_724 = vector.extract_strided_slice %select_n3A_717 {offsets = [0, 0], sizes = [512, 128], strides = [1, 1]} : vector<512x256xi32> to vector<512x128xi32>
    %slice3A_725 = vector.extract_strided_slice %select_n3A_717 {offsets = [0, 128], sizes = [512, 128], strides = [1, 1]} : vector<512x256xi32> to vector<512x128xi32>
    %select_n3A_726 = arith.select %le3A_720, %slice3A_724, %slice3A_725 : vector<512x128xi1>, vector<512x128xi32>
    %reduce_min3A_727 = arith.constant dense<0x7F800000> : vector<512xf32>
    %reduce_min3A_728 = vector.multi_reduction <minimumf>, %select_n3A_723, %reduce_min3A_727 [1] : vector<512x128xf32> to vector<512xf32>
    %broadcast_in_dim3A_729 = vector.shape_cast %reduce_min3A_728 : vector<512xf32> to vector<512x1xf32>
    %eq3A_730 = vector.broadcast %broadcast_in_dim3A_729 : vector<512x1xf32> to vector<512x128xf32>
    %eq3A_731 = arith.cmpf oeq, %select_n3A_723, %eq3A_730 : vector<512x128xf32>
    %jit3A_732 = arith.constant 8192 : i32
    %broadcast_in_dim3A_733 = vector.broadcast %jit3A_732 : i32 to vector<512x128xi32>
    %select_n3A_734 = arith.select %eq3A_731, %select_n3A_726, %broadcast_in_dim3A_733 : vector<512x128xi1>, vector<512x128xi32>
    %reduce_min3A_735 = arith.constant dense<2147483647> : vector<512xi32>
    %reduce_min3A_736 = vector.multi_reduction <minsi>, %select_n3A_734, %reduce_min3A_735 [1] : vector<512x128xi32> to vector<512xi32>
    %eq3A_737 = arith.constant 10 : i32
    %eq3A_738 = vector.broadcast %eq3A_737 : i32 to vector<16x512xi32>
    %eq3A_739 = arith.cmpi eq, %iota3A_32, %eq3A_738 : vector<16x512xi32>
    %broadcast_in_dim3A_740 = vector.shape_cast %reduce_min3A_736 : vector<512xi32> to vector<1x512xi32>
    %broadcast_in_dim3A_741 = vector.shape_cast %broadcast_in_dim3A_740 : vector<1x512xi32> to vector<1x512xi32>
    %broadcast_in_dim3A_742 = vector.broadcast %broadcast_in_dim3A_741 : vector<1x512xi32> to vector<16x512xi32>
    %select_n3A_743 = arith.select %eq3A_739, %broadcast_in_dim3A_742, %select_n3A_677 : vector<16x512xi1>, vector<16x512xi32>
    %swap3A_744 = arith.constant 0 : index
    %swap3A_745 = arith.constant 0 : index
    %swap3A_746 = vector.load %arg4[%swap3A_744, %swap3A_745] : memref<16x512xi32, #tpu.memory_space<vmem>>, vector<16x512xi32>
    tpu.vector_store %arg4[%swap3A_744, %swap3A_745], %select_n3A_743 {strides = array<i32>} : memref<16x512xi32, #tpu.memory_space<vmem>>, vector<16x512xi32>,
    return
  }
  func.func @transform_0(%arg0: i32) -> (i32, i32) {
    %c0_i32 = arith.constant 0 : i32
    %c0_i32_0 = arith.constant 0 : i32
    return %arg0, %c0_i32 : i32, i32
  }
  func.func @transform_1(%arg0: i32) -> (i32, i32) {
    %c0_i32 = arith.constant 0 : i32
    %c0_i32_0 = arith.constant 0 : i32
    %c0_i32_1 = arith.constant 0 : i32
    return %c0_i32, %c0_i32_0 : i32, i32
  }
  func.func @transform_2(%arg0: i32) -> (i32, i32) {
    %c0_i32 = arith.constant 0 : i32
    %c0_i32_0 = arith.constant 0 : i32
    return %arg0, %c0_i32 : i32, i32
  }
  func.func @transform_3(%arg0: i32) -> (i32, i32) {
    %c0_i32 = arith.constant 0 : i32
    %c0_i32_0 = arith.constant 0 : i32
    return %c0_i32, %arg0 : i32, i32
  }
  func.func @transform_4(%arg0: i32) -> (i32, i32) {
    %c0_i32 = arith.constant 0 : i32
    %c0_i32_0 = arith.constant 0 : i32
    return %arg0, %c0_i32 : i32, i32
  }
}

</mosaic_0001>

<sc_bundles>
// kernel: kernel.5.cloned.1.call-start
scs
__scs_entry_jumppad:
0x0: {  	(pc) =	sbr.rel $0x88, $3  }
0x1: {  	(tag) =	ssettag $0x0;
	lr =	simm.s32 $0x1  }
0x2: {  	[smem:$0x3F9F] =	sst lr;
	_ =	strace $0xD0000000  }
0x3: {  	_ = 	snop  }
0x4: {  	_ = 	snop  }
0x5: {  	_ = 	snop  }
0x6: {  	_ = 	snop  }
0x7: {  	_ = 	snop  }
__scs_overlays_trampoline_lowered:
0x8: {  	[smem:$0x3FAE] =	sst s0  }
0x9: {  	[smem:$0x3FAF] =	sst s1  }
0xa: {  	[smem:$0x3FB0] =	sst s2  }
0xb: {  	[smem:$0x3FB1] =	sst s3  }
0xc: {  	[smem:$0x3FB2] =	sst s4  }
0xd: {  	[smem:$0x3FB3] =	sst s5  }
0xe: {  	[smem:$0x3FB4] =	sst s6  }
0xf: {  	[smem:$0x3FB5] =	sst s7  }
0x10: {  	[smem:$0x3FB6] =	sst s8  }
0x11: {  	[smem:$0x3FB7] =	sst s9;
	s0 =	simm.s32 @!p0 $0x0  }
0x12: {  	s1 =	sld [smem:$0x3F9D];
	s0 =	simm.s32 @p0 $0x1  }
0x13: {  	[smem:$0x3FB8] =	sst s0;
	s0 =	simm.s32 @!p1 $0x0  }
0x14: {  	s2 =	sld [smem:$0x3F9C];
	s0 =	simm.s32 @p1 $0x1  }
0x15: {  	[smem:$0x3FB9] =	sst s0;
	s0 =	simm.s32 @!p2 $0x0  }
0x16: {  	s3 =	sld [smem:$0x3FDB];
	s0 =	simm.s32 @p2 $0x1  }
0x17: {  	s4 =	simm.s32 $0x1BF5;
	[smem:$0x3FBB] =	sst s0  }
0x18: {  	s0 =	sld [smem:$0x3F9E];
	_ =	swait.ge [sflag:s4], $0x0  }
0x19: {  	s7 =	sld [smem:$0x3F9F]  }
0x1a: {  	s8 =	sadd.s32 $0xFFFFE003, lr  }
0x1b: {  	s9 =	sadd.s32 $0xFFFFFEF7, lr;
	s5 =	simm.s32 $0xFFFFFFFF;
	p2 =	slt.u32 s8, $0xFFFFF086  }
0x1c: {  	p1 =	slt.u32 s9, $0xF7A;
	s5 =	simm.s32 @!p2 $0x0  }
0x1d: {  	s5 =	simm.s32 @p1 $0x1;
	p0 =	seq.s32 s7, s2  }
0x1e: {  	s7 =	smul.u32 @!p0 $0xF7A, s2;
	p2 =	seq.s32 @!p0 s5, $0x0  }
0x1f: {  	s9 =	smul.u32 $0xF7A, s1;
	s8 =	simm.s32 @!p0 $0x1BF5;
	p2 =	por !p2, p0  }
0x20: {  	[sflag:s8] =	ssyncset.s32 @!p0 $0xFFFFF086;
	s6 =	sadd.s32 @!p0 s3, s7;
	s7 =	simm.s32 @!p0 $0x108  }
0x21: {  	s3 =	sadd.s32 s3, s9;
	s6 =	sadd.s32 @!p0 $0x88, s6;
	s7 =	simm.s32 @p2 $0x1082  }
0x22: {  	[simem:s7], [sflag:s8] =	dma.local @!p0 [hbm:s6], $0xF7A  }
0x23: {  	s9 =	sor.u32 $0xD0000000, s2;
	s6 =	simm.s32 $0x108;
	_ =	swait.ge @!p0 [sflag:s8], $0x0  }
0x24: {  	s3 =	sadd.s32 $0x88, s3;
	s6 =	simm.s32 @!p1 $0x1082;
	[sflag:s4] =	ssyncset.s32 $0xFFFFF086  }
0x25: {  	[simem:s6], [sflag:s4] =	dma.local [hbm:s3], $0xF7A  }
0x26: {  	[smem:$0x3F9F] =	sst s1;
	(tag) =	ssettag s2;
	_ =	strace s9  }
0x27: {  	s1 =	sld [smem:$0x3FAF]  }
0x28: {  	s2 =	sld [smem:$0x3FB0]  }
0x29: {  	s4 =	sld [smem:$0x3FB2]  }
0x2a: {  	p0 =	seq.s32 s5, $0x0;
	s5 =	sld [smem:$0x3FB3]  }
0x2b: {  	s6 =	sld [smem:$0x3FB4]  }
0x2c: {  	s7 =	sld [smem:$0x3FB5]  }
0x2d: {  	s3 =	simm.s32 $0x108;
	s8 =	sld [smem:$0x3FB6]  }
0x2e: {  	s3 =	simm.s32 @!p0 $0x1082;
	s9 =	sld [smem:$0x3FB7]  }
0x2f: {  	lr =	sadd.s32 s0, s3;
	s0 =	sld [smem:$0x3FAE]  }
0x30: {  	s3 =	sld [smem:$0x3FB1]  }
0x31: {  	[smem:$0x3FBA] =	sst s10  }
0x32: {  	s10 =	sld [smem:$0x3FB8];
	_ =	sdelay $0x3  }
0x33: {  	p0 =	seq.s32 s10, $0x1;
	s10 =	sld [smem:$0x3FBA];
	_ =	sdelay $0x3  }
0x34: {  	[smem:$0x3FBA] =	sst s10  }
0x35: {  	s10 =	sld [smem:$0x3FB9];
	_ =	sdelay $0x3  }
0x36: {  	p1 =	seq.s32 s10, $0x1;
	s10 =	sld [smem:$0x3FBA];
	_ =	sdelay $0x3  }
0x37: {  	[smem:$0x3FBA] =	sst s10  }
0x38: {  	s10 =	sld [smem:$0x3FBB]  }
0x39: {  	_ = 	snop;
	(pc) =	sbr.ind lr, $3  }
0x3a: {  	_ = 	snop  }
0x3b: {  	_ = 	snop  }
0x3c: {  	p2 =	seq.s32 s10, $0x1;
	s10 =	sld [smem:$0x3FBA]  }
0x3d: {  	_ =	shalt  }
0x3e: {  	_ =	shalt  }
0x3f: {  	_ =	shalt  }
0x40: {  	_ =	shalt  }
0x41: {  	_ =	shalt  }
0x42: {  	_ =	shalt  }
0x43: {  	_ =	shalt  }
0x44: {  	_ =	shalt  }
0x45: {  	_ =	shalt  }
0x46: {  	_ =	shalt  }
0x47: {  	_ =	shalt  }
0x48: {  	_ =	shalt  }
0x49: {  	_ =	shalt  }
0x4a: {  	_ =	shalt  }
0x4b: {  	_ =	shalt  }
0x4c: {  	_ =	shalt  }
0x4d: {  	_ =	shalt  }
0x4e: {  	_ =	shalt  }
0x4f: {  	_ =	shalt  }
0x50: {  	_ =	shalt  }
0x51: {  	_ =	shalt  }
0x52: {  	_ =	shalt  }
0x53: {  	_ =	shalt  }
0x54: {  	_ =	shalt  }
0x55: {  	_ =	shalt  }
0x56: {  	_ =	shalt  }
0x57: {  	_ =	shalt  }
0x58: {  	_ =	shalt  }
0x59: {  	_ =	shalt  }
0x5a: {  	_ =	shalt  }
0x5b: {  	_ =	shalt  }
0x5c: {  	_ =	shalt  }
0x5d: {  	_ =	shalt  }
0x5e: {  	_ =	shalt  }
0x5f: {  	_ =	shalt  }
0x60: {  	_ =	shalt  }
0x61: {  	_ =	shalt  }
0x62: {  	_ =	shalt  }
0x63: {  	_ =	shalt  }
0x64: {  	_ =	shalt  }
0x65: {  	_ =	shalt  }
0x66: {  	_ =	shalt  }
0x67: {  	_ =	shalt  }
0x68: {  	_ =	shalt  }
0x69: {  	_ =	shalt  }
0x6a: {  	_ =	shalt  }
0x6b: {  	_ =	shalt  }
0x6c: {  	_ =	shalt  }
0x6d: {  	_ =	shalt  }
0x6e: {  	_ =	shalt  }
0x6f: {  	_ =	shalt  }
0x70: {  	_ =	shalt  }
0x71: {  	_ =	shalt  }
0x72: {  	_ =	shalt  }
0x73: {  	_ =	shalt  }
0x74: {  	_ =	shalt  }
0x75: {  	_ =	shalt  }
0x76: {  	_ =	shalt  }
0x77: {  	_ =	shalt  }
0x78: {  	_ =	shalt  }
0x79: {  	_ =	shalt  }
0x7a: {  	_ =	shalt  }
0x7b: {  	_ =	shalt  }
0x7c: {  	_ =	shalt  }
0x7d: {  	_ =	shalt  }
0x7e: {  	_ =	shalt  }
0x7f: {  	_ =	shalt  }
0x80: {  	_ =	shalt  }
0x81: {  	_ =	shalt  }
0x82: {  	_ =	shalt  }
0x83: {  	_ =	shalt  }
0x84: {  	_ =	shalt  }
0x85: {  	_ =	shalt  }
0x86: {  	_ =	shalt  }
0x87: {  	_ =	shalt  }
.Lfunc_end0:
.L_simem_size_0:
called_computation_lowered:
.L_overlay_start_0:
0x88: {  	s2 =	sld [smem:$0x3FD9]  }
0x89: {  	s3 =	sld [smem:$0x3FFE];
	_ =	sdelay $0x1  }
0x8a: {  	s1 =	srdreg.scid  }
0x8b: {  	s0 =	sand.u32 $0x1, s1  }
0x8c: {  	s17 =	sshll.u32 s0, $0xA;
	s2 =	sadd.s32 s3, s2  }
0x8d: {  	s2 =	sadd.s32 s2, s17  }
0x8e: {  	[smem:$0x3FC6] =	sst s2  }
0x8f: {  	_ = 	snop  }
0x90: {  	s2 =	sld [smem:$0x3FC9];
	(tm) =	ssettm $0x1  }
0x91: {  	s18 =	sld [smem:$0x3FFB];
	_ =	sdelay $0x3  }
0x92: {  	_ =	strace s18  }
0x93: {  	s3 =	sld [smem:$0x3FFC];
	_ =	sdelay $0x3  }
0x94: {  	_ =	strace s3  }
0x95: {  	s3 =	sld [smem:$0x3FFD];
	_ =	sdelay $0x3  }
0x96: {  	_ =	strace s3  }
0x97: {  	_ =	strace $0x8FFFFFFF  }
0x98: {  	s19 =	sld [smem:$0x3FDB];
	_ =	sdelay $0x1  }
0x99: {  	s4 =	simm.s32 $_scs_section_size  }
0x9a: {  	s5 =	simm.s32 $_size__tile_overlayer_lowered;
	s6 =	simm.s32 $_tile_overlayer_lowered  }
0x9b: {  	s22 =	simm.s32 $0x1BFF;
	s21 =	sshll.u32 s6, $0x1;
	s3 =	sadd.s32 s4, s19  }
0x9c: {  	s7 =	simm.s32 $0x0;
	s20 =	sshll.u32 s5, $0x1;
	s5 =	sadd.s32 s21, s3  }
0x9d: {  	[timem:s7], [sflag:s22] =	dma.local [hbm:s5], s20  }
0x9e: {  	_ =	swait.ge [sflag:s22], s20  }
0x9f: {  	s4 =	ssub.s32 $0x0, s20;
	[sflag:s22] =	ssyncset.done $0x0  }
0xa0: {  	[sflag:s22] =	ssyncadd.s32 s4;
	_ =	sdelay $0x1  }
0xa1: {  	s23 =	simm.s32 $0x1B8B  }
0xa2: {  	_ =	swait.ge [sflag:s23], $0x1  }
0xa3: {  	[sflag:s23] =	ssyncset.done $0x0  }
0xa4: {  	s25 =	simm.s32 $0x1B8E;
	s24 =	sld [smem:$0x3FFE];
	[sflag:s23] =	ssyncadd.s32 $0xFFFFFFFF  }
0xa5: {  	s26 =	simm.s32 $execute0_lowered;
	[smem:$0x3FD2] =	sst s25  }
0xa6: {  	s5 =	sshll.u32 s26, $0x1;
	_ =	strace $0x80000046;
	[dreg:$0x1] =	wrdreg $0xFFFFFFFF  }
0xa7: {  	s28 =	simm.s32 $_size_execute0_lowered;
	s3 =	sadd.s32 s3, s5;
	[dreg:$0x0] =	wrdreg $0x0  }
0xa8: {  	s5 =	sshll.u32 s28, $0x1;
	[dreg:$0x2] =	wrdreg s3  }
0xa9: {  	[dreg:$0x3] =	wrdreg s5  }
0xaa: {  	[dreg:$0x4] =	wrdreg $0xC0  }
0xab: {  	_ =	task [dreg:s7], $0x5FFFF  }
0xac: {  	[dreg:$0x1] =	wrdreg $0xFFFFFFFF  }
0xad: {  	[dreg:$0x0] =	wrdreg $0x60  }
0xae: {  	[dreg:$0x2] =	wrdreg s2  }
0xaf: {  	[dreg:$0x3] =	wrdreg s24  }
0xb0: {  	[dreg:$0x4] =	wrdreg $0x142800  }
0xb1: {  	[dreg:$0x5] =	wrdreg $0x182800  }
0xb2: {  	[dreg:$0x6] =	wrdreg $0x9  }
0xb3: {  	_ =	task.clear_ibuf [dreg:s7], $0x7FFFF;
	_ =	strace $0x90000046  }
0xb4: {  	s29 =	simm.s32 $0x9;
	_ =	strace $0x80000048  }
0xb5: {  	_ =	swait.ge [sflag:s29], $0x1  }
0xb6: {  	[sflag:s29] =	ssyncadd.s32 $0xFFFFFFFF  }
0xb7: {  	_ =	strace $0x90000048  }
0xb8: {  	_ =	sfence  }
0xb9: {  	s30 =	sld [smem:$0x0];
	_ =	sdelay $0x2  }
0xba: {  	s31 =	sshll.u32 s1, $0xD;
	s1 =	sshrl.u32 s1, $0x2  }
0xbb: {  	s3 =	sand.u32 $0x4000, s31;
	s1 =	sadd.s32 s1, s30  }
0xbc: {  	s0 =	sor.u32 s3, s0;
	s1 =	sshll.u32 s1, $0x11  }
0xbd: {  	s0 =	sor.u32 s1, s0  }
0xbe: {  	s0 =	sadd.s32 $0x8F2B, s0  }
0xbf: {  	[sflag:s0] =	ssyncadd.remote.s32 $0x1  }
0xc0: {  	_ =	sfence.sel $0xFFFF  }
0xc1: {  	[dreg:$0x0] =	wrdreg $0xFFFFFFFF;
	(pc) =	sbr.abs _section_cstart, $3  }
0xc2: {  	[dreg:$0x1] =	wrdreg $0xFFFFFFFF  }
0xc3: {  	_ =	task.clear_ibuf [dreg:s7], $0x2FFFF;
	_ =	strace $0x9FFFFFFF  }
0xc4: {  	(tm) =	ssettm $0x7FFFFFFF  }
0xc5: {  	_ =	shalt  }
tec
execute0_lowered:
.L_overlay_start_1:
0x0: {  	(tag) =	ssettag $0x1  }
0x1: {  	s8 =	rddreg [dreg:$0x0]  }
0x2: {  	s4 =	rddreg [dreg:$0x1]  }
0x3: {  	s2 =	rddreg [dreg:$0x2]  }
0x4: {  	s3 =	rddreg [dreg:$0x3]  }
0x5: {  	s0 =	rddreg [dreg:$0x4];
	s5 =	srdreg.scid  }
0x6: {  	s7 =	stileid.u32;
	s1 =	simm.s32 $0x0;
	s14 =	simm.s32 $0x1  }
0x7: {  	p1 =	por $0x0, $0x0;
	s5 =	sand.u32 $0x1, s5;
	s6 =	sshll.u32 s7, $0x1  }
0x8: {  	[smem:$0x7FF] =	sst s1;
	s6 =	sor.u32 s5, s6;
	s5 =	ssub.s32 $0x2, s5  }
0x9: {  	s15 =	sadd.s32 $0x1200, s4;
	s10 =	sadd.s32 $0xA200, s4;
	s13 =	sshrl.u32 s5, $0x1  }
0xa: {  	s11 =	sadd.s32 $0x5A200, s4;
	p0 =	sne.s32 s7, $0x0;
	s5 =	ssub.s32 s5, s13  }
0xb: {  	s7 =	simm.s32 $0xA280;
	s9 =	smul.u32 $0x280, s6;
	s31 =	smax.u32 s5, $0x1  }
0xc: {  	_ =	strace $0x80000047;
	s12 =	smul.u32 $0x14000, s6;
	s21 =	sadd.s32 $0xFFFFFFFF, s31  }
0xd: {  	s18 =	sshrl.u32 @!p0 s2, $0x3;
	s6 =	smul.u32 $0x2800, s6;
	p2 =	sne.s32 s21, $0x0  }
.Ltmp0:
0xe: {  	s17 =	sshrl.u32 @!p0 s3, $0x3;
	s9 =	sshrl.u32 s9, $0x3;
	(pc) =	sbr.rel @!p2 .LBB2_3-.Ltmp0, $4  }
0xf: {  	s30 =	sshrl.u32 s12, $0x3;
	s13 =	sadd.s32 s10, s6;
	s4 =	sadd.s32 s4, s9  }
0x10: {  	s5 =	simm.s32 $0x3;
	s16 =	sadd.s32 $0x9300, s4;
	s4 =	sadd.s32 $0x1400, s30  }
0x11: {  	s12 =	simm.s32 $0x140;
	s9 =	sadd.s32 s11, s6;
	s6 =	sadd.s32 s10, s4  }
0x12: {  	s4 =	sadd.s32 s11, s4;
	s11 =	simm.s32 $0x280;
	s10 =	simm.s32 $0x2  }
0x13: {  	s19 =	simm.s32 @!p0 $0x1C03;
	s20 =	simm.s32 @!p0 $0x3  }
0x14: {  	[spmem:s18], [sflag:s19] =	dma.local @!p0 [hbm:s8], $0x8000  }
0x15: {  	_ =	swait.ge @!p0 [sflag:s20], $0x8000  }
0x16: {  	[sflag:s20] =	ssyncset.done @!p0 $0x0  }
0x17: {  	[sflag:s20] =	ssyncadd.s32 @!p0 $0xFFFF8000  }
0x18: {  	[spmem:s17], [sflag:s19] =	dma.local @!p0 [hbm:s15], $0x8000  }
0x19: {  	_ =	swait.ge @!p0 [sflag:s20], $0x8000  }
0x1a: {  	[sflag:s20] =	ssyncset.done @!p0 $0x0  }
0x1b: {  	[sflag:s20] =	ssyncadd.s32 @!p0 $0xFFFF8000  }
0x1c: {  	[tilespmem:s1], [sflag:$0x3] =	stream.linear.gather [hbm4b:s16+s1], $0x280, $0x38;
	[tilespmem:$0x1C280] =	vst v63  }
0x1d: {  	_ =	swait.ge [sflag:s5], $0x280  }
0x1e: {  	[sflag:s5] =	ssyncset.done $0x0  }
0x1f: {  	[sflag:s5] =	ssyncadd.s32 $0xFFFFFD80  }
0x20: {  	[bflag:$0x0] =	sbarrier.arrive $0xFFFF  }
0x21: {  	[tilespmem:s11], [sflag:$0x1] =	stream.indirect.gather [spmem:s2], $0x80, s1, s12, $0xb8;
	[tilespmem:$0x1C280] =	vst v63  }
0x22: {  	_ = 	snop  }
0x23: {  	[tilespmem:s7], [sflag:$0x2] =	stream.indirect.gather [spmem:s3], $0x80, s1, s12, $0xb8;
	[tilespmem:$0x1C280] =	vst v63  }
0x24: {  	_ =	swait.ge [sflag:s14], $0xA000  }
0x25: {  	[sflag:s14] =	ssyncset.done $0x0  }
0x26: {  	[sflag:s14] =	ssyncadd.s32 $0xFFFF6000  }
0x27: {  	[hbm4b:s13+s1] =	stream.linear.scatter [tilespmem:s11], [sflag:$0x3], $0xA000, $0x38;
	[tilespmem:$0x1C280] =	vst v63  }
0x28: {  	_ =	swait.ge [sflag:s5], $0xA000  }
0x29: {  	[sflag:s5] =	ssyncset.done $0x0  }
0x2a: {  	[sflag:s5] =	ssyncadd.s32 $0xFFFF6000  }
0x2b: {  	_ =	swait.ge [sflag:s10], $0xA000  }
0x2c: {  	[sflag:s10] =	ssyncset.done $0x0  }
0x2d: {  	[sflag:s10] =	ssyncadd.s32 $0xFFFF6000  }
0x2e: {  	[hbm4b:s9+s1] =	stream.linear.scatter [tilespmem:s7], [sflag:$0x3], $0xA000, $0x38;
	[tilespmem:$0x1C280] =	vst v63  }
0x2f: {  	_ =	swait.ge [sflag:s5], $0xA000  }
0x30: {  	[sflag:s5] =	ssyncset.done $0x0  }
0x31: {  	[sflag:s5] =	ssyncadd.s32 $0xFFFF6000  }
0x32: {  	[tilespmem:s11], [sflag:$0x1] =	stream.indirect.gather [spmem:s2], $0x80, s12, s12, $0xb8;
	[tilespmem:$0x1C280] =	vst v63  }
0x33: {  	_ = 	snop  }
0x34: {  	[tilespmem:s7], [sflag:$0x2] =	stream.indirect.gather [spmem:s3], $0x80, s12, s12, $0xb8;
	[tilespmem:$0x1C280] =	vst v63  }
0x35: {  	_ =	swait.ge [sflag:s14], $0xA000  }
0x36: {  	[sflag:s14] =	ssyncset.done $0x0  }
0x37: {  	[sflag:s14] =	ssyncadd.s32 $0xFFFF6000  }
0x38: {  	[hbm4b:s6+s1] =	stream.linear.scatter [tilespmem:s11], [sflag:$0x3], $0xA000, $0x38;
	[tilespmem:$0x1C280] =	vst v63  }
0x39: {  	_ =	swait.ge [sflag:s5], $0xA000  }
0x3a: {  	[sflag:s5] =	ssyncset.done $0x0  }
0x3b: {  	s21 =	sadd.s32 $0xFFFFFFFF, s21;
	[sflag:s5] =	ssyncadd.s32 $0xFFFF6000  }
0x3c: {  	p2 =	sne.s32 s21, $0x0;
	_ =	swait.ge [sflag:s10], $0xA000  }
.Ltmp1:
0x3d: {  	[sflag:s10] =	ssyncset.done $0x0;
	(pc) =	sbr.rel @!p2 .LBB2_3-.Ltmp1, $4  }
0x3e: {  	[sflag:s10] =	ssyncadd.s32 $0xFFFF6000  }
0x3f: {  	[hbm4b:s4+s1] =	stream.linear.scatter [tilespmem:s7], [sflag:$0x3], $0xA000, $0x38;
	[tilespmem:$0x1C280] =	vst v63  }
0x40: {  	_ =	swait.ge [sflag:s5], $0xA000  }
0x41: {  	p1 =	por $0x1, $0x1;
	[sflag:s5] =	ssyncset.done $0x0  }
.LBB2_2:
0x42: {  	[sflag:s5] =	ssyncadd.s32 $0xFFFF6000  }
0x43: {  	[spmem:s18], [sflag:s19] =	dma.local @!p0 [hbm:s8], $0x8000  }
0x44: {  	s21 =	sadd.s32 $0xFFFFFFFF, s21;
	_ =	swait.ge @!p0 [sflag:s20], $0x8000  }
0x45: {  	p2 =	sne.s32 s21, $0x0;
	[sflag:s20] =	ssyncset.done @!p0 $0x0  }
0x46: {  	[sflag:s20] =	ssyncadd.s32 @!p0 $0xFFFF8000  }
0x47: {  	[spmem:s17], [sflag:s19] =	dma.local @!p0 [hbm:s15], $0x8000  }
0x48: {  	_ =	swait.ge @!p0 [sflag:s20], $0x8000  }
0x49: {  	[sflag:s20] =	ssyncset.done @!p0 $0x0  }
0x4a: {  	[sflag:s20] =	ssyncadd.s32 @!p0 $0xFFFF8000  }
0x4b: {  	[tilespmem:s1], [sflag:$0x3] =	stream.linear.gather [hbm4b:s16+s1], $0x280, $0x38;
	[tilespmem:$0x1C280] =	vst v63  }
0x4c: {  	_ =	swait.ge [sflag:s5], $0x280  }
0x4d: {  	[sflag:s5] =	ssyncset.done $0x0  }
0x4e: {  	[sflag:s5] =	ssyncadd.s32 $0xFFFFFD80  }
0x4f: {  	[bflag:$0x0] =	sbarrier.arrive $0xFFFF  }
0x50: {  	[tilespmem:s11], [sflag:$0x1] =	stream.indirect.gather [spmem:s2], $0x80, s1, s12, $0xb8;
	[tilespmem:$0x1C280] =	vst v63  }
0x51: {  	_ = 	snop  }
0x52: {  	[tilespmem:s7], [sflag:$0x2] =	stream.indirect.gather [spmem:s3], $0x80, s1, s12, $0xb8;
	[tilespmem:$0x1C280] =	vst v63  }
0x53: {  	_ =	swait.ge [sflag:s14], $0xA000  }
0x54: {  	[sflag:s14] =	ssyncset.done $0x0  }
0x55: {  	[sflag:s14] =	ssyncadd.s32 $0xFFFF6000  }
0x56: {  	[hbm4b:s13+s1] =	stream.linear.scatter [tilespmem:s11], [sflag:$0x3], $0xA000, $0x38;
	[tilespmem:$0x1C280] =	vst v63  }
0x57: {  	_ =	swait.ge [sflag:s5], $0xA000  }
0x58: {  	[sflag:s5] =	ssyncset.done $0x0  }
0x59: {  	[sflag:s5] =	ssyncadd.s32 $0xFFFF6000  }
0x5a: {  	_ =	swait.ge [sflag:s10], $0xA000  }
0x5b: {  	[sflag:s10] =	ssyncset.done $0x0  }
0x5c: {  	[sflag:s10] =	ssyncadd.s32 $0xFFFF6000  }
0x5d: {  	[hbm4b:s9+s1] =	stream.linear.scatter [tilespmem:s7], [sflag:$0x3], $0xA000, $0x38;
	[tilespmem:$0x1C280] =	vst v63  }
0x5e: {  	_ =	swait.ge [sflag:s5], $0xA000  }
0x5f: {  	[sflag:s5] =	ssyncset.done $0x0  }
0x60: {  	[sflag:s5] =	ssyncadd.s32 $0xFFFF6000  }
0x61: {  	[tilespmem:s11], [sflag:$0x1] =	stream.indirect.gather [spmem:s2], $0x80, s12, s12, $0xb8;
	[tilespmem:$0x1C280] =	vst v63  }
0x62: {  	_ = 	snop  }
0x63: {  	[tilespmem:s7], [sflag:$0x2] =	stream.indirect.gather [spmem:s3], $0x80, s12, s12, $0xb8;
	[tilespmem:$0x1C280] =	vst v63  }
0x64: {  	_ =	swait.ge [sflag:s14], $0xA000  }
0x65: {  	[sflag:s14] =	ssyncset.done $0x0  }
0x66: {  	[sflag:s14] =	ssyncadd.s32 $0xFFFF6000  }
0x67: {  	[hbm4b:s6+s1] =	stream.linear.scatter [tilespmem:s11], [sflag:$0x3], $0xA000, $0x38;
	[tilespmem:$0x1C280] =	vst v63  }
0x68: {  	_ =	swait.ge [sflag:s5], $0xA000  }
0x69: {  	[sflag:s5] =	ssyncset.done $0x0  }
0x6a: {  	[sflag:s5] =	ssyncadd.s32 $0xFFFF6000  }
0x6b: {  	_ =	swait.ge [sflag:s10], $0xA000  }
.Ltmp2:
0x6c: {  	[sflag:s10] =	ssyncset.done $0x0;
	(pc) =	sbr.rel @p2 .LBB2_2-.Ltmp2, $4  }
0x6d: {  	[sflag:s10] =	ssyncadd.s32 $0xFFFF6000  }
0x6e: {  	[hbm4b:s4+s1] =	stream.linear.scatter [tilespmem:s7], [sflag:$0x3], $0xA000, $0x38;
	[tilespmem:$0x1C280] =	vst v63  }
0x6f: {  	_ =	swait.ge [sflag:s5], $0xA000  }
0x70: {  	[sflag:s5] =	ssyncset.done $0x0  }
.LBB2_3:
0x71: {  	s19 =	simm.s32 @!p0 $0x1C03;
	s20 =	simm.s32 @!p0 $0x3;
	[sflag:s5] =	ssyncadd.s32 @p1 $0xFFFF6000  }
0x72: {  	[spmem:s18], [sflag:s19] =	dma.local @!p0 [hbm:s8], $0x8000  }
0x73: {  	_ =	swait.ge @!p0 [sflag:s20], $0x8000  }
0x74: {  	[sflag:s20] =	ssyncset.done @!p0 $0x0  }
0x75: {  	[sflag:s20] =	ssyncadd.s32 @!p0 $0xFFFF8000  }
0x76: {  	[spmem:s17], [sflag:s19] =	dma.local @!p0 [hbm:s15], $0x8000  }
0x77: {  	_ =	swait.ge @!p0 [sflag:s20], $0x8000  }
0x78: {  	[sflag:s20] =	ssyncset.done @!p0 $0x0  }
0x79: {  	[sflag:s20] =	ssyncadd.s32 @!p0 $0xFFFF8000  }
0x7a: {  	[tilespmem:s1], [sflag:$0x3] =	stream.linear.gather [hbm4b:s16+s1], $0x280, $0x38;
	[tilespmem:$0x1C280] =	vst v63  }
0x7b: {  	_ =	swait.ge [sflag:s5], $0x280  }
0x7c: {  	[sflag:s5] =	ssyncset.done $0x0  }
0x7d: {  	[sflag:s5] =	ssyncadd.s32 $0xFFFFFD80  }
0x7e: {  	[bflag:$0x0] =	sbarrier.arrive $0xFFFF  }
0x7f: {  	[tilespmem:s11], [sflag:$0x1] =	stream.indirect.gather [spmem:s2], $0x80, s1, s12, $0xb8;
	[tilespmem:$0x1C280] =	vst v63  }
0x80: {  	_ = 	snop  }
0x81: {  	[tilespmem:s7], [sflag:$0x2] =	stream.indirect.gather [spmem:s3], $0x80, s1, s12, $0xb8;
	[tilespmem:$0x1C280] =	vst v63  }
0x82: {  	_ =	swait.ge [sflag:s14], $0xA000  }
0x83: {  	[sflag:s14] =	ssyncset.done $0x0  }
0x84: {  	[sflag:s14] =	ssyncadd.s32 $0xFFFF6000  }
0x85: {  	[hbm4b:s13+s1] =	stream.linear.scatter [tilespmem:s11], [sflag:$0x3], $0xA000, $0x38;
	[tilespmem:$0x1C280] =	vst v63  }
0x86: {  	_ =	swait.ge [sflag:s5], $0xA000  }
0x87: {  	[sflag:s5] =	ssyncset.done $0x0  }
0x88: {  	[sflag:s5] =	ssyncadd.s32 $0xFFFF6000  }
0x89: {  	_ =	swait.ge [sflag:s10], $0xA000  }
0x8a: {  	[sflag:s10] =	ssyncset.done $0x0  }
0x8b: {  	[sflag:s10] =	ssyncadd.s32 $0xFFFF6000  }
0x8c: {  	[hbm4b:s9+s1] =	stream.linear.scatter [tilespmem:s7], [sflag:$0x3], $0xA000, $0x38;
	[tilespmem:$0x1C280] =	vst v63  }
0x8d: {  	_ =	swait.ge [sflag:s5], $0xA000  }
0x8e: {  	[sflag:s5] =	ssyncset.done $0x0  }
0x8f: {  	[sflag:s5] =	ssyncadd.s32 $0xFFFF6000  }
0x90: {  	[tilespmem:s11], [sflag:$0x1] =	stream.indirect.gather [spmem:s2], $0x80, s12, s12, $0xb8;
	[tilespmem:$0x1C280] =	vst v63  }
0x91: {  	_ = 	snop  }
0x92: {  	[tilespmem:s7], [sflag:$0x2] =	stream.indirect.gather [spmem:s3], $0x80, s12, s12, $0xb8;
	[tilespmem:$0x1C280] =	vst v63  }
0x93: {  	_ =	swait.ge [sflag:s14], $0xA000  }
0x94: {  	[sflag:s14] =	ssyncset.done $0x0  }
0x95: {  	[sflag:s14] =	ssyncadd.s32 $0xFFFF6000  }
0x96: {  	[hbm4b:s6+s1] =	stream.linear.scatter [tilespmem:s11], [sflag:$0x3], $0xA000, $0x38;
	[tilespmem:$0x1C280] =	vst v63  }
0x97: {  	_ =	swait.ge [sflag:s5], $0xA000  }
0x98: {  	[sflag:s5] =	ssyncset.done $0x0  }
0x99: {  	[sflag:s5] =	ssyncadd.s32 $0xFFFF6000  }
0x9a: {  	_ =	swait.ge [sflag:s10], $0xA000  }
0x9b: {  	[sflag:s10] =	ssyncset.done $0x0  }
0x9c: {  	[sflag:s10] =	ssyncadd.s32 $0xFFFF6000  }
0x9d: {  	[hbm4b:s4+s1] =	stream.linear.scatter [tilespmem:s7], [sflag:$0x3], $0xA000, $0x38;
	[tilespmem:$0x1C280] =	vst v63  }
0x9e: {  	_ =	swait.ge [sflag:s5], $0xA000  }
0x9f: {  	[sflag:s5] =	ssyncset.done $0x0  }
0xa0: {  	[sflag:s5] =	ssyncadd.s32 $0xFFFF6000  }
0xa1: {  	_ =	sfence.sel $0x180000  }
0xa2: {  	[bflag:$0x0] =	sbarrier.arrive $0xFFFF  }
0xa3: {  	_ =	strace $0x90000047  }
0xa4: {  	s0 =	sadd.s32 @!p0 $0x100000, s0;
	[bflag:$0x2] =	sbarrier.arrive $0xFFFF  }
0xa5: {  	[sflag:s0] =	ssyncadd.tile.s32 @!p0 $0x1;
	_ =	shalt  }
.Lfunc_end2:
_tile_overlayer_lowered:
.L_overlay_start_2:
0xa6: {  	(tag) =	ssettag $0x2  }
0xa7: {  	s0 =	rddreg [dreg:$0x0];
	s2 =	stileid.u32  }
0xa8: {  	s1 =	rddreg [dreg:$0x1];
	p0 =	sne.s32 s2, $0x0  }
0xa9: {  	s3 =	rddreg [dreg:$0x2];
	[bflag:$0x3] =	sbarrier.arrive $0xFFFF;
	s2 =	simm.s32 @!p0 $0x1C03  }
0xaa: {  	[timem:s3], [sflag:s2] =	dma.local @!p0 [hbm:s0], s1  }
0xab: {  	s0 =	simm.s32 @!p0 $0x3  }
0xac: {  	_ =	swait.ge @!p0 [sflag:s0], s1  }
0xad: {  	s1 =	ssub.s32 @!p0 $0x0, s1;
	[sflag:s0] =	ssyncset.done @!p0 $0x0  }
0xae: {  	[sflag:s0] =	ssyncadd.s32 @!p0 s1  }
0xaf: {  	[bflag:$0x3] =	sbarrier.arrive $0xFFFF  }
0xb0: {  	_ =	shalt  }

</sc_bundles>
